<compile_context>
chip_gen: v7x
topology: tpu7x:2x2x1
jax: 0.10.2.dev20260603
libtpu: 0.0.44.dev20260713+nightly
codegen_flags: <defaults>
</compile_context>

<pallas_src>
import functools

import jax
import jax.numpy as jnp
import numpy as np
from jax import lax
from jax.experimental import pallas as pl
from jax.experimental.pallas import tpu as pltpu
from jax.experimental.pallas import tpu_sc as plsc

_MATCH = 4
_L = 16

_GATHER_DNUMS = lax.GatherDimensionNumbers(
    offset_dims=(), collapsed_slice_dims=(0,), start_index_map=(0,)
)


def _lane_shuffle(x, perm):
    return lax.gather(
        x,
        perm[:, None],
        _GATHER_DNUMS,
        slice_sizes=(1,),
        mode=lax.GatherScatterMode.PROMISE_IN_BOUNDS,
    )


def _cxcywh(x):
    x0, y0, x1, y1 = jnp.split(x, 4, axis=-1)
    return jnp.concatenate(
        [(x0 + x1) / 2.0, (y0 + y1) / 2.0, x1 - x0, y1 - y0], axis=-1
    )


def _sc_body(nq, ncol, anch_hbm, tgt_hbm, out_hbm, coords_v, tgt_v, out_v):
    nchunk = nq // _L
    cid = lax.axis_index("c")
    sid = lax.axis_index("s")
    wid = sid * 2 + cid
    b = wid // 4
    sub = wid % 4

    pltpu.sync_copy(anch_hbm, coords_v)
    pltpu.sync_copy(tgt_hbm.at[b, sub], tgt_v)

    lane = lax.broadcasted_iota(jnp.int32, (_L,), 0)
    inf = jnp.float32(jnp.inf)
    trow0 = tgt_v[0]
    trow1 = tgt_v[1]
    trow2 = tgt_v[2]
    trow3 = tgt_v[3]

    def per_target(c, acc):
        t0 = trow0[c]
        t1 = trow1[c]
        t2 = trow2[c]
        t3 = trow3[c]

        def scan_chunk(i, carry):
            m0, m1, m2, m3, j0, j1, j2, j3, idx = carry
            s = pl.ds(i * _L, _L)
            v = jnp.abs(coords_v[0, s] - t0)
            v = v + jnp.abs(coords_v[1, s] - t1)
            v = v + jnp.abs(coords_v[2, s] - t2)
            v = v + jnp.abs(coords_v[3, s] - t3)
            b0 = v < m0
            b1 = v < m1
            b2 = v < m2
            b3 = v < m3
            m3 = jnp.where(b3, jnp.where(b2, m2, v), m3)
            j3 = jnp.where(b3, jnp.where(b2, j2, idx), j3)
            m2 = jnp.where(b2, jnp.where(b1, m1, v), m2)
            j2 = jnp.where(b2, jnp.where(b1, j1, idx), j2)
            m1 = jnp.where(b1, jnp.where(b0, m0, v), m1)
            j1 = jnp.where(b1, jnp.where(b0, j0, idx), j1)
            m0 = jnp.where(b0, v, m0)
            j0 = jnp.where(b0, idx, j0)
            return (m0, m1, m2, m3, j0, j1, j2, j3, idx + _L)

        finf = jnp.full((_L,), inf)
        zi = jnp.zeros((_L,), jnp.int32)
        m0, m1, m2, m3, j0, j1, j2, j3, _ = lax.fori_loop(
            0, nchunk, scan_chunk,
            (finf, finf, finf, finf, zi, zi, zi, zi, lane),
        )

        for r in range(_MATCH):
            gv, gj = m0, j0
            for off in (8, 4, 2, 1):
                perm = lane ^ off
                pv = _lane_shuffle(gv, perm)
                pj = _lane_shuffle(gj, perm)
                pick = (pv < gv) | ((pv == gv) & (pj < gj))
                gv = jnp.where(pick, pv, gv)
                gj = jnp.where(pick, pj, gj)
            hit = (m0 == gv) & (j0 == gj)
            m0 = jnp.where(hit, m1, m0)
            j0 = jnp.where(hit, j1, j0)
            m1 = jnp.where(hit, m2, m1)
            j1 = jnp.where(hit, j2, j1)
            m2 = jnp.where(hit, m3, m2)
            j2 = jnp.where(hit, j3, j2)
            m3 = jnp.where(hit, inf, m3)
            acc = tuple(
                jnp.where(lane == c, gj, acc[q]) if q == r else acc[q]
                for q in range(_MATCH)
            )
        return acc

    zacc = jnp.zeros((_L,), jnp.int32)
    acc = (zacc,) * _MATCH
    for c in range(ncol):
        acc = per_target(c, acc)
    for r in range(_MATCH):
        out_v[r] = acc[r]
    pltpu.sync_copy(out_v, out_hbm.at[b, sub])


def _tc_body(nq, nt, nb, nca, pred_ref, anch_ref, tgt_ref, out_ref):
    nrow = nt + nca
    t = tgt_ref[0]
    a0 = anch_ref[0:1, :]
    a1 = anch_ref[1:2, :]
    a2 = anch_ref[2:3, :]
    a3 = anch_ref[3:4, :]
    drows = []
    for i in range(nb):
        x0 = pred_ref[0, 4 * i + 0:4 * i + 1, :]
        y0 = pred_ref[0, 4 * i + 1:4 * i + 2, :]
        x1 = pred_ref[0, 4 * i + 2:4 * i + 3, :]
        y1 = pred_ref[0, 4 * i + 3:4 * i + 4, :]
        cx, cy = (x0 + x1) / 2.0, (y0 + y1) / 2.0
        w, h = x1 - x0, y1 - y0
        ts = t[i * nrow:i * nrow + nt, :]
        d = jnp.abs(cx - ts[:, 0:1]) + jnp.abs(cy - ts[:, 1:2])
        d = d + jnp.abs(w - ts[:, 2:3]) + jnp.abs(h - ts[:, 3:4])
        drows.append(d)
        ta = t[i * nrow + nt:(i + 1) * nrow, :]
        da = jnp.abs(a0 - ta[:, 0:1]) + jnp.abs(a1 - ta[:, 1:2])
        da = da + jnp.abs(a2 - ta[:, 2:3]) + jnp.abs(a3 - ta[:, 3:4])
        drows.append(da)
    d = jnp.concatenate(drows, axis=0)
    qio = jax.lax.broadcasted_iota(jnp.int32, (nb * nrow, nq), 1)
    ams = []
    for m in range(_MATCH):
        mn = jnp.min(d, axis=1, keepdims=True)
        am = jnp.min(jnp.where(d == mn, qio, nq), axis=1, keepdims=True)
        ams.append(am)
        if m + 1 < _MATCH:
            d = jnp.where(qio == am, jnp.float32(jnp.inf), d)
    out_ref[0] = jnp.concatenate(ams, axis=1)


def kernel(img_size, pred_boxes, anchor_boxes, tgt_boxes):
    bs, nq = pred_boxes.shape[:2]
    nt = tgt_boxes.shape[1]
    nsc = 5
    nca = nt - 4 * nsc

    anch_t = anchor_boxes.transpose(1, 0)
    tgt_c = _cxcywh(tgt_boxes.reshape(bs * nt, 4) * img_size).reshape(bs, nt, 4)
    tgt_sc = (
        tgt_c[:, nca:, :].transpose(0, 2, 1)
        .reshape(bs, 4, 4, nsc).transpose(0, 2, 1, 3)
    )
    pad = jnp.zeros((bs, 4, 4, _L - nsc), jnp.float32)
    tgt_sc = jnp.concatenate([tgt_sc, pad], axis=-1)

    mesh = plsc.VectorSubcoreMesh(core_axis_name="c", subcore_axis_name="s")
    out_sc = pl.kernel(
        functools.partial(_sc_body, nq, nsc),
        mesh=mesh,
        out_type=jax.ShapeDtypeStruct((bs, 4, _MATCH, _L), jnp.int32),
        scratch_types=[
            pltpu.VMEM((4, nq), jnp.float32),
            pltpu.VMEM((4, _L), jnp.float32),
            pltpu.VMEM((_MATCH, _L), jnp.int32),
        ],
    )(anch_t, tgt_sc)

    nb = 4
    nrow = nt + nca
    ngrid = bs // nb
    pred_tc = pred_boxes.transpose(0, 2, 1).reshape(ngrid, nb * 4, nq)
    tgt_tc = jnp.concatenate([tgt_c, tgt_c[:, :nca, :]], axis=1)
    tgt_tc = tgt_tc.reshape(ngrid, nb * nrow, 4)
    out_tc = pl.pallas_call(
        functools.partial(_tc_body, nq, nt, nb, nca),
        grid=(ngrid,),
        in_specs=[
            pl.BlockSpec((1, nb * 4, nq), lambda g: (g, 0, 0)),
            pl.BlockSpec((4, nq), lambda g: (0, 0)),
            pl.BlockSpec((1, nb * nrow, 4), lambda g: (g, 0, 0)),
        ],
        out_specs=pl.BlockSpec((1, nb * nrow, _MATCH), lambda g: (g, 0, 0)),
        out_shape=jax.ShapeDtypeStruct((ngrid, nb * nrow, _MATCH), jnp.int32),
    )(pred_tc, anch_t, tgt_tc)

    out_tc = (
        out_tc.reshape(ngrid, nb, nrow, _MATCH).transpose(0, 1, 3, 2)
        .reshape(bs, _MATCH, nrow)
    )
    pred_idx = out_tc[:, :, :nt]
    anch_tc = out_tc[:, :, nt:]
    anch_sc = (
        out_sc[:, :, :, :nsc].transpose(0, 2, 1, 3).reshape(bs, _MATCH, 4 * nsc)
    )
    I = jnp.concatenate([pred_idx, anch_tc, anch_sc], axis=2)
    I = I.reshape(bs, _MATCH * 2 * nt)
    j_np = np.tile(np.tile(np.arange(nt, dtype=np.int32), 2), _MATCH)
    J = jnp.asarray(np.tile(j_np[None, :], (bs, 1)))
    return (I, J)

# --- scband reference (transcript-rebuilt; emitter-appended) ---
"""Pipeline reference for scband-uniform-matcher-32298154066645 (READ-ONLY COPY).

The authoritative reference and input builder live on the scoring server;
editing this copy changes nothing except your own understanding.
"""

import jax, jax.numpy as jnp
import numpy as np

MATCH_TIMES = 4

def box_xyxy_to_cxcywh(x):
    x0, y0, x1, y1 = jnp.split(x, 4, axis=-1)
    return jnp.concatenate([(x0 + x1) / 2.0, (y0 + y1) / 2.0, x1 - x0, y1 - y0], axis=-1)

def cdist_l1(a, b):
    # a: [N, 4], b: [M, 4] -> [N, M] L1 distance, computed per-coordinate to limit memory
    out = jnp.zeros((a.shape[0], b.shape[0]), dtype=a.dtype)
    for k in range(a.shape[1]):
        out = out + jnp.abs(a[:, k][:, None] - b[:, k][None, :])
    return out

def setup_inputs(seed: int = 0) -> dict:
    key = jax.random.key(seed)
    k1, k2, k3 = jax.random.split(key, 3)
    bs, nq, nt = 8, 8192, 32
    pred_boxes = jax.random.uniform(k1, (bs, nq, 4), dtype=jnp.float32)
    anchor_boxes = jax.random.uniform(k2, (nq, 4), dtype=jnp.float32)
    tgt_boxes = jax.random.uniform(k3, (bs, nt, 4), dtype=jnp.float32)
    return {"img_size": 512, "pred_boxes": pred_boxes, "anchor_boxes": anchor_boxes, "tgt_boxes": tgt_boxes}

def reference(img_size, pred_boxes, anchor_boxes, tgt_boxes):
    match_times = MATCH_TIMES
    bs, nq = pred_boxes.shape[:2]
    nt = tgt_boxes.shape[1]
    out_bbox = pred_boxes.reshape(bs * nq, 4)
    anchors = jnp.tile(anchor_boxes[None], (bs, 1, 1)).reshape(bs * nq, 4)
    tgt = tgt_boxes.reshape(bs * nt, 4) * img_size
    tgt_c = box_xyxy_to_cxcywh(tgt)
    C = cdist_l1(box_xyxy_to_cxcywh(out_bbox), tgt_c).reshape(bs, nq, bs, nt)
    C1 = cdist_l1(anchors, tgt_c).reshape(bs, nq, bs, nt)
    bidx = jnp.arange(bs)
    Ci = C[bidx, :, bidx, :]    # [bs, nq, nt], per-image block of the cost matrix (== C.split(sizes,-1)[i][i])
    C1i = C1[bidx, :, bidx, :]
    # topk smallest over the query axis (torch.topk(..., dim=0, largest=False))
    _, idx = jax.lax.top_k(-jnp.transpose(Ci, (0, 2, 1)), match_times)    # [bs, nt, match_times]
    _, idx1 = jax.lax.top_k(-jnp.transpose(C1i, (0, 2, 1)), match_times)
    idx = jnp.transpose(idx, (0, 2, 1))      # [bs, match_times, nt]
    idx1 = jnp.transpose(idx1, (0, 2, 1))
    # per match_time row: concat(pred-matched queries, anchor-matched queries), then hstack over rows
    I = jnp.concatenate([idx, idx1], axis=2).reshape(bs, match_times * 2 * nt)
    j_row = jnp.tile(jnp.concatenate([jnp.arange(nt), jnp.arange(nt)]), match_times)
    J = jnp.tile(j_row[None, :], (bs, 1))
    return (I, J)

if __name__ == "__main__":
    import jax
    _d = setup_inputs()
    print(jax.jit(kernel)(*tuple(_d.values())))

</pallas_src>

<mosaic_0001>
#map = affine_map<(d0, d1) -> (0, 0)>
#map1 = affine_map<(d0, d1) -> (0, 0, 0, 0)>
module attributes {stable_mosaic.version = 14 : i64} {
  func.func @_sc_body(%arg0: i32, %arg1: i32, %arg2: memref<4x8192xf32, #tpu.memory_space<hbm>>, %arg3: memref<8x4x4x16xf32, #tpu.memory_space<hbm>>, %arg4: memref<8x4x4x16xi32, #tpu.memory_space<hbm>>, %arg5: memref<4x8192xf32, #tpu.memory_space<vmem>>, %arg6: memref<4x16xf32, #tpu.memory_space<vmem>>, %arg7: memref<4x16xi32, #tpu.memory_space<vmem>>) attributes {dimension_semantics = [#tpu.dimension_semantics<core_parallel>, #tpu.dimension_semantics<subcore_parallel>], iteration_bounds = array<i64: 2, 16>, scalar_prefetch = 0 : i64, scratch_operands = 3 : i64, tpu.core_type = #tpu.core_type<sc_vector_subcore>, window_params = [{transform_indices = #map}, {transform_indices = #map1}, {transform_indices = #map1}]} {
    %mul3A = arith.constant 2 : i32
    %mul3A_0 = arith.muli %arg1, %mul3A : i32
    %add3A = arith.addi %mul3A_0, %arg0 : i32
    %jit3A = arith.constant 4 : i32
    %div3A = arith.divsi %add3A, %jit3A : i32
    %sign3A = arith.constant 0 : i32
    %sign3A_1 = arith.cmpi sgt, %add3A, %sign3A : i32
    %sign3A_2 = arith.extui %sign3A_1 : i1 to i32
    %sign3A_3 = arith.constant 0 : i32
    %sign3A_4 = arith.cmpi slt, %add3A, %sign3A_3 : i32
    %sign3A_5 = arith.extui %sign3A_4 : i1 to i32
    %sign3A_6 = arith.subi %sign3A_2, %sign3A_5 : i32
    %sign3A_7 = arith.constant 0 : i32
    %sign3A_8 = arith.cmpi sgt, %jit3A, %sign3A_7 : i32
    %sign3A_9 = arith.extui %sign3A_8 : i1 to i32
    %sign3A_10 = arith.constant 0 : i32
    %sign3A_11 = arith.cmpi slt, %jit3A, %sign3A_10 : i32
    %sign3A_12 = arith.extui %sign3A_11 : i1 to i32
    %sign3A_13 = arith.subi %sign3A_9, %sign3A_12 : i32
    %ne3A = arith.cmpi ne, %sign3A_6, %sign3A_13 : i32
    %rem3A = arith.remsi %add3A, %jit3A : i32
    %ne3A_14 = arith.constant 0 : i32
    %ne3A_15 = arith.cmpi ne, %rem3A, %ne3A_14 : i32
    %and3A = arith.andi %ne3A, %ne3A_15 : i1
    %sub3A = arith.constant 1 : i32
    %sub3A_16 = arith.subi %div3A, %sub3A : i32
    %select_n3A = arith.select %and3A, %sub3A_16, %div3A : i32
    %jit3A_17 = arith.constant 4 : i32
    %eq3A = arith.constant 0 : i32
    %eq3A_18 = arith.cmpi eq, %jit3A_17, %eq3A : i32
    %jit3A_19 = arith.constant 1 : i32
    %select_n3A_20 = arith.select %eq3A_18, %jit3A_19, %jit3A_17 : i32
    %rem3A_21 = arith.remsi %add3A, %select_n3A_20 : i32
    %ne3A_22 = arith.constant 0 : i32
    %ne3A_23 = arith.cmpi ne, %rem3A_21, %ne3A_22 : i32
    %lt3A = arith.constant 0 : i32
    %lt3A_24 = arith.cmpi slt, %rem3A_21, %lt3A : i32
    %lt3A_25 = arith.constant 0 : i32
    %lt3A_26 = arith.cmpi slt, %select_n3A_20, %lt3A_25 : i32
    %ne3A_27 = arith.xori %lt3A_24, %lt3A_26 : i1
    %and3A_28 = arith.andi %ne3A_27, %ne3A_23 : i1
    %add3A_29 = arith.addi %rem3A_21, %select_n3A_20 : i32
    %select_n3A_30 = arith.select %and3A_28, %add3A_29, %rem3A_21 : i32
    "tpu.region"() ({
      %run_scoped3A = tpu.sem_alloc : memref<!tpu.dma_semaphore, #tpu.memory_space<semaphore_mem>>
      tpu.enqueue_dma source(%arg2 : memref<4x8192xf32, #tpu.memory_space<hbm>>) target(%arg5 : memref<4x8192xf32, #tpu.memory_space<vmem>>) target_semaphore(%run_scoped3A : memref<!tpu.dma_semaphore, #tpu.memory_space<semaphore_mem>>)
      tpu.wait_dma2 semaphore(%run_scoped3A : memref<!tpu.dma_semaphore, #tpu.memory_space<semaphore_mem>>) src(%arg2 : memref<4x8192xf32, #tpu.memory_space<hbm>>) dst(%arg5 : memref<4x8192xf32, #tpu.memory_space<vmem>>)
      tpu.yield
    }) : () -> ()
    "tpu.region"() ({
      %run_scoped3A = tpu.sem_alloc : memref<!tpu.dma_semaphore, #tpu.memory_space<semaphore_mem>>
      %dma_start3A = arith.constant 0 : i32
      %dma_start3A_1758 = arith.constant 0 : i32
      %dma_start3A_1759 = tpu.memref_slice %arg3[%select_n3A, %select_n3A_30, %dma_start3A, %dma_start3A_1758] : memref<8x4x4x16xf32, #tpu.memory_space<hbm>> -> memref<1x1x4x16xf32, #tpu.memory_space<hbm>>
      %dma_start3A_1760 = tpu.memref_squeeze %dma_start3A_1759 : memref<1x1x4x16xf32, #tpu.memory_space<hbm>> -> memref<4x16xf32, #tpu.memory_space<hbm>>
      %dma_start3A_1761 = arith.constant 0 : i32
      %dma_start3A_1762 = arith.constant 0 : i32
      %dma_start3A_1763 = tpu.memref_slice %arg3[%select_n3A, %select_n3A_30, %dma_start3A_1761, %dma_start3A_1762] : memref<8x4x4x16xf32, #tpu.memory_space<hbm>> -> memref<1x1x4x16xf32, #tpu.memory_space<hbm>>
      %dma_start3A_1764 = tpu.memref_squeeze %dma_start3A_1763 : memref<1x1x4x16xf32, #tpu.memory_space<hbm>> -> memref<4x16xf32, #tpu.memory_space<hbm>>
      tpu.enqueue_dma source(%dma_start3A_1764 : memref<4x16xf32, #tpu.memory_space<hbm>>) target(%arg6 : memref<4x16xf32, #tpu.memory_space<vmem>>) target_semaphore(%run_scoped3A : memref<!tpu.dma_semaphore, #tpu.memory_space<semaphore_mem>>)
      %dma_wait3A = arith.constant 0 : i32
      %dma_wait3A_1765 = arith.constant 0 : i32
      %dma_wait3A_1766 = tpu.memref_slice %arg3[%select_n3A, %select_n3A_30, %dma_wait3A, %dma_wait3A_1765] : memref<8x4x4x16xf32, #tpu.memory_space<hbm>> -> memref<1x1x4x16xf32, #tpu.memory_space<hbm>>
      %dma_wait3A_1767 = tpu.memref_squeeze %dma_wait3A_1766 : memref<1x1x4x16xf32, #tpu.memory_space<hbm>> -> memref<4x16xf32, #tpu.memory_space<hbm>>
      %dma_wait3A_1768 = arith.constant 0 : i32
      %dma_wait3A_1769 = arith.constant 0 : i32
      %dma_wait3A_1770 = tpu.memref_slice %arg3[%select_n3A, %select_n3A_30, %dma_wait3A_1768, %dma_wait3A_1769] : memref<8x4x4x16xf32, #tpu.memory_space<hbm>> -> memref<1x1x4x16xf32, #tpu.memory_space<hbm>>
      %dma_wait3A_1771 = tpu.memref_squeeze %dma_wait3A_1770 : memref<1x1x4x16xf32, #tpu.memory_space<hbm>> -> memref<4x16xf32, #tpu.memory_space<hbm>>
      tpu.wait_dma2 semaphore(%run_scoped3A : memref<!tpu.dma_semaphore, #tpu.memory_space<semaphore_mem>>) src(%dma_wait3A_1771 : memref<4x16xf32, #tpu.memory_space<hbm>>) dst(%arg6 : memref<4x16xf32, #tpu.memory_space<vmem>>)
      tpu.yield
    }) : () -> ()
    %iota3A = tpu.iota {dimensions = array<i32: 0>} : vector<16xi32>
    %get3A = arith.constant 0 : i32
    %get3A_31 = arith.index_cast %get3A : i32 to index
    %get3A_32 = arith.constant 0 : index
    %get3A_33 = tpu.vector_load %arg6[%get3A_31, %get3A_32] {strides = array<i32>} : memref<4x16xf32, #tpu.memory_space<vmem>>, vector<1x16xf32>,
    %get3A_34 = vector.shape_cast %get3A_33 : vector<1x16xf32> to vector<16xf32>
    %get3A_35 = arith.constant 1 : i32
    %get3A_36 = arith.index_cast %get3A_35 : i32 to index
    %get3A_37 = arith.constant 0 : index
    %get3A_38 = tpu.vector_load %arg6[%get3A_36, %get3A_37] {strides = array<i32>} : memref<4x16xf32, #tpu.memory_space<vmem>>, vector<1x16xf32>,
    %get3A_39 = vector.shape_cast %get3A_38 : vector<1x16xf32> to vector<16xf32>
    %get3A_40 = arith.constant 2 : i32
    %get3A_41 = arith.index_cast %get3A_40 : i32 to index
    %get3A_42 = arith.constant 0 : index
    %get3A_43 = tpu.vector_load %arg6[%get3A_41, %get3A_42] {strides = array<i32>} : memref<4x16xf32, #tpu.memory_space<vmem>>, vector<1x16xf32>,
    %get3A_44 = vector.shape_cast %get3A_43 : vector<1x16xf32> to vector<16xf32>
    %get3A_45 = arith.constant 3 : i32
    %get3A_46 = arith.index_cast %get3A_45 : i32 to index
    %get3A_47 = arith.constant 0 : index
    %get3A_48 = tpu.vector_load %arg6[%get3A_46, %get3A_47] {strides = array<i32>} : memref<4x16xf32, #tpu.memory_space<vmem>>, vector<1x16xf32>,
    %get3A_49 = vector.shape_cast %get3A_48 : vector<1x16xf32> to vector<16xf32>
    %broadcast_in_dim3A = arith.constant 0 : i32
    %broadcast_in_dim3A_50 = vector.broadcast %broadcast_in_dim3A : i32 to vector<16xi32>
    %slice3A = vector.extract_strided_slice %get3A_34 {offsets = [0], sizes = [1], strides = [1]} : vector<16xf32> to vector<1xf32>
    %squeeze3A = vector.extract %slice3A[0] : f32 from vector<1xf32>
    %slice3A_51 = vector.extract_strided_slice %get3A_39 {offsets = [0], sizes = [1], strides = [1]} : vector<16xf32> to vector<1xf32>
    %squeeze3A_52 = vector.extract %slice3A_51[0] : f32 from vector<1xf32>
    %slice3A_53 = vector.extract_strided_slice %get3A_44 {offsets = [0], sizes = [1], strides = [1]} : vector<16xf32> to vector<1xf32>
    %squeeze3A_54 = vector.extract %slice3A_53[0] : f32 from vector<1xf32>
    %slice3A_55 = vector.extract_strided_slice %get3A_49 {offsets = [0], sizes = [1], strides = [1]} : vector<16xf32> to vector<1xf32>
    %squeeze3A_56 = vector.extract %slice3A_55[0] : f32 from vector<1xf32>
    %broadcast_in_dim3A_57 = arith.constant 0x7F800000 : f32
    %broadcast_in_dim3A_58 = vector.broadcast %broadcast_in_dim3A_57 : f32 to vector<16xf32>
    %broadcast_in_dim3A_59 = arith.constant 0 : i32
    %broadcast_in_dim3A_60 = vector.broadcast %broadcast_in_dim3A_59 : i32 to vector<16xi32>
    %scan3A = arith.constant 0 : i32
    %scan3A_61 = arith.constant 512 : i32
    %scan3A_62 = arith.addi %scan3A, %scan3A_61 : i32
    %scan3A_63 = arith.constant 1 : i32
    %scan3A_64:9 = scf.for %scan3A_1758 = %scan3A to %scan3A_62 step %scan3A_63 iter_args(%scan3A_1759 = %broadcast_in_dim3A_58, %scan3A_1760 = %broadcast_in_dim3A_58, %scan3A_1761 = %broadcast_in_dim3A_58, %scan3A_1762 = %broadcast_in_dim3A_58, %scan3A_1763 = %broadcast_in_dim3A_60, %scan3A_1764 = %broadcast_in_dim3A_60, %scan3A_1765 = %broadcast_in_dim3A_60, %scan3A_1766 = %broadcast_in_dim3A_60, %scan3A_1767 = %iota3A) -> (vector<16xf32>, vector<16xf32>, vector<16xf32>, vector<16xf32>, vector<16xi32>, vector<16xi32>, vector<16xi32>, vector<16xi32>, vector<16xi32>)  : i32 {
      %mul3A_1768 = arith.constant 16 : i32
      %mul3A_1769 = arith.muli %scan3A_1758, %mul3A_1768 : i32
      %get3A_1770 = arith.constant 0 : i32
      %get3A_1771 = arith.index_cast %get3A_1770 : i32 to index
      %get3A_1772 = arith.index_cast %mul3A_1769 : i32 to index
      %get3A_1773 = tpu.vector_load %arg5[%get3A_1771, %get3A_1772] {strides = array<i32>} : memref<4x8192xf32, #tpu.memory_space<vmem>>, vector<1x16xf32>,
      %get3A_1774 = vector.shape_cast %get3A_1773 : vector<1x16xf32> to vector<16xf32>
      %sub3A_1775 = vector.broadcast %squeeze3A : f32 to vector<16xf32>
      %sub3A_1776 = arith.subf %get3A_1774, %sub3A_1775 : vector<16xf32>
      %abs3A = math.absf %sub3A_1776 : vector<16xf32>
      %get3A_1777 = arith.constant 1 : i32
      %get3A_1778 = arith.index_cast %get3A_1777 : i32 to index
      %get3A_1779 = arith.index_cast %mul3A_1769 : i32 to index
      %get3A_1780 = tpu.vector_load %arg5[%get3A_1778, %get3A_1779] {strides = array<i32>} : memref<4x8192xf32, #tpu.memory_space<vmem>>, vector<1x16xf32>,
      %get3A_1781 = vector.shape_cast %get3A_1780 : vector<1x16xf32> to vector<16xf32>
      %sub3A_1782 = vector.broadcast %squeeze3A_52 : f32 to vector<16xf32>
      %sub3A_1783 = arith.subf %get3A_1781, %sub3A_1782 : vector<16xf32>
      %abs3A_1784 = math.absf %sub3A_1783 : vector<16xf32>
      %add3A_1785 = arith.addf %abs3A, %abs3A_1784 : vector<16xf32>
      %get3A_1786 = arith.constant 2 : i32
      %get3A_1787 = arith.index_cast %get3A_1786 : i32 to index
      %get3A_1788 = arith.index_cast %mul3A_1769 : i32 to index
      %get3A_1789 = tpu.vector_load %arg5[%get3A_1787, %get3A_1788] {strides = array<i32>} : memref<4x8192xf32, #tpu.memory_space<vmem>>, vector<1x16xf32>,
      %get3A_1790 = vector.shape_cast %get3A_1789 : vector<1x16xf32> to vector<16xf32>
      %sub3A_1791 = vector.broadcast %squeeze3A_54 : f32 to vector<16xf32>
      %sub3A_1792 = arith.subf %get3A_1790, %sub3A_1791 : vector<16xf32>
      %abs3A_1793 = math.absf %sub3A_1792 : vector<16xf32>
      %add3A_1794 = arith.addf %add3A_1785, %abs3A_1793 : vector<16xf32>
      %get3A_1795 = arith.constant 3 : i32
      %get3A_1796 = arith.index_cast %get3A_1795 : i32 to index
      %get3A_1797 = arith.index_cast %mul3A_1769 : i32 to index
      %get3A_1798 = tpu.vector_load %arg5[%get3A_1796, %get3A_1797] {strides = array<i32>} : memref<4x8192xf32, #tpu.memory_space<vmem>>, vector<1x16xf32>,
      %get3A_1799 = vector.shape_cast %get3A_1798 : vector<1x16xf32> to vector<16xf32>
      %sub3A_1800 = vector.broadcast %squeeze3A_56 : f32 to vector<16xf32>
      %sub3A_1801 = arith.subf %get3A_1799, %sub3A_1800 : vector<16xf32>
      %abs3A_1802 = math.absf %sub3A_1801 : vector<16xf32>
      %add3A_1803 = arith.addf %add3A_1794, %abs3A_1802 : vector<16xf32>
      %lt3A_1804 = arith.cmpf olt, %add3A_1803, %scan3A_1759 : vector<16xf32>
      %lt3A_1805 = arith.cmpf olt, %add3A_1803, %scan3A_1760 : vector<16xf32>
      %lt3A_1806 = arith.cmpf olt, %add3A_1803, %scan3A_1761 : vector<16xf32>
      %lt3A_1807 = arith.cmpf olt, %add3A_1803, %scan3A_1762 : vector<16xf32>
      %select_n3A_1808 = arith.select %lt3A_1806, %scan3A_1761, %add3A_1803 : vector<16xi1>, vector<16xf32>
      %select_n3A_1809 = arith.select %lt3A_1807, %select_n3A_1808, %scan3A_1762 : vector<16xi1>, vector<16xf32>
      %select_n3A_1810 = arith.select %lt3A_1806, %scan3A_1765, %scan3A_1767 : vector<16xi1>, vector<16xi32>
      %select_n3A_1811 = arith.select %lt3A_1807, %select_n3A_1810, %scan3A_1766 : vector<16xi1>, vector<16xi32>
      %select_n3A_1812 = arith.select %lt3A_1805, %scan3A_1760, %add3A_1803 : vector<16xi1>, vector<16xf32>
      %select_n3A_1813 = arith.select %lt3A_1806, %select_n3A_1812, %scan3A_1761 : vector<16xi1>, vector<16xf32>
      %select_n3A_1814 = arith.select %lt3A_1805, %scan3A_1764, %scan3A_1767 : vector<16xi1>, vector<16xi32>
      %select_n3A_1815 = arith.select %lt3A_1806, %select_n3A_1814, %scan3A_1765 : vector<16xi1>, vector<16xi32>
      %select_n3A_1816 = arith.select %lt3A_1804, %scan3A_1759, %add3A_1803 : vector<16xi1>, vector<16xf32>
      %select_n3A_1817 = arith.select %lt3A_1805, %select_n3A_1816, %scan3A_1760 : vector<16xi1>, vector<16xf32>
      %select_n3A_1818 = arith.select %lt3A_1804, %scan3A_1763, %scan3A_1767 : vector<16xi1>, vector<16xi32>
      %select_n3A_1819 = arith.select %lt3A_1805, %select_n3A_1818, %scan3A_1764 : vector<16xi1>, vector<16xi32>
      %select_n3A_1820 = arith.select %lt3A_1804, %add3A_1803, %scan3A_1759 : vector<16xi1>, vector<16xf32>
      %select_n3A_1821 = arith.select %lt3A_1804, %scan3A_1767, %scan3A_1763 : vector<16xi1>, vector<16xi32>
      %add3A_1822 = arith.constant 16 : i32
      %add3A_1823 = vector.broadcast %add3A_1822 : i32 to vector<16xi32>
      %add3A_1824 = arith.addi %scan3A_1767, %add3A_1823 : vector<16xi32>
      scf.yield %select_n3A_1820, %select_n3A_1817, %select_n3A_1813, %select_n3A_1809, %select_n3A_1821, %select_n3A_1819, %select_n3A_1815, %select_n3A_1811, %add3A_1824 : vector<16xf32>, vector<16xf32>, vector<16xf32>, vector<16xf32>, vector<16xi32>, vector<16xi32>, vector<16xi32>, vector<16xi32>, vector<16xi32>
    }
    %scan3A_65 = arith.constant 512 : i32
    %xor3A = arith.constant 8 : i32
    %xor3A_66 = vector.broadcast %xor3A : i32 to vector<16xi32>
    %xor3A_67 = arith.xori %iota3A, %xor3A_66 : vector<16xi32>
    %broadcast_in_dim3A_68 = vector.shape_cast %xor3A_67 : vector<16xi32> to vector<16x1xi32>
    %gather3A = vector.shape_cast %broadcast_in_dim3A_68 : vector<16x1xi32> to vector<16xi32>
    %gather3A_69 = tpu.dynamic_gather %scan3A_64#0[%gather3A] in [0] : vector<16xf32>, vector<16xi32> -> vector<16xf32>
    %broadcast_in_dim3A_70 = vector.shape_cast %xor3A_67 : vector<16xi32> to vector<16x1xi32>
    %gather3A_71 = vector.shape_cast %broadcast_in_dim3A_70 : vector<16x1xi32> to vector<16xi32>
    %gather3A_72 = tpu.dynamic_gather %scan3A_64#4[%gather3A_71] in [0] : vector<16xi32>, vector<16xi32> -> vector<16xi32>
    %lt3A_73 = arith.cmpf olt, %gather3A_69, %scan3A_64#0 : vector<16xf32>
    %eq3A_74 = arith.cmpf oeq, %gather3A_69, %scan3A_64#0 : vector<16xf32>
    %lt3A_75 = arith.cmpi slt, %gather3A_72, %scan3A_64#4 : vector<16xi32>
    %and3A_76 = arith.andi %eq3A_74, %lt3A_75 : vector<16xi1>
    %or3A = arith.ori %lt3A_73, %and3A_76 : vector<16xi1>
    %select_n3A_77 = arith.select %or3A, %gather3A_69, %scan3A_64#0 : vector<16xi1>, vector<16xf32>
    %select_n3A_78 = arith.select %or3A, %gather3A_72, %scan3A_64#4 : vector<16xi1>, vector<16xi32>
    %xor3A_79 = arith.constant 4 : i32
    %xor3A_80 = vector.broadcast %xor3A_79 : i32 to vector<16xi32>
    %xor3A_81 = arith.xori %iota3A, %xor3A_80 : vector<16xi32>
    %broadcast_in_dim3A_82 = vector.shape_cast %xor3A_81 : vector<16xi32> to vector<16x1xi32>
    %gather3A_83 = vector.shape_cast %broadcast_in_dim3A_82 : vector<16x1xi32> to vector<16xi32>
    %gather3A_84 = tpu.dynamic_gather %select_n3A_77[%gather3A_83] in [0] : vector<16xf32>, vector<16xi32> -> vector<16xf32>
    %broadcast_in_dim3A_85 = vector.shape_cast %xor3A_81 : vector<16xi32> to vector<16x1xi32>
    %gather3A_86 = vector.shape_cast %broadcast_in_dim3A_85 : vector<16x1xi32> to vector<16xi32>
    %gather3A_87 = tpu.dynamic_gather %select_n3A_78[%gather3A_86] in [0] : vector<16xi32>, vector<16xi32> -> vector<16xi32>
    %lt3A_88 = arith.cmpf olt, %gather3A_84, %select_n3A_77 : vector<16xf32>
    %eq3A_89 = arith.cmpf oeq, %gather3A_84, %select_n3A_77 : vector<16xf32>
    %lt3A_90 = arith.cmpi slt, %gather3A_87, %select_n3A_78 : vector<16xi32>
    %and3A_91 = arith.andi %eq3A_89, %lt3A_90 : vector<16xi1>
    %or3A_92 = arith.ori %lt3A_88, %and3A_91 : vector<16xi1>
    %select_n3A_93 = arith.select %or3A_92, %gather3A_84, %select_n3A_77 : vector<16xi1>, vector<16xf32>
    %select_n3A_94 = arith.select %or3A_92, %gather3A_87, %select_n3A_78 : vector<16xi1>, vector<16xi32>
    %xor3A_95 = arith.constant 2 : i32
    %xor3A_96 = vector.broadcast %xor3A_95 : i32 to vector<16xi32>
    %xor3A_97 = arith.xori %iota3A, %xor3A_96 : vector<16xi32>
    %broadcast_in_dim3A_98 = vector.shape_cast %xor3A_97 : vector<16xi32> to vector<16x1xi32>
    %gather3A_99 = vector.shape_cast %broadcast_in_dim3A_98 : vector<16x1xi32> to vector<16xi32>
    %gather3A_100 = tpu.dynamic_gather %select_n3A_93[%gather3A_99] in [0] : vector<16xf32>, vector<16xi32> -> vector<16xf32>
    %broadcast_in_dim3A_101 = vector.shape_cast %xor3A_97 : vector<16xi32> to vector<16x1xi32>
    %gather3A_102 = vector.shape_cast %broadcast_in_dim3A_101 : vector<16x1xi32> to vector<16xi32>
    %gather3A_103 = tpu.dynamic_gather %select_n3A_94[%gather3A_102] in [0] : vector<16xi32>, vector<16xi32> -> vector<16xi32>
    %lt3A_104 = arith.cmpf olt, %gather3A_100, %select_n3A_93 : vector<16xf32>
    %eq3A_105 = arith.cmpf oeq, %gather3A_100, %select_n3A_93 : vector<16xf32>
    %lt3A_106 = arith.cmpi slt, %gather3A_103, %select_n3A_94 : vector<16xi32>
    %and3A_107 = arith.andi %eq3A_105, %lt3A_106 : vector<16xi1>
    %or3A_108 = arith.ori %lt3A_104, %and3A_107 : vector<16xi1>
    %select_n3A_109 = arith.select %or3A_108, %gather3A_100, %select_n3A_93 : vector<16xi1>, vector<16xf32>
    %select_n3A_110 = arith.select %or3A_108, %gather3A_103, %select_n3A_94 : vector<16xi1>, vector<16xi32>
    %xor3A_111 = arith.constant 1 : i32
    %xor3A_112 = vector.broadcast %xor3A_111 : i32 to vector<16xi32>
    %xor3A_113 = arith.xori %iota3A, %xor3A_112 : vector<16xi32>
    %broadcast_in_dim3A_114 = vector.shape_cast %xor3A_113 : vector<16xi32> to vector<16x1xi32>
    %gather3A_115 = vector.shape_cast %broadcast_in_dim3A_114 : vector<16x1xi32> to vector<16xi32>
    %gather3A_116 = tpu.dynamic_gather %select_n3A_109[%gather3A_115] in [0] : vector<16xf32>, vector<16xi32> -> vector<16xf32>
    %broadcast_in_dim3A_117 = vector.shape_cast %xor3A_113 : vector<16xi32> to vector<16x1xi32>
    %gather3A_118 = vector.shape_cast %broadcast_in_dim3A_117 : vector<16x1xi32> to vector<16xi32>
    %gather3A_119 = tpu.dynamic_gather %select_n3A_110[%gather3A_118] in [0] : vector<16xi32>, vector<16xi32> -> vector<16xi32>
    %lt3A_120 = arith.cmpf olt, %gather3A_116, %select_n3A_109 : vector<16xf32>
    %eq3A_121 = arith.cmpf oeq, %gather3A_116, %select_n3A_109 : vector<16xf32>
    %lt3A_122 = arith.cmpi slt, %gather3A_119, %select_n3A_110 : vector<16xi32>
    %and3A_123 = arith.andi %eq3A_121, %lt3A_122 : vector<16xi1>
    %or3A_124 = arith.ori %lt3A_120, %and3A_123 : vector<16xi1>
    %select_n3A_125 = arith.select %or3A_124, %gather3A_116, %select_n3A_109 : vector<16xi1>, vector<16xf32>
    %select_n3A_126 = arith.select %or3A_124, %gather3A_119, %select_n3A_110 : vector<16xi1>, vector<16xi32>
    %eq3A_127 = arith.cmpf oeq, %scan3A_64#0, %select_n3A_125 : vector<16xf32>
    %eq3A_128 = arith.cmpi eq, %scan3A_64#4, %select_n3A_126 : vector<16xi32>
    %and3A_129 = arith.andi %eq3A_127, %eq3A_128 : vector<16xi1>
    %select_n3A_130 = arith.select %and3A_129, %scan3A_64#1, %scan3A_64#0 : vector<16xi1>, vector<16xf32>
    %select_n3A_131 = arith.select %and3A_129, %scan3A_64#5, %scan3A_64#4 : vector<16xi1>, vector<16xi32>
    %select_n3A_132 = arith.select %and3A_129, %scan3A_64#2, %scan3A_64#1 : vector<16xi1>, vector<16xf32>
    %select_n3A_133 = arith.select %and3A_129, %scan3A_64#6, %scan3A_64#5 : vector<16xi1>, vector<16xi32>
    %select_n3A_134 = arith.select %and3A_129, %scan3A_64#3, %scan3A_64#2 : vector<16xi1>, vector<16xf32>
    %select_n3A_135 = arith.select %and3A_129, %scan3A_64#7, %scan3A_64#6 : vector<16xi1>, vector<16xi32>
    %jit3A_136 = arith.constant 0x7F800000 : f32
    %broadcast_in_dim3A_137 = vector.broadcast %jit3A_136 : f32 to vector<16xf32>
    %select_n3A_138 = arith.select %and3A_129, %broadcast_in_dim3A_137, %scan3A_64#3 : vector<16xi1>, vector<16xf32>
    %eq3A_139 = arith.constant 0 : i32
    %eq3A_140 = vector.broadcast %eq3A_139 : i32 to vector<16xi32>
    %eq3A_141 = arith.cmpi eq, %iota3A, %eq3A_140 : vector<16xi32>
    %select_n3A_142 = arith.select %eq3A_141, %select_n3A_126, %broadcast_in_dim3A_50 : vector<16xi1>, vector<16xi32>
    %xor3A_143 = arith.constant 8 : i32
    %xor3A_144 = vector.broadcast %xor3A_143 : i32 to vector<16xi32>
    %xor3A_145 = arith.xori %iota3A, %xor3A_144 : vector<16xi32>
    %broadcast_in_dim3A_146 = vector.shape_cast %xor3A_145 : vector<16xi32> to vector<16x1xi32>
    %gather3A_147 = vector.shape_cast %broadcast_in_dim3A_146 : vector<16x1xi32> to vector<16xi32>
    %gather3A_148 = tpu.dynamic_gather %select_n3A_130[%gather3A_147] in [0] : vector<16xf32>, vector<16xi32> -> vector<16xf32>
    %broadcast_in_dim3A_149 = vector.shape_cast %xor3A_145 : vector<16xi32> to vector<16x1xi32>
    %gather3A_150 = vector.shape_cast %broadcast_in_dim3A_149 : vector<16x1xi32> to vector<16xi32>
    %gather3A_151 = tpu.dynamic_gather %select_n3A_131[%gather3A_150] in [0] : vector<16xi32>, vector<16xi32> -> vector<16xi32>
    %lt3A_152 = arith.cmpf olt, %gather3A_148, %select_n3A_130 : vector<16xf32>
    %eq3A_153 = arith.cmpf oeq, %gather3A_148, %select_n3A_130 : vector<16xf32>
    %lt3A_154 = arith.cmpi slt, %gather3A_151, %select_n3A_131 : vector<16xi32>
    %and3A_155 = arith.andi %eq3A_153, %lt3A_154 : vector<16xi1>
    %or3A_156 = arith.ori %lt3A_152, %and3A_155 : vector<16xi1>
    %select_n3A_157 = arith.select %or3A_156, %gather3A_148, %select_n3A_130 : vector<16xi1>, vector<16xf32>
    %select_n3A_158 = arith.select %or3A_156, %gather3A_151, %select_n3A_131 : vector<16xi1>, vector<16xi32>
    %xor3A_159 = arith.constant 4 : i32
    %xor3A_160 = vector.broadcast %xor3A_159 : i32 to vector<16xi32>
    %xor3A_161 = arith.xori %iota3A, %xor3A_160 : vector<16xi32>
    %broadcast_in_dim3A_162 = vector.shape_cast %xor3A_161 : vector<16xi32> to vector<16x1xi32>
    %gather3A_163 = vector.shape_cast %broadcast_in_dim3A_162 : vector<16x1xi32> to vector<16xi32>
    %gather3A_164 = tpu.dynamic_gather %select_n3A_157[%gather3A_163] in [0] : vector<16xf32>, vector<16xi32> -> vector<16xf32>
    %broadcast_in_dim3A_165 = vector.shape_cast %xor3A_161 : vector<16xi32> to vector<16x1xi32>
    %gather3A_166 = vector.shape_cast %broadcast_in_dim3A_165 : vector<16x1xi32> to vector<16xi32>
    %gather3A_167 = tpu.dynamic_gather %select_n3A_158[%gather3A_166] in [0] : vector<16xi32>, vector<16xi32> -> vector<16xi32>
    %lt3A_168 = arith.cmpf olt, %gather3A_164, %select_n3A_157 : vector<16xf32>
    %eq3A_169 = arith.cmpf oeq, %gather3A_164, %select_n3A_157 : vector<16xf32>
    %lt3A_170 = arith.cmpi slt, %gather3A_167, %select_n3A_158 : vector<16xi32>
    %and3A_171 = arith.andi %eq3A_169, %lt3A_170 : vector<16xi1>
    %or3A_172 = arith.ori %lt3A_168, %and3A_171 : vector<16xi1>
    %select_n3A_173 = arith.select %or3A_172, %gather3A_164, %select_n3A_157 : vector<16xi1>, vector<16xf32>
    %select_n3A_174 = arith.select %or3A_172, %gather3A_167, %select_n3A_158 : vector<16xi1>, vector<16xi32>
    %xor3A_175 = arith.constant 2 : i32
    %xor3A_176 = vector.broadcast %xor3A_175 : i32 to vector<16xi32>
    %xor3A_177 = arith.xori %iota3A, %xor3A_176 : vector<16xi32>
    %broadcast_in_dim3A_178 = vector.shape_cast %xor3A_177 : vector<16xi32> to vector<16x1xi32>
    %gather3A_179 = vector.shape_cast %broadcast_in_dim3A_178 : vector<16x1xi32> to vector<16xi32>
    %gather3A_180 = tpu.dynamic_gather %select_n3A_173[%gather3A_179] in [0] : vector<16xf32>, vector<16xi32> -> vector<16xf32>
    %broadcast_in_dim3A_181 = vector.shape_cast %xor3A_177 : vector<16xi32> to vector<16x1xi32>
    %gather3A_182 = vector.shape_cast %broadcast_in_dim3A_181 : vector<16x1xi32> to vector<16xi32>
    %gather3A_183 = tpu.dynamic_gather %select_n3A_174[%gather3A_182] in [0] : vector<16xi32>, vector<16xi32> -> vector<16xi32>
    %lt3A_184 = arith.cmpf olt, %gather3A_180, %select_n3A_173 : vector<16xf32>
    %eq3A_185 = arith.cmpf oeq, %gather3A_180, %select_n3A_173 : vector<16xf32>
    %lt3A_186 = arith.cmpi slt, %gather3A_183, %select_n3A_174 : vector<16xi32>
    %and3A_187 = arith.andi %eq3A_185, %lt3A_186 : vector<16xi1>
    %or3A_188 = arith.ori %lt3A_184, %and3A_187 : vector<16xi1>
    %select_n3A_189 = arith.select %or3A_188, %gather3A_180, %select_n3A_173 : vector<16xi1>, vector<16xf32>
    %select_n3A_190 = arith.select %or3A_188, %gather3A_183, %select_n3A_174 : vector<16xi1>, vector<16xi32>
    %xor3A_191 = arith.constant 1 : i32
    %xor3A_192 = vector.broadcast %xor3A_191 : i32 to vector<16xi32>
    %xor3A_193 = arith.xori %iota3A, %xor3A_192 : vector<16xi32>
    %broadcast_in_dim3A_194 = vector.shape_cast %xor3A_193 : vector<16xi32> to vector<16x1xi32>
    %gather3A_195 = vector.shape_cast %broadcast_in_dim3A_194 : vector<16x1xi32> to vector<16xi32>
    %gather3A_196 = tpu.dynamic_gather %select_n3A_189[%gather3A_195] in [0] : vector<16xf32>, vector<16xi32> -> vector<16xf32>
    %broadcast_in_dim3A_197 = vector.shape_cast %xor3A_193 : vector<16xi32> to vector<16x1xi32>
    %gather3A_198 = vector.shape_cast %broadcast_in_dim3A_197 : vector<16x1xi32> to vector<16xi32>
    %gather3A_199 = tpu.dynamic_gather %select_n3A_190[%gather3A_198] in [0] : vector<16xi32>, vector<16xi32> -> vector<16xi32>
    %lt3A_200 = arith.cmpf olt, %gather3A_196, %select_n3A_189 : vector<16xf32>
    %eq3A_201 = arith.cmpf oeq, %gather3A_196, %select_n3A_189 : vector<16xf32>
    %lt3A_202 = arith.cmpi slt, %gather3A_199, %select_n3A_190 : vector<16xi32>
    %and3A_203 = arith.andi %eq3A_201, %lt3A_202 : vector<16xi1>
    %or3A_204 = arith.ori %lt3A_200, %and3A_203 : vector<16xi1>
    %select_n3A_205 = arith.select %or3A_204, %gather3A_196, %select_n3A_189 : vector<16xi1>, vector<16xf32>
    %select_n3A_206 = arith.select %or3A_204, %gather3A_199, %select_n3A_190 : vector<16xi1>, vector<16xi32>
    %eq3A_207 = arith.cmpf oeq, %select_n3A_130, %select_n3A_205 : vector<16xf32>
    %eq3A_208 = arith.cmpi eq, %select_n3A_131, %select_n3A_206 : vector<16xi32>
    %and3A_209 = arith.andi %eq3A_207, %eq3A_208 : vector<16xi1>
    %select_n3A_210 = arith.select %and3A_209, %select_n3A_132, %select_n3A_130 : vector<16xi1>, vector<16xf32>
    %select_n3A_211 = arith.select %and3A_209, %select_n3A_133, %select_n3A_131 : vector<16xi1>, vector<16xi32>
    %select_n3A_212 = arith.select %and3A_209, %select_n3A_134, %select_n3A_132 : vector<16xi1>, vector<16xf32>
    %select_n3A_213 = arith.select %and3A_209, %select_n3A_135, %select_n3A_133 : vector<16xi1>, vector<16xi32>
    %select_n3A_214 = arith.select %and3A_209, %select_n3A_138, %select_n3A_134 : vector<16xi1>, vector<16xf32>
    %select_n3A_215 = arith.select %and3A_209, %scan3A_64#7, %select_n3A_135 : vector<16xi1>, vector<16xi32>
    %jit3A_216 = arith.constant 0x7F800000 : f32
    %broadcast_in_dim3A_217 = vector.broadcast %jit3A_216 : f32 to vector<16xf32>
    %select_n3A_218 = arith.select %and3A_209, %broadcast_in_dim3A_217, %select_n3A_138 : vector<16xi1>, vector<16xf32>
    %eq3A_219 = arith.constant 0 : i32
    %eq3A_220 = vector.broadcast %eq3A_219 : i32 to vector<16xi32>
    %eq3A_221 = arith.cmpi eq, %iota3A, %eq3A_220 : vector<16xi32>
    %select_n3A_222 = arith.select %eq3A_221, %select_n3A_206, %broadcast_in_dim3A_50 : vector<16xi1>, vector<16xi32>
    %xor3A_223 = arith.constant 8 : i32
    %xor3A_224 = vector.broadcast %xor3A_223 : i32 to vector<16xi32>
    %xor3A_225 = arith.xori %iota3A, %xor3A_224 : vector<16xi32>
    %broadcast_in_dim3A_226 = vector.shape_cast %xor3A_225 : vector<16xi32> to vector<16x1xi32>
    %gather3A_227 = vector.shape_cast %broadcast_in_dim3A_226 : vector<16x1xi32> to vector<16xi32>
    %gather3A_228 = tpu.dynamic_gather %select_n3A_210[%gather3A_227] in [0] : vector<16xf32>, vector<16xi32> -> vector<16xf32>
    %broadcast_in_dim3A_229 = vector.shape_cast %xor3A_225 : vector<16xi32> to vector<16x1xi32>
    %gather3A_230 = vector.shape_cast %broadcast_in_dim3A_229 : vector<16x1xi32> to vector<16xi32>
    %gather3A_231 = tpu.dynamic_gather %select_n3A_211[%gather3A_230] in [0] : vector<16xi32>, vector<16xi32> -> vector<16xi32>
    %lt3A_232 = arith.cmpf olt, %gather3A_228, %select_n3A_210 : vector<16xf32>
    %eq3A_233 = arith.cmpf oeq, %gather3A_228, %select_n3A_210 : vector<16xf32>
    %lt3A_234 = arith.cmpi slt, %gather3A_231, %select_n3A_211 : vector<16xi32>
    %and3A_235 = arith.andi %eq3A_233, %lt3A_234 : vector<16xi1>
    %or3A_236 = arith.ori %lt3A_232, %and3A_235 : vector<16xi1>
    %select_n3A_237 = arith.select %or3A_236, %gather3A_228, %select_n3A_210 : vector<16xi1>, vector<16xf32>
    %select_n3A_238 = arith.select %or3A_236, %gather3A_231, %select_n3A_211 : vector<16xi1>, vector<16xi32>
    %xor3A_239 = arith.constant 4 : i32
    %xor3A_240 = vector.broadcast %xor3A_239 : i32 to vector<16xi32>
    %xor3A_241 = arith.xori %iota3A, %xor3A_240 : vector<16xi32>
    %broadcast_in_dim3A_242 = vector.shape_cast %xor3A_241 : vector<16xi32> to vector<16x1xi32>
    %gather3A_243 = vector.shape_cast %broadcast_in_dim3A_242 : vector<16x1xi32> to vector<16xi32>
    %gather3A_244 = tpu.dynamic_gather %select_n3A_237[%gather3A_243] in [0] : vector<16xf32>, vector<16xi32> -> vector<16xf32>
    %broadcast_in_dim3A_245 = vector.shape_cast %xor3A_241 : vector<16xi32> to vector<16x1xi32>
    %gather3A_246 = vector.shape_cast %broadcast_in_dim3A_245 : vector<16x1xi32> to vector<16xi32>
    %gather3A_247 = tpu.dynamic_gather %select_n3A_238[%gather3A_246] in [0] : vector<16xi32>, vector<16xi32> -> vector<16xi32>
    %lt3A_248 = arith.cmpf olt, %gather3A_244, %select_n3A_237 : vector<16xf32>
    %eq3A_249 = arith.cmpf oeq, %gather3A_244, %select_n3A_237 : vector<16xf32>
    %lt3A_250 = arith.cmpi slt, %gather3A_247, %select_n3A_238 : vector<16xi32>
    %and3A_251 = arith.andi %eq3A_249, %lt3A_250 : vector<16xi1>
    %or3A_252 = arith.ori %lt3A_248, %and3A_251 : vector<16xi1>
    %select_n3A_253 = arith.select %or3A_252, %gather3A_244, %select_n3A_237 : vector<16xi1>, vector<16xf32>
    %select_n3A_254 = arith.select %or3A_252, %gather3A_247, %select_n3A_238 : vector<16xi1>, vector<16xi32>
    %xor3A_255 = arith.constant 2 : i32
    %xor3A_256 = vector.broadcast %xor3A_255 : i32 to vector<16xi32>
    %xor3A_257 = arith.xori %iota3A, %xor3A_256 : vector<16xi32>
    %broadcast_in_dim3A_258 = vector.shape_cast %xor3A_257 : vector<16xi32> to vector<16x1xi32>
    %gather3A_259 = vector.shape_cast %broadcast_in_dim3A_258 : vector<16x1xi32> to vector<16xi32>
    %gather3A_260 = tpu.dynamic_gather %select_n3A_253[%gather3A_259] in [0] : vector<16xf32>, vector<16xi32> -> vector<16xf32>
    %broadcast_in_dim3A_261 = vector.shape_cast %xor3A_257 : vector<16xi32> to vector<16x1xi32>
    %gather3A_262 = vector.shape_cast %broadcast_in_dim3A_261 : vector<16x1xi32> to vector<16xi32>
    %gather3A_263 = tpu.dynamic_gather %select_n3A_254[%gather3A_262] in [0] : vector<16xi32>, vector<16xi32> -> vector<16xi32>
    %lt3A_264 = arith.cmpf olt, %gather3A_260, %select_n3A_253 : vector<16xf32>
    %eq3A_265 = arith.cmpf oeq, %gather3A_260, %select_n3A_253 : vector<16xf32>
    %lt3A_266 = arith.cmpi slt, %gather3A_263, %select_n3A_254 : vector<16xi32>
    %and3A_267 = arith.andi %eq3A_265, %lt3A_266 : vector<16xi1>
    %or3A_268 = arith.ori %lt3A_264, %and3A_267 : vector<16xi1>
    %select_n3A_269 = arith.select %or3A_268, %gather3A_260, %select_n3A_253 : vector<16xi1>, vector<16xf32>
    %select_n3A_270 = arith.select %or3A_268, %gather3A_263, %select_n3A_254 : vector<16xi1>, vector<16xi32>
    %xor3A_271 = arith.constant 1 : i32
    %xor3A_272 = vector.broadcast %xor3A_271 : i32 to vector<16xi32>
    %xor3A_273 = arith.xori %iota3A, %xor3A_272 : vector<16xi32>
    %broadcast_in_dim3A_274 = vector.shape_cast %xor3A_273 : vector<16xi32> to vector<16x1xi32>
    %gather3A_275 = vector.shape_cast %broadcast_in_dim3A_274 : vector<16x1xi32> to vector<16xi32>
    %gather3A_276 = tpu.dynamic_gather %select_n3A_269[%gather3A_275] in [0] : vector<16xf32>, vector<16xi32> -> vector<16xf32>
    %broadcast_in_dim3A_277 = vector.shape_cast %xor3A_273 : vector<16xi32> to vector<16x1xi32>
    %gather3A_278 = vector.shape_cast %broadcast_in_dim3A_277 : vector<16x1xi32> to vector<16xi32>
    %gather3A_279 = tpu.dynamic_gather %select_n3A_270[%gather3A_278] in [0] : vector<16xi32>, vector<16xi32> -> vector<16xi32>
    %lt3A_280 = arith.cmpf olt, %gather3A_276, %select_n3A_269 : vector<16xf32>
    %eq3A_281 = arith.cmpf oeq, %gather3A_276, %select_n3A_269 : vector<16xf32>
    %lt3A_282 = arith.cmpi slt, %gather3A_279, %select_n3A_270 : vector<16xi32>
    %and3A_283 = arith.andi %eq3A_281, %lt3A_282 : vector<16xi1>
    %or3A_284 = arith.ori %lt3A_280, %and3A_283 : vector<16xi1>
    %select_n3A_285 = arith.select %or3A_284, %gather3A_276, %select_n3A_269 : vector<16xi1>, vector<16xf32>
    %select_n3A_286 = arith.select %or3A_284, %gather3A_279, %select_n3A_270 : vector<16xi1>, vector<16xi32>
    %eq3A_287 = arith.cmpf oeq, %select_n3A_210, %select_n3A_285 : vector<16xf32>
    %eq3A_288 = arith.cmpi eq, %select_n3A_211, %select_n3A_286 : vector<16xi32>
    %and3A_289 = arith.andi %eq3A_287, %eq3A_288 : vector<16xi1>
    %select_n3A_290 = arith.select %and3A_289, %select_n3A_212, %select_n3A_210 : vector<16xi1>, vector<16xf32>
    %select_n3A_291 = arith.select %and3A_289, %select_n3A_213, %select_n3A_211 : vector<16xi1>, vector<16xi32>
    %select_n3A_292 = arith.select %and3A_289, %select_n3A_214, %select_n3A_212 : vector<16xi1>, vector<16xf32>
    %select_n3A_293 = arith.select %and3A_289, %select_n3A_215, %select_n3A_213 : vector<16xi1>, vector<16xi32>
    %select_n3A_294 = arith.select %and3A_289, %select_n3A_218, %select_n3A_214 : vector<16xi1>, vector<16xf32>
    %select_n3A_295 = arith.select %and3A_289, %scan3A_64#7, %select_n3A_215 : vector<16xi1>, vector<16xi32>
    %jit3A_296 = arith.constant 0x7F800000 : f32
    %broadcast_in_dim3A_297 = vector.broadcast %jit3A_296 : f32 to vector<16xf32>
    %select_n3A_298 = arith.select %and3A_289, %broadcast_in_dim3A_297, %select_n3A_218 : vector<16xi1>, vector<16xf32>
    %eq3A_299 = arith.constant 0 : i32
    %eq3A_300 = vector.broadcast %eq3A_299 : i32 to vector<16xi32>
    %eq3A_301 = arith.cmpi eq, %iota3A, %eq3A_300 : vector<16xi32>
    %select_n3A_302 = arith.select %eq3A_301, %select_n3A_286, %broadcast_in_dim3A_50 : vector<16xi1>, vector<16xi32>
    %xor3A_303 = arith.constant 8 : i32
    %xor3A_304 = vector.broadcast %xor3A_303 : i32 to vector<16xi32>
    %xor3A_305 = arith.xori %iota3A, %xor3A_304 : vector<16xi32>
    %broadcast_in_dim3A_306 = vector.shape_cast %xor3A_305 : vector<16xi32> to vector<16x1xi32>
    %gather3A_307 = vector.shape_cast %broadcast_in_dim3A_306 : vector<16x1xi32> to vector<16xi32>
    %gather3A_308 = tpu.dynamic_gather %select_n3A_290[%gather3A_307] in [0] : vector<16xf32>, vector<16xi32> -> vector<16xf32>
    %broadcast_in_dim3A_309 = vector.shape_cast %xor3A_305 : vector<16xi32> to vector<16x1xi32>
    %gather3A_310 = vector.shape_cast %broadcast_in_dim3A_309 : vector<16x1xi32> to vector<16xi32>
    %gather3A_311 = tpu.dynamic_gather %select_n3A_291[%gather3A_310] in [0] : vector<16xi32>, vector<16xi32> -> vector<16xi32>
    %lt3A_312 = arith.cmpf olt, %gather3A_308, %select_n3A_290 : vector<16xf32>
    %eq3A_313 = arith.cmpf oeq, %gather3A_308, %select_n3A_290 : vector<16xf32>
    %lt3A_314 = arith.cmpi slt, %gather3A_311, %select_n3A_291 : vector<16xi32>
    %and3A_315 = arith.andi %eq3A_313, %lt3A_314 : vector<16xi1>
    %or3A_316 = arith.ori %lt3A_312, %and3A_315 : vector<16xi1>
    %select_n3A_317 = arith.select %or3A_316, %gather3A_308, %select_n3A_290 : vector<16xi1>, vector<16xf32>
    %select_n3A_318 = arith.select %or3A_316, %gather3A_311, %select_n3A_291 : vector<16xi1>, vector<16xi32>
    %xor3A_319 = arith.constant 4 : i32
    %xor3A_320 = vector.broadcast %xor3A_319 : i32 to vector<16xi32>
    %xor3A_321 = arith.xori %iota3A, %xor3A_320 : vector<16xi32>
    %broadcast_in_dim3A_322 = vector.shape_cast %xor3A_321 : vector<16xi32> to vector<16x1xi32>
    %gather3A_323 = vector.shape_cast %broadcast_in_dim3A_322 : vector<16x1xi32> to vector<16xi32>
    %gather3A_324 = tpu.dynamic_gather %select_n3A_317[%gather3A_323] in [0] : vector<16xf32>, vector<16xi32> -> vector<16xf32>
    %broadcast_in_dim3A_325 = vector.shape_cast %xor3A_321 : vector<16xi32> to vector<16x1xi32>
    %gather3A_326 = vector.shape_cast %broadcast_in_dim3A_325 : vector<16x1xi32> to vector<16xi32>
    %gather3A_327 = tpu.dynamic_gather %select_n3A_318[%gather3A_326] in [0] : vector<16xi32>, vector<16xi32> -> vector<16xi32>
    %lt3A_328 = arith.cmpf olt, %gather3A_324, %select_n3A_317 : vector<16xf32>
    %eq3A_329 = arith.cmpf oeq, %gather3A_324, %select_n3A_317 : vector<16xf32>
    %lt3A_330 = arith.cmpi slt, %gather3A_327, %select_n3A_318 : vector<16xi32>
    %and3A_331 = arith.andi %eq3A_329, %lt3A_330 : vector<16xi1>
    %or3A_332 = arith.ori %lt3A_328, %and3A_331 : vector<16xi1>
    %select_n3A_333 = arith.select %or3A_332, %gather3A_324, %select_n3A_317 : vector<16xi1>, vector<16xf32>
    %select_n3A_334 = arith.select %or3A_332, %gather3A_327, %select_n3A_318 : vector<16xi1>, vector<16xi32>
    %xor3A_335 = arith.constant 2 : i32
    %xor3A_336 = vector.broadcast %xor3A_335 : i32 to vector<16xi32>
    %xor3A_337 = arith.xori %iota3A, %xor3A_336 : vector<16xi32>
    %broadcast_in_dim3A_338 = vector.shape_cast %xor3A_337 : vector<16xi32> to vector<16x1xi32>
    %gather3A_339 = vector.shape_cast %broadcast_in_dim3A_338 : vector<16x1xi32> to vector<16xi32>
    %gather3A_340 = tpu.dynamic_gather %select_n3A_333[%gather3A_339] in [0] : vector<16xf32>, vector<16xi32> -> vector<16xf32>
    %broadcast_in_dim3A_341 = vector.shape_cast %xor3A_337 : vector<16xi32> to vector<16x1xi32>
    %gather3A_342 = vector.shape_cast %broadcast_in_dim3A_341 : vector<16x1xi32> to vector<16xi32>
    %gather3A_343 = tpu.dynamic_gather %select_n3A_334[%gather3A_342] in [0] : vector<16xi32>, vector<16xi32> -> vector<16xi32>
    %lt3A_344 = arith.cmpf olt, %gather3A_340, %select_n3A_333 : vector<16xf32>
    %eq3A_345 = arith.cmpf oeq, %gather3A_340, %select_n3A_333 : vector<16xf32>
    %lt3A_346 = arith.cmpi slt, %gather3A_343, %select_n3A_334 : vector<16xi32>
    %and3A_347 = arith.andi %eq3A_345, %lt3A_346 : vector<16xi1>
    %or3A_348 = arith.ori %lt3A_344, %and3A_347 : vector<16xi1>
    %select_n3A_349 = arith.select %or3A_348, %gather3A_340, %select_n3A_333 : vector<16xi1>, vector<16xf32>
    %select_n3A_350 = arith.select %or3A_348, %gather3A_343, %select_n3A_334 : vector<16xi1>, vector<16xi32>
    %xor3A_351 = arith.constant 1 : i32
    %xor3A_352 = vector.broadcast %xor3A_351 : i32 to vector<16xi32>
    %xor3A_353 = arith.xori %iota3A, %xor3A_352 : vector<16xi32>
    %broadcast_in_dim3A_354 = vector.shape_cast %xor3A_353 : vector<16xi32> to vector<16x1xi32>
    %gather3A_355 = vector.shape_cast %broadcast_in_dim3A_354 : vector<16x1xi32> to vector<16xi32>
    %gather3A_356 = tpu.dynamic_gather %select_n3A_349[%gather3A_355] in [0] : vector<16xf32>, vector<16xi32> -> vector<16xf32>
    %broadcast_in_dim3A_357 = vector.shape_cast %xor3A_353 : vector<16xi32> to vector<16x1xi32>
    %gather3A_358 = vector.shape_cast %broadcast_in_dim3A_357 : vector<16x1xi32> to vector<16xi32>
    %gather3A_359 = tpu.dynamic_gather %select_n3A_350[%gather3A_358] in [0] : vector<16xi32>, vector<16xi32> -> vector<16xi32>
    %lt3A_360 = arith.cmpf olt, %gather3A_356, %select_n3A_349 : vector<16xf32>
    %eq3A_361 = arith.cmpf oeq, %gather3A_356, %select_n3A_349 : vector<16xf32>
    %lt3A_362 = arith.cmpi slt, %gather3A_359, %select_n3A_350 : vector<16xi32>
    %and3A_363 = arith.andi %eq3A_361, %lt3A_362 : vector<16xi1>
    %or3A_364 = arith.ori %lt3A_360, %and3A_363 : vector<16xi1>
    %select_n3A_365 = arith.select %or3A_364, %gather3A_356, %select_n3A_349 : vector<16xi1>, vector<16xf32>
    %select_n3A_366 = arith.select %or3A_364, %gather3A_359, %select_n3A_350 : vector<16xi1>, vector<16xi32>
    %eq3A_367 = arith.cmpf oeq, %select_n3A_290, %select_n3A_365 : vector<16xf32>
    %eq3A_368 = arith.cmpi eq, %select_n3A_291, %select_n3A_366 : vector<16xi32>
    %and3A_369 = arith.andi %eq3A_367, %eq3A_368 : vector<16xi1>
    %select_n3A_370 = arith.select %and3A_369, %select_n3A_292, %select_n3A_290 : vector<16xi1>, vector<16xf32>
    %select_n3A_371 = arith.select %and3A_369, %select_n3A_293, %select_n3A_291 : vector<16xi1>, vector<16xi32>
    %select_n3A_372 = arith.select %and3A_369, %select_n3A_294, %select_n3A_292 : vector<16xi1>, vector<16xf32>
    %select_n3A_373 = arith.select %and3A_369, %select_n3A_295, %select_n3A_293 : vector<16xi1>, vector<16xi32>
    %select_n3A_374 = arith.select %and3A_369, %select_n3A_298, %select_n3A_294 : vector<16xi1>, vector<16xf32>
    %select_n3A_375 = arith.select %and3A_369, %scan3A_64#7, %select_n3A_295 : vector<16xi1>, vector<16xi32>
    %jit3A_376 = arith.constant 0x7F800000 : f32
    %broadcast_in_dim3A_377 = vector.broadcast %jit3A_376 : f32 to vector<16xf32>
    %select_n3A_378 = arith.select %and3A_369, %broadcast_in_dim3A_377, %select_n3A_298 : vector<16xi1>, vector<16xf32>
    %eq3A_379 = arith.constant 0 : i32
    %eq3A_380 = vector.broadcast %eq3A_379 : i32 to vector<16xi32>
    %eq3A_381 = arith.cmpi eq, %iota3A, %eq3A_380 : vector<16xi32>
    %select_n3A_382 = arith.select %eq3A_381, %select_n3A_366, %broadcast_in_dim3A_50 : vector<16xi1>, vector<16xi32>
    %slice3A_383 = vector.extract_strided_slice %get3A_34 {offsets = [1], sizes = [1], strides = [1]} : vector<16xf32> to vector<1xf32>
    %squeeze3A_384 = vector.extract %slice3A_383[0] : f32 from vector<1xf32>
    %slice3A_385 = vector.extract_strided_slice %get3A_39 {offsets = [1], sizes = [1], strides = [1]} : vector<16xf32> to vector<1xf32>
    %squeeze3A_386 = vector.extract %slice3A_385[0] : f32 from vector<1xf32>
    %slice3A_387 = vector.extract_strided_slice %get3A_44 {offsets = [1], sizes = [1], strides = [1]} : vector<16xf32> to vector<1xf32>
    %squeeze3A_388 = vector.extract %slice3A_387[0] : f32 from vector<1xf32>
    %slice3A_389 = vector.extract_strided_slice %get3A_49 {offsets = [1], sizes = [1], strides = [1]} : vector<16xf32> to vector<1xf32>
    %squeeze3A_390 = vector.extract %slice3A_389[0] : f32 from vector<1xf32>
    %broadcast_in_dim3A_391 = arith.constant 0x7F800000 : f32
    %broadcast_in_dim3A_392 = vector.broadcast %broadcast_in_dim3A_391 : f32 to vector<16xf32>
    %broadcast_in_dim3A_393 = arith.constant 0 : i32
    %broadcast_in_dim3A_394 = vector.broadcast %broadcast_in_dim3A_393 : i32 to vector<16xi32>
    %scan3A_395 = arith.constant 0 : i32
    %scan3A_396 = arith.constant 512 : i32
    %scan3A_397 = arith.addi %scan3A_395, %scan3A_396 : i32
    %scan3A_398 = arith.constant 1 : i32
    %scan3A_399:9 = scf.for %scan3A_1758 = %scan3A_395 to %scan3A_397 step %scan3A_398 iter_args(%scan3A_1759 = %broadcast_in_dim3A_392, %scan3A_1760 = %broadcast_in_dim3A_392, %scan3A_1761 = %broadcast_in_dim3A_392, %scan3A_1762 = %broadcast_in_dim3A_392, %scan3A_1763 = %broadcast_in_dim3A_394, %scan3A_1764 = %broadcast_in_dim3A_394, %scan3A_1765 = %broadcast_in_dim3A_394, %scan3A_1766 = %broadcast_in_dim3A_394, %scan3A_1767 = %iota3A) -> (vector<16xf32>, vector<16xf32>, vector<16xf32>, vector<16xf32>, vector<16xi32>, vector<16xi32>, vector<16xi32>, vector<16xi32>, vector<16xi32>)  : i32 {
      %mul3A_1768 = arith.constant 16 : i32
      %mul3A_1769 = arith.muli %scan3A_1758, %mul3A_1768 : i32
      %get3A_1770 = arith.constant 0 : i32
      %get3A_1771 = arith.index_cast %get3A_1770 : i32 to index
      %get3A_1772 = arith.index_cast %mul3A_1769 : i32 to index
      %get3A_1773 = tpu.vector_load %arg5[%get3A_1771, %get3A_1772] {strides = array<i32>} : memref<4x8192xf32, #tpu.memory_space<vmem>>, vector<1x16xf32>,
      %get3A_1774 = vector.shape_cast %get3A_1773 : vector<1x16xf32> to vector<16xf32>
      %sub3A_1775 = vector.broadcast %squeeze3A_384 : f32 to vector<16xf32>
      %sub3A_1776 = arith.subf %get3A_1774, %sub3A_1775 : vector<16xf32>
      %abs3A = math.absf %sub3A_1776 : vector<16xf32>
      %get3A_1777 = arith.constant 1 : i32
      %get3A_1778 = arith.index_cast %get3A_1777 : i32 to index
      %get3A_1779 = arith.index_cast %mul3A_1769 : i32 to index
      %get3A_1780 = tpu.vector_load %arg5[%get3A_1778, %get3A_1779] {strides = array<i32>} : memref<4x8192xf32, #tpu.memory_space<vmem>>, vector<1x16xf32>,
      %get3A_1781 = vector.shape_cast %get3A_1780 : vector<1x16xf32> to vector<16xf32>
      %sub3A_1782 = vector.broadcast %squeeze3A_386 : f32 to vector<16xf32>
      %sub3A_1783 = arith.subf %get3A_1781, %sub3A_1782 : vector<16xf32>
      %abs3A_1784 = math.absf %sub3A_1783 : vector<16xf32>
      %add3A_1785 = arith.addf %abs3A, %abs3A_1784 : vector<16xf32>
      %get3A_1786 = arith.constant 2 : i32
      %get3A_1787 = arith.index_cast %get3A_1786 : i32 to index
      %get3A_1788 = arith.index_cast %mul3A_1769 : i32 to index
      %get3A_1789 = tpu.vector_load %arg5[%get3A_1787, %get3A_1788] {strides = array<i32>} : memref<4x8192xf32, #tpu.memory_space<vmem>>, vector<1x16xf32>,
      %get3A_1790 = vector.shape_cast %get3A_1789 : vector<1x16xf32> to vector<16xf32>
      %sub3A_1791 = vector.broadcast %squeeze3A_388 : f32 to vector<16xf32>
      %sub3A_1792 = arith.subf %get3A_1790, %sub3A_1791 : vector<16xf32>
      %abs3A_1793 = math.absf %sub3A_1792 : vector<16xf32>
      %add3A_1794 = arith.addf %add3A_1785, %abs3A_1793 : vector<16xf32>
      %get3A_1795 = arith.constant 3 : i32
      %get3A_1796 = arith.index_cast %get3A_1795 : i32 to index
      %get3A_1797 = arith.index_cast %mul3A_1769 : i32 to index
      %get3A_1798 = tpu.vector_load %arg5[%get3A_1796, %get3A_1797] {strides = array<i32>} : memref<4x8192xf32, #tpu.memory_space<vmem>>, vector<1x16xf32>,
      %get3A_1799 = vector.shape_cast %get3A_1798 : vector<1x16xf32> to vector<16xf32>
      %sub3A_1800 = vector.broadcast %squeeze3A_390 : f32 to vector<16xf32>
      %sub3A_1801 = arith.subf %get3A_1799, %sub3A_1800 : vector<16xf32>
      %abs3A_1802 = math.absf %sub3A_1801 : vector<16xf32>
      %add3A_1803 = arith.addf %add3A_1794, %abs3A_1802 : vector<16xf32>
      %lt3A_1804 = arith.cmpf olt, %add3A_1803, %scan3A_1759 : vector<16xf32>
      %lt3A_1805 = arith.cmpf olt, %add3A_1803, %scan3A_1760 : vector<16xf32>
      %lt3A_1806 = arith.cmpf olt, %add3A_1803, %scan3A_1761 : vector<16xf32>
      %lt3A_1807 = arith.cmpf olt, %add3A_1803, %scan3A_1762 : vector<16xf32>
      %select_n3A_1808 = arith.select %lt3A_1806, %scan3A_1761, %add3A_1803 : vector<16xi1>, vector<16xf32>
      %select_n3A_1809 = arith.select %lt3A_1807, %select_n3A_1808, %scan3A_1762 : vector<16xi1>, vector<16xf32>
      %select_n3A_1810 = arith.select %lt3A_1806, %scan3A_1765, %scan3A_1767 : vector<16xi1>, vector<16xi32>
      %select_n3A_1811 = arith.select %lt3A_1807, %select_n3A_1810, %scan3A_1766 : vector<16xi1>, vector<16xi32>
      %select_n3A_1812 = arith.select %lt3A_1805, %scan3A_1760, %add3A_1803 : vector<16xi1>, vector<16xf32>
      %select_n3A_1813 = arith.select %lt3A_1806, %select_n3A_1812, %scan3A_1761 : vector<16xi1>, vector<16xf32>
      %select_n3A_1814 = arith.select %lt3A_1805, %scan3A_1764, %scan3A_1767 : vector<16xi1>, vector<16xi32>
      %select_n3A_1815 = arith.select %lt3A_1806, %select_n3A_1814, %scan3A_1765 : vector<16xi1>, vector<16xi32>
      %select_n3A_1816 = arith.select %lt3A_1804, %scan3A_1759, %add3A_1803 : vector<16xi1>, vector<16xf32>
      %select_n3A_1817 = arith.select %lt3A_1805, %select_n3A_1816, %scan3A_1760 : vector<16xi1>, vector<16xf32>
      %select_n3A_1818 = arith.select %lt3A_1804, %scan3A_1763, %scan3A_1767 : vector<16xi1>, vector<16xi32>
      %select_n3A_1819 = arith.select %lt3A_1805, %select_n3A_1818, %scan3A_1764 : vector<16xi1>, vector<16xi32>
      %select_n3A_1820 = arith.select %lt3A_1804, %add3A_1803, %scan3A_1759 : vector<16xi1>, vector<16xf32>
      %select_n3A_1821 = arith.select %lt3A_1804, %scan3A_1767, %scan3A_1763 : vector<16xi1>, vector<16xi32>
      %add3A_1822 = arith.constant 16 : i32
      %add3A_1823 = vector.broadcast %add3A_1822 : i32 to vector<16xi32>
      %add3A_1824 = arith.addi %scan3A_1767, %add3A_1823 : vector<16xi32>
      scf.yield %select_n3A_1820, %select_n3A_1817, %select_n3A_1813, %select_n3A_1809, %select_n3A_1821, %select_n3A_1819, %select_n3A_1815, %select_n3A_1811, %add3A_1824 : vector<16xf32>, vector<16xf32>, vector<16xf32>, vector<16xf32>, vector<16xi32>, vector<16xi32>, vector<16xi32>, vector<16xi32>, vector<16xi32>
    }
    %scan3A_400 = arith.constant 512 : i32
    %xor3A_401 = arith.constant 8 : i32
    %xor3A_402 = vector.broadcast %xor3A_401 : i32 to vector<16xi32>
    %xor3A_403 = arith.xori %iota3A, %xor3A_402 : vector<16xi32>
    %broadcast_in_dim3A_404 = vector.shape_cast %xor3A_403 : vector<16xi32> to vector<16x1xi32>
    %gather3A_405 = vector.shape_cast %broadcast_in_dim3A_404 : vector<16x1xi32> to vector<16xi32>
    %gather3A_406 = tpu.dynamic_gather %scan3A_399#0[%gather3A_405] in [0] : vector<16xf32>, vector<16xi32> -> vector<16xf32>
    %broadcast_in_dim3A_407 = vector.shape_cast %xor3A_403 : vector<16xi32> to vector<16x1xi32>
    %gather3A_408 = vector.shape_cast %broadcast_in_dim3A_407 : vector<16x1xi32> to vector<16xi32>
    %gather3A_409 = tpu.dynamic_gather %scan3A_399#4[%gather3A_408] in [0] : vector<16xi32>, vector<16xi32> -> vector<16xi32>
    %lt3A_410 = arith.cmpf olt, %gather3A_406, %scan3A_399#0 : vector<16xf32>
    %eq3A_411 = arith.cmpf oeq, %gather3A_406, %scan3A_399#0 : vector<16xf32>
    %lt3A_412 = arith.cmpi slt, %gather3A_409, %scan3A_399#4 : vector<16xi32>
    %and3A_413 = arith.andi %eq3A_411, %lt3A_412 : vector<16xi1>
    %or3A_414 = arith.ori %lt3A_410, %and3A_413 : vector<16xi1>
    %select_n3A_415 = arith.select %or3A_414, %gather3A_406, %scan3A_399#0 : vector<16xi1>, vector<16xf32>
    %select_n3A_416 = arith.select %or3A_414, %gather3A_409, %scan3A_399#4 : vector<16xi1>, vector<16xi32>
    %xor3A_417 = arith.constant 4 : i32
    %xor3A_418 = vector.broadcast %xor3A_417 : i32 to vector<16xi32>
    %xor3A_419 = arith.xori %iota3A, %xor3A_418 : vector<16xi32>
    %broadcast_in_dim3A_420 = vector.shape_cast %xor3A_419 : vector<16xi32> to vector<16x1xi32>
    %gather3A_421 = vector.shape_cast %broadcast_in_dim3A_420 : vector<16x1xi32> to vector<16xi32>
    %gather3A_422 = tpu.dynamic_gather %select_n3A_415[%gather3A_421] in [0] : vector<16xf32>, vector<16xi32> -> vector<16xf32>
    %broadcast_in_dim3A_423 = vector.shape_cast %xor3A_419 : vector<16xi32> to vector<16x1xi32>
    %gather3A_424 = vector.shape_cast %broadcast_in_dim3A_423 : vector<16x1xi32> to vector<16xi32>
    %gather3A_425 = tpu.dynamic_gather %select_n3A_416[%gather3A_424] in [0] : vector<16xi32>, vector<16xi32> -> vector<16xi32>
    %lt3A_426 = arith.cmpf olt, %gather3A_422, %select_n3A_415 : vector<16xf32>
    %eq3A_427 = arith.cmpf oeq, %gather3A_422, %select_n3A_415 : vector<16xf32>
    %lt3A_428 = arith.cmpi slt, %gather3A_425, %select_n3A_416 : vector<16xi32>
    %and3A_429 = arith.andi %eq3A_427, %lt3A_428 : vector<16xi1>
    %or3A_430 = arith.ori %lt3A_426, %and3A_429 : vector<16xi1>
    %select_n3A_431 = arith.select %or3A_430, %gather3A_422, %select_n3A_415 : vector<16xi1>, vector<16xf32>
    %select_n3A_432 = arith.select %or3A_430, %gather3A_425, %select_n3A_416 : vector<16xi1>, vector<16xi32>
    %xor3A_433 = arith.constant 2 : i32
    %xor3A_434 = vector.broadcast %xor3A_433 : i32 to vector<16xi32>
    %xor3A_435 = arith.xori %iota3A, %xor3A_434 : vector<16xi32>
    %broadcast_in_dim3A_436 = vector.shape_cast %xor3A_435 : vector<16xi32> to vector<16x1xi32>
    %gather3A_437 = vector.shape_cast %broadcast_in_dim3A_436 : vector<16x1xi32> to vector<16xi32>
    %gather3A_438 = tpu.dynamic_gather %select_n3A_431[%gather3A_437] in [0] : vector<16xf32>, vector<16xi32> -> vector<16xf32>
    %broadcast_in_dim3A_439 = vector.shape_cast %xor3A_435 : vector<16xi32> to vector<16x1xi32>
    %gather3A_440 = vector.shape_cast %broadcast_in_dim3A_439 : vector<16x1xi32> to vector<16xi32>
    %gather3A_441 = tpu.dynamic_gather %select_n3A_432[%gather3A_440] in [0] : vector<16xi32>, vector<16xi32> -> vector<16xi32>
    %lt3A_442 = arith.cmpf olt, %gather3A_438, %select_n3A_431 : vector<16xf32>
    %eq3A_443 = arith.cmpf oeq, %gather3A_438, %select_n3A_431 : vector<16xf32>
    %lt3A_444 = arith.cmpi slt, %gather3A_441, %select_n3A_432 : vector<16xi32>
    %and3A_445 = arith.andi %eq3A_443, %lt3A_444 : vector<16xi1>
    %or3A_446 = arith.ori %lt3A_442, %and3A_445 : vector<16xi1>
    %select_n3A_447 = arith.select %or3A_446, %gather3A_438, %select_n3A_431 : vector<16xi1>, vector<16xf32>
    %select_n3A_448 = arith.select %or3A_446, %gather3A_441, %select_n3A_432 : vector<16xi1>, vector<16xi32>
    %xor3A_449 = arith.constant 1 : i32
    %xor3A_450 = vector.broadcast %xor3A_449 : i32 to vector<16xi32>
    %xor3A_451 = arith.xori %iota3A, %xor3A_450 : vector<16xi32>
    %broadcast_in_dim3A_452 = vector.shape_cast %xor3A_451 : vector<16xi32> to vector<16x1xi32>
    %gather3A_453 = vector.shape_cast %broadcast_in_dim3A_452 : vector<16x1xi32> to vector<16xi32>
    %gather3A_454 = tpu.dynamic_gather %select_n3A_447[%gather3A_453] in [0] : vector<16xf32>, vector<16xi32> -> vector<16xf32>
    %broadcast_in_dim3A_455 = vector.shape_cast %xor3A_451 : vector<16xi32> to vector<16x1xi32>
    %gather3A_456 = vector.shape_cast %broadcast_in_dim3A_455 : vector<16x1xi32> to vector<16xi32>
    %gather3A_457 = tpu.dynamic_gather %select_n3A_448[%gather3A_456] in [0] : vector<16xi32>, vector<16xi32> -> vector<16xi32>
    %lt3A_458 = arith.cmpf olt, %gather3A_454, %select_n3A_447 : vector<16xf32>
    %eq3A_459 = arith.cmpf oeq, %gather3A_454, %select_n3A_447 : vector<16xf32>
    %lt3A_460 = arith.cmpi slt, %gather3A_457, %select_n3A_448 : vector<16xi32>
    %and3A_461 = arith.andi %eq3A_459, %lt3A_460 : vector<16xi1>
    %or3A_462 = arith.ori %lt3A_458, %and3A_461 : vector<16xi1>
    %select_n3A_463 = arith.select %or3A_462, %gather3A_454, %select_n3A_447 : vector<16xi1>, vector<16xf32>
    %select_n3A_464 = arith.select %or3A_462, %gather3A_457, %select_n3A_448 : vector<16xi1>, vector<16xi32>
    %eq3A_465 = arith.cmpf oeq, %scan3A_399#0, %select_n3A_463 : vector<16xf32>
    %eq3A_466 = arith.cmpi eq, %scan3A_399#4, %select_n3A_464 : vector<16xi32>
    %and3A_467 = arith.andi %eq3A_465, %eq3A_466 : vector<16xi1>
    %select_n3A_468 = arith.select %and3A_467, %scan3A_399#1, %scan3A_399#0 : vector<16xi1>, vector<16xf32>
    %select_n3A_469 = arith.select %and3A_467, %scan3A_399#5, %scan3A_399#4 : vector<16xi1>, vector<16xi32>
    %select_n3A_470 = arith.select %and3A_467, %scan3A_399#2, %scan3A_399#1 : vector<16xi1>, vector<16xf32>
    %select_n3A_471 = arith.select %and3A_467, %scan3A_399#6, %scan3A_399#5 : vector<16xi1>, vector<16xi32>
    %select_n3A_472 = arith.select %and3A_467, %scan3A_399#3, %scan3A_399#2 : vector<16xi1>, vector<16xf32>
    %select_n3A_473 = arith.select %and3A_467, %scan3A_399#7, %scan3A_399#6 : vector<16xi1>, vector<16xi32>
    %jit3A_474 = arith.constant 0x7F800000 : f32
    %broadcast_in_dim3A_475 = vector.broadcast %jit3A_474 : f32 to vector<16xf32>
    %select_n3A_476 = arith.select %and3A_467, %broadcast_in_dim3A_475, %scan3A_399#3 : vector<16xi1>, vector<16xf32>
    %eq3A_477 = arith.constant 1 : i32
    %eq3A_478 = vector.broadcast %eq3A_477 : i32 to vector<16xi32>
    %eq3A_479 = arith.cmpi eq, %iota3A, %eq3A_478 : vector<16xi32>
    %select_n3A_480 = arith.select %eq3A_479, %select_n3A_464, %select_n3A_142 : vector<16xi1>, vector<16xi32>
    %xor3A_481 = arith.constant 8 : i32
    %xor3A_482 = vector.broadcast %xor3A_481 : i32 to vector<16xi32>
    %xor3A_483 = arith.xori %iota3A, %xor3A_482 : vector<16xi32>
    %broadcast_in_dim3A_484 = vector.shape_cast %xor3A_483 : vector<16xi32> to vector<16x1xi32>
    %gather3A_485 = vector.shape_cast %broadcast_in_dim3A_484 : vector<16x1xi32> to vector<16xi32>
    %gather3A_486 = tpu.dynamic_gather %select_n3A_468[%gather3A_485] in [0] : vector<16xf32>, vector<16xi32> -> vector<16xf32>
    %broadcast_in_dim3A_487 = vector.shape_cast %xor3A_483 : vector<16xi32> to vector<16x1xi32>
    %gather3A_488 = vector.shape_cast %broadcast_in_dim3A_487 : vector<16x1xi32> to vector<16xi32>
    %gather3A_489 = tpu.dynamic_gather %select_n3A_469[%gather3A_488] in [0] : vector<16xi32>, vector<16xi32> -> vector<16xi32>
    %lt3A_490 = arith.cmpf olt, %gather3A_486, %select_n3A_468 : vector<16xf32>
    %eq3A_491 = arith.cmpf oeq, %gather3A_486, %select_n3A_468 : vector<16xf32>
    %lt3A_492 = arith.cmpi slt, %gather3A_489, %select_n3A_469 : vector<16xi32>
    %and3A_493 = arith.andi %eq3A_491, %lt3A_492 : vector<16xi1>
    %or3A_494 = arith.ori %lt3A_490, %and3A_493 : vector<16xi1>
    %select_n3A_495 = arith.select %or3A_494, %gather3A_486, %select_n3A_468 : vector<16xi1>, vector<16xf32>
    %select_n3A_496 = arith.select %or3A_494, %gather3A_489, %select_n3A_469 : vector<16xi1>, vector<16xi32>
    %xor3A_497 = arith.constant 4 : i32
    %xor3A_498 = vector.broadcast %xor3A_497 : i32 to vector<16xi32>
    %xor3A_499 = arith.xori %iota3A, %xor3A_498 : vector<16xi32>
    %broadcast_in_dim3A_500 = vector.shape_cast %xor3A_499 : vector<16xi32> to vector<16x1xi32>
    %gather3A_501 = vector.shape_cast %broadcast_in_dim3A_500 : vector<16x1xi32> to vector<16xi32>
    %gather3A_502 = tpu.dynamic_gather %select_n3A_495[%gather3A_501] in [0] : vector<16xf32>, vector<16xi32> -> vector<16xf32>
    %broadcast_in_dim3A_503 = vector.shape_cast %xor3A_499 : vector<16xi32> to vector<16x1xi32>
    %gather3A_504 = vector.shape_cast %broadcast_in_dim3A_503 : vector<16x1xi32> to vector<16xi32>
    %gather3A_505 = tpu.dynamic_gather %select_n3A_496[%gather3A_504] in [0] : vector<16xi32>, vector<16xi32> -> vector<16xi32>
    %lt3A_506 = arith.cmpf olt, %gather3A_502, %select_n3A_495 : vector<16xf32>
    %eq3A_507 = arith.cmpf oeq, %gather3A_502, %select_n3A_495 : vector<16xf32>
    %lt3A_508 = arith.cmpi slt, %gather3A_505, %select_n3A_496 : vector<16xi32>
    %and3A_509 = arith.andi %eq3A_507, %lt3A_508 : vector<16xi1>
    %or3A_510 = arith.ori %lt3A_506, %and3A_509 : vector<16xi1>
    %select_n3A_511 = arith.select %or3A_510, %gather3A_502, %select_n3A_495 : vector<16xi1>, vector<16xf32>
    %select_n3A_512 = arith.select %or3A_510, %gather3A_505, %select_n3A_496 : vector<16xi1>, vector<16xi32>
    %xor3A_513 = arith.constant 2 : i32
    %xor3A_514 = vector.broadcast %xor3A_513 : i32 to vector<16xi32>
    %xor3A_515 = arith.xori %iota3A, %xor3A_514 : vector<16xi32>
    %broadcast_in_dim3A_516 = vector.shape_cast %xor3A_515 : vector<16xi32> to vector<16x1xi32>
    %gather3A_517 = vector.shape_cast %broadcast_in_dim3A_516 : vector<16x1xi32> to vector<16xi32>
    %gather3A_518 = tpu.dynamic_gather %select_n3A_511[%gather3A_517] in [0] : vector<16xf32>, vector<16xi32> -> vector<16xf32>
    %broadcast_in_dim3A_519 = vector.shape_cast %xor3A_515 : vector<16xi32> to vector<16x1xi32>
    %gather3A_520 = vector.shape_cast %broadcast_in_dim3A_519 : vector<16x1xi32> to vector<16xi32>
    %gather3A_521 = tpu.dynamic_gather %select_n3A_512[%gather3A_520] in [0] : vector<16xi32>, vector<16xi32> -> vector<16xi32>
    %lt3A_522 = arith.cmpf olt, %gather3A_518, %select_n3A_511 : vector<16xf32>
    %eq3A_523 = arith.cmpf oeq, %gather3A_518, %select_n3A_511 : vector<16xf32>
    %lt3A_524 = arith.cmpi slt, %gather3A_521, %select_n3A_512 : vector<16xi32>
    %and3A_525 = arith.andi %eq3A_523, %lt3A_524 : vector<16xi1>
    %or3A_526 = arith.ori %lt3A_522, %and3A_525 : vector<16xi1>
    %select_n3A_527 = arith.select %or3A_526, %gather3A_518, %select_n3A_511 : vector<16xi1>, vector<16xf32>
    %select_n3A_528 = arith.select %or3A_526, %gather3A_521, %select_n3A_512 : vector<16xi1>, vector<16xi32>
    %xor3A_529 = arith.constant 1 : i32
    %xor3A_530 = vector.broadcast %xor3A_529 : i32 to vector<16xi32>
    %xor3A_531 = arith.xori %iota3A, %xor3A_530 : vector<16xi32>
    %broadcast_in_dim3A_532 = vector.shape_cast %xor3A_531 : vector<16xi32> to vector<16x1xi32>
    %gather3A_533 = vector.shape_cast %broadcast_in_dim3A_532 : vector<16x1xi32> to vector<16xi32>
    %gather3A_534 = tpu.dynamic_gather %select_n3A_527[%gather3A_533] in [0] : vector<16xf32>, vector<16xi32> -> vector<16xf32>
    %broadcast_in_dim3A_535 = vector.shape_cast %xor3A_531 : vector<16xi32> to vector<16x1xi32>
    %gather3A_536 = vector.shape_cast %broadcast_in_dim3A_535 : vector<16x1xi32> to vector<16xi32>
    %gather3A_537 = tpu.dynamic_gather %select_n3A_528[%gather3A_536] in [0] : vector<16xi32>, vector<16xi32> -> vector<16xi32>
    %lt3A_538 = arith.cmpf olt, %gather3A_534, %select_n3A_527 : vector<16xf32>
    %eq3A_539 = arith.cmpf oeq, %gather3A_534, %select_n3A_527 : vector<16xf32>
    %lt3A_540 = arith.cmpi slt, %gather3A_537, %select_n3A_528 : vector<16xi32>
    %and3A_541 = arith.andi %eq3A_539, %lt3A_540 : vector<16xi1>
    %or3A_542 = arith.ori %lt3A_538, %and3A_541 : vector<16xi1>
    %select_n3A_543 = arith.select %or3A_542, %gather3A_534, %select_n3A_527 : vector<16xi1>, vector<16xf32>
    %select_n3A_544 = arith.select %or3A_542, %gather3A_537, %select_n3A_528 : vector<16xi1>, vector<16xi32>
    %eq3A_545 = arith.cmpf oeq, %select_n3A_468, %select_n3A_543 : vector<16xf32>
    %eq3A_546 = arith.cmpi eq, %select_n3A_469, %select_n3A_544 : vector<16xi32>
    %and3A_547 = arith.andi %eq3A_545, %eq3A_546 : vector<16xi1>
    %select_n3A_548 = arith.select %and3A_547, %select_n3A_470, %select_n3A_468 : vector<16xi1>, vector<16xf32>
    %select_n3A_549 = arith.select %and3A_547, %select_n3A_471, %select_n3A_469 : vector<16xi1>, vector<16xi32>
    %select_n3A_550 = arith.select %and3A_547, %select_n3A_472, %select_n3A_470 : vector<16xi1>, vector<16xf32>
    %select_n3A_551 = arith.select %and3A_547, %select_n3A_473, %select_n3A_471 : vector<16xi1>, vector<16xi32>
    %select_n3A_552 = arith.select %and3A_547, %select_n3A_476, %select_n3A_472 : vector<16xi1>, vector<16xf32>
    %select_n3A_553 = arith.select %and3A_547, %scan3A_399#7, %select_n3A_473 : vector<16xi1>, vector<16xi32>
    %jit3A_554 = arith.constant 0x7F800000 : f32
    %broadcast_in_dim3A_555 = vector.broadcast %jit3A_554 : f32 to vector<16xf32>
    %select_n3A_556 = arith.select %and3A_547, %broadcast_in_dim3A_555, %select_n3A_476 : vector<16xi1>, vector<16xf32>
    %eq3A_557 = arith.constant 1 : i32
    %eq3A_558 = vector.broadcast %eq3A_557 : i32 to vector<16xi32>
    %eq3A_559 = arith.cmpi eq, %iota3A, %eq3A_558 : vector<16xi32>
    %select_n3A_560 = arith.select %eq3A_559, %select_n3A_544, %select_n3A_222 : vector<16xi1>, vector<16xi32>
    %xor3A_561 = arith.constant 8 : i32
    %xor3A_562 = vector.broadcast %xor3A_561 : i32 to vector<16xi32>
    %xor3A_563 = arith.xori %iota3A, %xor3A_562 : vector<16xi32>
    %broadcast_in_dim3A_564 = vector.shape_cast %xor3A_563 : vector<16xi32> to vector<16x1xi32>
    %gather3A_565 = vector.shape_cast %broadcast_in_dim3A_564 : vector<16x1xi32> to vector<16xi32>
    %gather3A_566 = tpu.dynamic_gather %select_n3A_548[%gather3A_565] in [0] : vector<16xf32>, vector<16xi32> -> vector<16xf32>
    %broadcast_in_dim3A_567 = vector.shape_cast %xor3A_563 : vector<16xi32> to vector<16x1xi32>
    %gather3A_568 = vector.shape_cast %broadcast_in_dim3A_567 : vector<16x1xi32> to vector<16xi32>
    %gather3A_569 = tpu.dynamic_gather %select_n3A_549[%gather3A_568] in [0] : vector<16xi32>, vector<16xi32> -> vector<16xi32>
    %lt3A_570 = arith.cmpf olt, %gather3A_566, %select_n3A_548 : vector<16xf32>
    %eq3A_571 = arith.cmpf oeq, %gather3A_566, %select_n3A_548 : vector<16xf32>
    %lt3A_572 = arith.cmpi slt, %gather3A_569, %select_n3A_549 : vector<16xi32>
    %and3A_573 = arith.andi %eq3A_571, %lt3A_572 : vector<16xi1>
    %or3A_574 = arith.ori %lt3A_570, %and3A_573 : vector<16xi1>
    %select_n3A_575 = arith.select %or3A_574, %gather3A_566, %select_n3A_548 : vector<16xi1>, vector<16xf32>
    %select_n3A_576 = arith.select %or3A_574, %gather3A_569, %select_n3A_549 : vector<16xi1>, vector<16xi32>
    %xor3A_577 = arith.constant 4 : i32
    %xor3A_578 = vector.broadcast %xor3A_577 : i32 to vector<16xi32>
    %xor3A_579 = arith.xori %iota3A, %xor3A_578 : vector<16xi32>
    %broadcast_in_dim3A_580 = vector.shape_cast %xor3A_579 : vector<16xi32> to vector<16x1xi32>
    %gather3A_581 = vector.shape_cast %broadcast_in_dim3A_580 : vector<16x1xi32> to vector<16xi32>
    %gather3A_582 = tpu.dynamic_gather %select_n3A_575[%gather3A_581] in [0] : vector<16xf32>, vector<16xi32> -> vector<16xf32>
    %broadcast_in_dim3A_583 = vector.shape_cast %xor3A_579 : vector<16xi32> to vector<16x1xi32>
    %gather3A_584 = vector.shape_cast %broadcast_in_dim3A_583 : vector<16x1xi32> to vector<16xi32>
    %gather3A_585 = tpu.dynamic_gather %select_n3A_576[%gather3A_584] in [0] : vector<16xi32>, vector<16xi32> -> vector<16xi32>
    %lt3A_586 = arith.cmpf olt, %gather3A_582, %select_n3A_575 : vector<16xf32>
    %eq3A_587 = arith.cmpf oeq, %gather3A_582, %select_n3A_575 : vector<16xf32>
    %lt3A_588 = arith.cmpi slt, %gather3A_585, %select_n3A_576 : vector<16xi32>
    %and3A_589 = arith.andi %eq3A_587, %lt3A_588 : vector<16xi1>
    %or3A_590 = arith.ori %lt3A_586, %and3A_589 : vector<16xi1>
    %select_n3A_591 = arith.select %or3A_590, %gather3A_582, %select_n3A_575 : vector<16xi1>, vector<16xf32>
    %select_n3A_592 = arith.select %or3A_590, %gather3A_585, %select_n3A_576 : vector<16xi1>, vector<16xi32>
    %xor3A_593 = arith.constant 2 : i32
    %xor3A_594 = vector.broadcast %xor3A_593 : i32 to vector<16xi32>
    %xor3A_595 = arith.xori %iota3A, %xor3A_594 : vector<16xi32>
    %broadcast_in_dim3A_596 = vector.shape_cast %xor3A_595 : vector<16xi32> to vector<16x1xi32>
    %gather3A_597 = vector.shape_cast %broadcast_in_dim3A_596 : vector<16x1xi32> to vector<16xi32>
    %gather3A_598 = tpu.dynamic_gather %select_n3A_591[%gather3A_597] in [0] : vector<16xf32>, vector<16xi32> -> vector<16xf32>
    %broadcast_in_dim3A_599 = vector.shape_cast %xor3A_595 : vector<16xi32> to vector<16x1xi32>
    %gather3A_600 = vector.shape_cast %broadcast_in_dim3A_599 : vector<16x1xi32> to vector<16xi32>
    %gather3A_601 = tpu.dynamic_gather %select_n3A_592[%gather3A_600] in [0] : vector<16xi32>, vector<16xi32> -> vector<16xi32>
    %lt3A_602 = arith.cmpf olt, %gather3A_598, %select_n3A_591 : vector<16xf32>
    %eq3A_603 = arith.cmpf oeq, %gather3A_598, %select_n3A_591 : vector<16xf32>
    %lt3A_604 = arith.cmpi slt, %gather3A_601, %select_n3A_592 : vector<16xi32>
    %and3A_605 = arith.andi %eq3A_603, %lt3A_604 : vector<16xi1>
    %or3A_606 = arith.ori %lt3A_602, %and3A_605 : vector<16xi1>
    %select_n3A_607 = arith.select %or3A_606, %gather3A_598, %select_n3A_591 : vector<16xi1>, vector<16xf32>
    %select_n3A_608 = arith.select %or3A_606, %gather3A_601, %select_n3A_592 : vector<16xi1>, vector<16xi32>
    %xor3A_609 = arith.constant 1 : i32
    %xor3A_610 = vector.broadcast %xor3A_609 : i32 to vector<16xi32>
    %xor3A_611 = arith.xori %iota3A, %xor3A_610 : vector<16xi32>
    %broadcast_in_dim3A_612 = vector.shape_cast %xor3A_611 : vector<16xi32> to vector<16x1xi32>
    %gather3A_613 = vector.shape_cast %broadcast_in_dim3A_612 : vector<16x1xi32> to vector<16xi32>
    %gather3A_614 = tpu.dynamic_gather %select_n3A_607[%gather3A_613] in [0] : vector<16xf32>, vector<16xi32> -> vector<16xf32>
    %broadcast_in_dim3A_615 = vector.shape_cast %xor3A_611 : vector<16xi32> to vector<16x1xi32>
    %gather3A_616 = vector.shape_cast %broadcast_in_dim3A_615 : vector<16x1xi32> to vector<16xi32>
    %gather3A_617 = tpu.dynamic_gather %select_n3A_608[%gather3A_616] in [0] : vector<16xi32>, vector<16xi32> -> vector<16xi32>
    %lt3A_618 = arith.cmpf olt, %gather3A_614, %select_n3A_607 : vector<16xf32>
    %eq3A_619 = arith.cmpf oeq, %gather3A_614, %select_n3A_607 : vector<16xf32>
    %lt3A_620 = arith.cmpi slt, %gather3A_617, %select_n3A_608 : vector<16xi32>
    %and3A_621 = arith.andi %eq3A_619, %lt3A_620 : vector<16xi1>
    %or3A_622 = arith.ori %lt3A_618, %and3A_621 : vector<16xi1>
    %select_n3A_623 = arith.select %or3A_622, %gather3A_614, %select_n3A_607 : vector<16xi1>, vector<16xf32>
    %select_n3A_624 = arith.select %or3A_622, %gather3A_617, %select_n3A_608 : vector<16xi1>, vector<16xi32>
    %eq3A_625 = arith.cmpf oeq, %select_n3A_548, %select_n3A_623 : vector<16xf32>
    %eq3A_626 = arith.cmpi eq, %select_n3A_549, %select_n3A_624 : vector<16xi32>
    %and3A_627 = arith.andi %eq3A_625, %eq3A_626 : vector<16xi1>
    %select_n3A_628 = arith.select %and3A_627, %select_n3A_550, %select_n3A_548 : vector<16xi1>, vector<16xf32>
    %select_n3A_629 = arith.select %and3A_627, %select_n3A_551, %select_n3A_549 : vector<16xi1>, vector<16xi32>
    %select_n3A_630 = arith.select %and3A_627, %select_n3A_552, %select_n3A_550 : vector<16xi1>, vector<16xf32>
    %select_n3A_631 = arith.select %and3A_627, %select_n3A_553, %select_n3A_551 : vector<16xi1>, vector<16xi32>
    %select_n3A_632 = arith.select %and3A_627, %select_n3A_556, %select_n3A_552 : vector<16xi1>, vector<16xf32>
    %select_n3A_633 = arith.select %and3A_627, %scan3A_399#7, %select_n3A_553 : vector<16xi1>, vector<16xi32>
    %jit3A_634 = arith.constant 0x7F800000 : f32
    %broadcast_in_dim3A_635 = vector.broadcast %jit3A_634 : f32 to vector<16xf32>
    %select_n3A_636 = arith.select %and3A_627, %broadcast_in_dim3A_635, %select_n3A_556 : vector<16xi1>, vector<16xf32>
    %eq3A_637 = arith.constant 1 : i32
    %eq3A_638 = vector.broadcast %eq3A_637 : i32 to vector<16xi32>
    %eq3A_639 = arith.cmpi eq, %iota3A, %eq3A_638 : vector<16xi32>
    %select_n3A_640 = arith.select %eq3A_639, %select_n3A_624, %select_n3A_302 : vector<16xi1>, vector<16xi32>
    %xor3A_641 = arith.constant 8 : i32
    %xor3A_642 = vector.broadcast %xor3A_641 : i32 to vector<16xi32>
    %xor3A_643 = arith.xori %iota3A, %xor3A_642 : vector<16xi32>
    %broadcast_in_dim3A_644 = vector.shape_cast %xor3A_643 : vector<16xi32> to vector<16x1xi32>
    %gather3A_645 = vector.shape_cast %broadcast_in_dim3A_644 : vector<16x1xi32> to vector<16xi32>
    %gather3A_646 = tpu.dynamic_gather %select_n3A_628[%gather3A_645] in [0] : vector<16xf32>, vector<16xi32> -> vector<16xf32>
    %broadcast_in_dim3A_647 = vector.shape_cast %xor3A_643 : vector<16xi32> to vector<16x1xi32>
    %gather3A_648 = vector.shape_cast %broadcast_in_dim3A_647 : vector<16x1xi32> to vector<16xi32>
    %gather3A_649 = tpu.dynamic_gather %select_n3A_629[%gather3A_648] in [0] : vector<16xi32>, vector<16xi32> -> vector<16xi32>
    %lt3A_650 = arith.cmpf olt, %gather3A_646, %select_n3A_628 : vector<16xf32>
    %eq3A_651 = arith.cmpf oeq, %gather3A_646, %select_n3A_628 : vector<16xf32>
    %lt3A_652 = arith.cmpi slt, %gather3A_649, %select_n3A_629 : vector<16xi32>
    %and3A_653 = arith.andi %eq3A_651, %lt3A_652 : vector<16xi1>
    %or3A_654 = arith.ori %lt3A_650, %and3A_653 : vector<16xi1>
    %select_n3A_655 = arith.select %or3A_654, %gather3A_646, %select_n3A_628 : vector<16xi1>, vector<16xf32>
    %select_n3A_656 = arith.select %or3A_654, %gather3A_649, %select_n3A_629 : vector<16xi1>, vector<16xi32>
    %xor3A_657 = arith.constant 4 : i32
    %xor3A_658 = vector.broadcast %xor3A_657 : i32 to vector<16xi32>
    %xor3A_659 = arith.xori %iota3A, %xor3A_658 : vector<16xi32>
    %broadcast_in_dim3A_660 = vector.shape_cast %xor3A_659 : vector<16xi32> to vector<16x1xi32>
    %gather3A_661 = vector.shape_cast %broadcast_in_dim3A_660 : vector<16x1xi32> to vector<16xi32>
    %gather3A_662 = tpu.dynamic_gather %select_n3A_655[%gather3A_661] in [0] : vector<16xf32>, vector<16xi32> -> vector<16xf32>
    %broadcast_in_dim3A_663 = vector.shape_cast %xor3A_659 : vector<16xi32> to vector<16x1xi32>
    %gather3A_664 = vector.shape_cast %broadcast_in_dim3A_663 : vector<16x1xi32> to vector<16xi32>
    %gather3A_665 = tpu.dynamic_gather %select_n3A_656[%gather3A_664] in [0] : vector<16xi32>, vector<16xi32> -> vector<16xi32>
    %lt3A_666 = arith.cmpf olt, %gather3A_662, %select_n3A_655 : vector<16xf32>
    %eq3A_667 = arith.cmpf oeq, %gather3A_662, %select_n3A_655 : vector<16xf32>
    %lt3A_668 = arith.cmpi slt, %gather3A_665, %select_n3A_656 : vector<16xi32>
    %and3A_669 = arith.andi %eq3A_667, %lt3A_668 : vector<16xi1>
    %or3A_670 = arith.ori %lt3A_666, %and3A_669 : vector<16xi1>
    %select_n3A_671 = arith.select %or3A_670, %gather3A_662, %select_n3A_655 : vector<16xi1>, vector<16xf32>
    %select_n3A_672 = arith.select %or3A_670, %gather3A_665, %select_n3A_656 : vector<16xi1>, vector<16xi32>
    %xor3A_673 = arith.constant 2 : i32
    %xor3A_674 = vector.broadcast %xor3A_673 : i32 to vector<16xi32>
    %xor3A_675 = arith.xori %iota3A, %xor3A_674 : vector<16xi32>
    %broadcast_in_dim3A_676 = vector.shape_cast %xor3A_675 : vector<16xi32> to vector<16x1xi32>
    %gather3A_677 = vector.shape_cast %broadcast_in_dim3A_676 : vector<16x1xi32> to vector<16xi32>
    %gather3A_678 = tpu.dynamic_gather %select_n3A_671[%gather3A_677] in [0] : vector<16xf32>, vector<16xi32> -> vector<16xf32>
    %broadcast_in_dim3A_679 = vector.shape_cast %xor3A_675 : vector<16xi32> to vector<16x1xi32>
    %gather3A_680 = vector.shape_cast %broadcast_in_dim3A_679 : vector<16x1xi32> to vector<16xi32>
    %gather3A_681 = tpu.dynamic_gather %select_n3A_672[%gather3A_680] in [0] : vector<16xi32>, vector<16xi32> -> vector<16xi32>
    %lt3A_682 = arith.cmpf olt, %gather3A_678, %select_n3A_671 : vector<16xf32>
    %eq3A_683 = arith.cmpf oeq, %gather3A_678, %select_n3A_671 : vector<16xf32>
    %lt3A_684 = arith.cmpi slt, %gather3A_681, %select_n3A_672 : vector<16xi32>
    %and3A_685 = arith.andi %eq3A_683, %lt3A_684 : vector<16xi1>
    %or3A_686 = arith.ori %lt3A_682, %and3A_685 : vector<16xi1>
    %select_n3A_687 = arith.select %or3A_686, %gather3A_678, %select_n3A_671 : vector<16xi1>, vector<16xf32>
    %select_n3A_688 = arith.select %or3A_686, %gather3A_681, %select_n3A_672 : vector<16xi1>, vector<16xi32>
    %xor3A_689 = arith.constant 1 : i32
    %xor3A_690 = vector.broadcast %xor3A_689 : i32 to vector<16xi32>
    %xor3A_691 = arith.xori %iota3A, %xor3A_690 : vector<16xi32>
    %broadcast_in_dim3A_692 = vector.shape_cast %xor3A_691 : vector<16xi32> to vector<16x1xi32>
    %gather3A_693 = vector.shape_cast %broadcast_in_dim3A_692 : vector<16x1xi32> to vector<16xi32>
    %gather3A_694 = tpu.dynamic_gather %select_n3A_687[%gather3A_693] in [0] : vector<16xf32>, vector<16xi32> -> vector<16xf32>
    %broadcast_in_dim3A_695 = vector.shape_cast %xor3A_691 : vector<16xi32> to vector<16x1xi32>
    %gather3A_696 = vector.shape_cast %broadcast_in_dim3A_695 : vector<16x1xi32> to vector<16xi32>
    %gather3A_697 = tpu.dynamic_gather %select_n3A_688[%gather3A_696] in [0] : vector<16xi32>, vector<16xi32> -> vector<16xi32>
    %lt3A_698 = arith.cmpf olt, %gather3A_694, %select_n3A_687 : vector<16xf32>
    %eq3A_699 = arith.cmpf oeq, %gather3A_694, %select_n3A_687 : vector<16xf32>
    %lt3A_700 = arith.cmpi slt, %gather3A_697, %select_n3A_688 : vector<16xi32>
    %and3A_701 = arith.andi %eq3A_699, %lt3A_700 : vector<16xi1>
    %or3A_702 = arith.ori %lt3A_698, %and3A_701 : vector<16xi1>
    %select_n3A_703 = arith.select %or3A_702, %gather3A_694, %select_n3A_687 : vector<16xi1>, vector<16xf32>
    %select_n3A_704 = arith.select %or3A_702, %gather3A_697, %select_n3A_688 : vector<16xi1>, vector<16xi32>
    %eq3A_705 = arith.cmpf oeq, %select_n3A_628, %select_n3A_703 : vector<16xf32>
    %eq3A_706 = arith.cmpi eq, %select_n3A_629, %select_n3A_704 : vector<16xi32>
    %and3A_707 = arith.andi %eq3A_705, %eq3A_706 : vector<16xi1>
    %select_n3A_708 = arith.select %and3A_707, %select_n3A_630, %select_n3A_628 : vector<16xi1>, vector<16xf32>
    %select_n3A_709 = arith.select %and3A_707, %select_n3A_631, %select_n3A_629 : vector<16xi1>, vector<16xi32>
    %select_n3A_710 = arith.select %and3A_707, %select_n3A_632, %select_n3A_630 : vector<16xi1>, vector<16xf32>
    %select_n3A_711 = arith.select %and3A_707, %select_n3A_633, %select_n3A_631 : vector<16xi1>, vector<16xi32>
    %select_n3A_712 = arith.select %and3A_707, %select_n3A_636, %select_n3A_632 : vector<16xi1>, vector<16xf32>
    %select_n3A_713 = arith.select %and3A_707, %scan3A_399#7, %select_n3A_633 : vector<16xi1>, vector<16xi32>
    %jit3A_714 = arith.constant 0x7F800000 : f32
    %broadcast_in_dim3A_715 = vector.broadcast %jit3A_714 : f32 to vector<16xf32>
    %select_n3A_716 = arith.select %and3A_707, %broadcast_in_dim3A_715, %select_n3A_636 : vector<16xi1>, vector<16xf32>
    %eq3A_717 = arith.constant 1 : i32
    %eq3A_718 = vector.broadcast %eq3A_717 : i32 to vector<16xi32>
    %eq3A_719 = arith.cmpi eq, %iota3A, %eq3A_718 : vector<16xi32>
    %select_n3A_720 = arith.select %eq3A_719, %select_n3A_704, %select_n3A_382 : vector<16xi1>, vector<16xi32>
    %slice3A_721 = vector.extract_strided_slice %get3A_34 {offsets = [2], sizes = [1], strides = [1]} : vector<16xf32> to vector<1xf32>
    %squeeze3A_722 = vector.extract %slice3A_721[0] : f32 from vector<1xf32>
    %slice3A_723 = vector.extract_strided_slice %get3A_39 {offsets = [2], sizes = [1], strides = [1]} : vector<16xf32> to vector<1xf32>
    %squeeze3A_724 = vector.extract %slice3A_723[0] : f32 from vector<1xf32>
    %slice3A_725 = vector.extract_strided_slice %get3A_44 {offsets = [2], sizes = [1], strides = [1]} : vector<16xf32> to vector<1xf32>
    %squeeze3A_726 = vector.extract %slice3A_725[0] : f32 from vector<1xf32>
    %slice3A_727 = vector.extract_strided_slice %get3A_49 {offsets = [2], sizes = [1], strides = [1]} : vector<16xf32> to vector<1xf32>
    %squeeze3A_728 = vector.extract %slice3A_727[0] : f32 from vector<1xf32>
    %broadcast_in_dim3A_729 = arith.constant 0x7F800000 : f32
    %broadcast_in_dim3A_730 = vector.broadcast %broadcast_in_dim3A_729 : f32 to vector<16xf32>
    %broadcast_in_dim3A_731 = arith.constant 0 : i32
    %broadcast_in_dim3A_732 = vector.broadcast %broadcast_in_dim3A_731 : i32 to vector<16xi32>
    %scan3A_733 = arith.constant 0 : i32
    %scan3A_734 = arith.constant 512 : i32
    %scan3A_735 = arith.addi %scan3A_733, %scan3A_734 : i32
    %scan3A_736 = arith.constant 1 : i32
    %scan3A_737:9 = scf.for %scan3A_1758 = %scan3A_733 to %scan3A_735 step %scan3A_736 iter_args(%scan3A_1759 = %broadcast_in_dim3A_730, %scan3A_1760 = %broadcast_in_dim3A_730, %scan3A_1761 = %broadcast_in_dim3A_730, %scan3A_1762 = %broadcast_in_dim3A_730, %scan3A_1763 = %broadcast_in_dim3A_732, %scan3A_1764 = %broadcast_in_dim3A_732, %scan3A_1765 = %broadcast_in_dim3A_732, %scan3A_1766 = %broadcast_in_dim3A_732, %scan3A_1767 = %iota3A) -> (vector<16xf32>, vector<16xf32>, vector<16xf32>, vector<16xf32>, vector<16xi32>, vector<16xi32>, vector<16xi32>, vector<16xi32>, vector<16xi32>)  : i32 {
      %mul3A_1768 = arith.constant 16 : i32
      %mul3A_1769 = arith.muli %scan3A_1758, %mul3A_1768 : i32
      %get3A_1770 = arith.constant 0 : i32
      %get3A_1771 = arith.index_cast %get3A_1770 : i32 to index
      %get3A_1772 = arith.index_cast %mul3A_1769 : i32 to index
      %get3A_1773 = tpu.vector_load %arg5[%get3A_1771, %get3A_1772] {strides = array<i32>} : memref<4x8192xf32, #tpu.memory_space<vmem>>, vector<1x16xf32>,
      %get3A_1774 = vector.shape_cast %get3A_1773 : vector<1x16xf32> to vector<16xf32>
      %sub3A_1775 = vector.broadcast %squeeze3A_722 : f32 to vector<16xf32>
      %sub3A_1776 = arith.subf %get3A_1774, %sub3A_1775 : vector<16xf32>
      %abs3A = math.absf %sub3A_1776 : vector<16xf32>
      %get3A_1777 = arith.constant 1 : i32
      %get3A_1778 = arith.index_cast %get3A_1777 : i32 to index
      %get3A_1779 = arith.index_cast %mul3A_1769 : i32 to index
      %get3A_1780 = tpu.vector_load %arg5[%get3A_1778, %get3A_1779] {strides = array<i32>} : memref<4x8192xf32, #tpu.memory_space<vmem>>, vector<1x16xf32>,
      %get3A_1781 = vector.shape_cast %get3A_1780 : vector<1x16xf32> to vector<16xf32>
      %sub3A_1782 = vector.broadcast %squeeze3A_724 : f32 to vector<16xf32>
      %sub3A_1783 = arith.subf %get3A_1781, %sub3A_1782 : vector<16xf32>
      %abs3A_1784 = math.absf %sub3A_1783 : vector<16xf32>
      %add3A_1785 = arith.addf %abs3A, %abs3A_1784 : vector<16xf32>
      %get3A_1786 = arith.constant 2 : i32
      %get3A_1787 = arith.index_cast %get3A_1786 : i32 to index
      %get3A_1788 = arith.index_cast %mul3A_1769 : i32 to index
      %get3A_1789 = tpu.vector_load %arg5[%get3A_1787, %get3A_1788] {strides = array<i32>} : memref<4x8192xf32, #tpu.memory_space<vmem>>, vector<1x16xf32>,
      %get3A_1790 = vector.shape_cast %get3A_1789 : vector<1x16xf32> to vector<16xf32>
      %sub3A_1791 = vector.broadcast %squeeze3A_726 : f32 to vector<16xf32>
      %sub3A_1792 = arith.subf %get3A_1790, %sub3A_1791 : vector<16xf32>
      %abs3A_1793 = math.absf %sub3A_1792 : vector<16xf32>
      %add3A_1794 = arith.addf %add3A_1785, %abs3A_1793 : vector<16xf32>
      %get3A_1795 = arith.constant 3 : i32
      %get3A_1796 = arith.index_cast %get3A_1795 : i32 to index
      %get3A_1797 = arith.index_cast %mul3A_1769 : i32 to index
      %get3A_1798 = tpu.vector_load %arg5[%get3A_1796, %get3A_1797] {strides = array<i32>} : memref<4x8192xf32, #tpu.memory_space<vmem>>, vector<1x16xf32>,
      %get3A_1799 = vector.shape_cast %get3A_1798 : vector<1x16xf32> to vector<16xf32>
      %sub3A_1800 = vector.broadcast %squeeze3A_728 : f32 to vector<16xf32>
      %sub3A_1801 = arith.subf %get3A_1799, %sub3A_1800 : vector<16xf32>
      %abs3A_1802 = math.absf %sub3A_1801 : vector<16xf32>
      %add3A_1803 = arith.addf %add3A_1794, %abs3A_1802 : vector<16xf32>
      %lt3A_1804 = arith.cmpf olt, %add3A_1803, %scan3A_1759 : vector<16xf32>
      %lt3A_1805 = arith.cmpf olt, %add3A_1803, %scan3A_1760 : vector<16xf32>
      %lt3A_1806 = arith.cmpf olt, %add3A_1803, %scan3A_1761 : vector<16xf32>
      %lt3A_1807 = arith.cmpf olt, %add3A_1803, %scan3A_1762 : vector<16xf32>
      %select_n3A_1808 = arith.select %lt3A_1806, %scan3A_1761, %add3A_1803 : vector<16xi1>, vector<16xf32>
      %select_n3A_1809 = arith.select %lt3A_1807, %select_n3A_1808, %scan3A_1762 : vector<16xi1>, vector<16xf32>
      %select_n3A_1810 = arith.select %lt3A_1806, %scan3A_1765, %scan3A_1767 : vector<16xi1>, vector<16xi32>
      %select_n3A_1811 = arith.select %lt3A_1807, %select_n3A_1810, %scan3A_1766 : vector<16xi1>, vector<16xi32>
      %select_n3A_1812 = arith.select %lt3A_1805, %scan3A_1760, %add3A_1803 : vector<16xi1>, vector<16xf32>
      %select_n3A_1813 = arith.select %lt3A_1806, %select_n3A_1812, %scan3A_1761 : vector<16xi1>, vector<16xf32>
      %select_n3A_1814 = arith.select %lt3A_1805, %scan3A_1764, %scan3A_1767 : vector<16xi1>, vector<16xi32>
      %select_n3A_1815 = arith.select %lt3A_1806, %select_n3A_1814, %scan3A_1765 : vector<16xi1>, vector<16xi32>
      %select_n3A_1816 = arith.select %lt3A_1804, %scan3A_1759, %add3A_1803 : vector<16xi1>, vector<16xf32>
      %select_n3A_1817 = arith.select %lt3A_1805, %select_n3A_1816, %scan3A_1760 : vector<16xi1>, vector<16xf32>
      %select_n3A_1818 = arith.select %lt3A_1804, %scan3A_1763, %scan3A_1767 : vector<16xi1>, vector<16xi32>
      %select_n3A_1819 = arith.select %lt3A_1805, %select_n3A_1818, %scan3A_1764 : vector<16xi1>, vector<16xi32>
      %select_n3A_1820 = arith.select %lt3A_1804, %add3A_1803, %scan3A_1759 : vector<16xi1>, vector<16xf32>
      %select_n3A_1821 = arith.select %lt3A_1804, %scan3A_1767, %scan3A_1763 : vector<16xi1>, vector<16xi32>
      %add3A_1822 = arith.constant 16 : i32
      %add3A_1823 = vector.broadcast %add3A_1822 : i32 to vector<16xi32>
      %add3A_1824 = arith.addi %scan3A_1767, %add3A_1823 : vector<16xi32>
      scf.yield %select_n3A_1820, %select_n3A_1817, %select_n3A_1813, %select_n3A_1809, %select_n3A_1821, %select_n3A_1819, %select_n3A_1815, %select_n3A_1811, %add3A_1824 : vector<16xf32>, vector<16xf32>, vector<16xf32>, vector<16xf32>, vector<16xi32>, vector<16xi32>, vector<16xi32>, vector<16xi32>, vector<16xi32>
    }
    %scan3A_738 = arith.constant 512 : i32
    %xor3A_739 = arith.constant 8 : i32
    %xor3A_740 = vector.broadcast %xor3A_739 : i32 to vector<16xi32>
    %xor3A_741 = arith.xori %iota3A, %xor3A_740 : vector<16xi32>
    %broadcast_in_dim3A_742 = vector.shape_cast %xor3A_741 : vector<16xi32> to vector<16x1xi32>
    %gather3A_743 = vector.shape_cast %broadcast_in_dim3A_742 : vector<16x1xi32> to vector<16xi32>
    %gather3A_744 = tpu.dynamic_gather %scan3A_737#0[%gather3A_743] in [0] : vector<16xf32>, vector<16xi32> -> vector<16xf32>
    %broadcast_in_dim3A_745 = vector.shape_cast %xor3A_741 : vector<16xi32> to vector<16x1xi32>
    %gather3A_746 = vector.shape_cast %broadcast_in_dim3A_745 : vector<16x1xi32> to vector<16xi32>
    %gather3A_747 = tpu.dynamic_gather %scan3A_737#4[%gather3A_746] in [0] : vector<16xi32>, vector<16xi32> -> vector<16xi32>
    %lt3A_748 = arith.cmpf olt, %gather3A_744, %scan3A_737#0 : vector<16xf32>
    %eq3A_749 = arith.cmpf oeq, %gather3A_744, %scan3A_737#0 : vector<16xf32>
    %lt3A_750 = arith.cmpi slt, %gather3A_747, %scan3A_737#4 : vector<16xi32>
    %and3A_751 = arith.andi %eq3A_749, %lt3A_750 : vector<16xi1>
    %or3A_752 = arith.ori %lt3A_748, %and3A_751 : vector<16xi1>
    %select_n3A_753 = arith.select %or3A_752, %gather3A_744, %scan3A_737#0 : vector<16xi1>, vector<16xf32>
    %select_n3A_754 = arith.select %or3A_752, %gather3A_747, %scan3A_737#4 : vector<16xi1>, vector<16xi32>
    %xor3A_755 = arith.constant 4 : i32
    %xor3A_756 = vector.broadcast %xor3A_755 : i32 to vector<16xi32>
    %xor3A_757 = arith.xori %iota3A, %xor3A_756 : vector<16xi32>
    %broadcast_in_dim3A_758 = vector.shape_cast %xor3A_757 : vector<16xi32> to vector<16x1xi32>
    %gather3A_759 = vector.shape_cast %broadcast_in_dim3A_758 : vector<16x1xi32> to vector<16xi32>
    %gather3A_760 = tpu.dynamic_gather %select_n3A_753[%gather3A_759] in [0] : vector<16xf32>, vector<16xi32> -> vector<16xf32>
    %broadcast_in_dim3A_761 = vector.shape_cast %xor3A_757 : vector<16xi32> to vector<16x1xi32>
    %gather3A_762 = vector.shape_cast %broadcast_in_dim3A_761 : vector<16x1xi32> to vector<16xi32>
    %gather3A_763 = tpu.dynamic_gather %select_n3A_754[%gather3A_762] in [0] : vector<16xi32>, vector<16xi32> -> vector<16xi32>
    %lt3A_764 = arith.cmpf olt, %gather3A_760, %select_n3A_753 : vector<16xf32>
    %eq3A_765 = arith.cmpf oeq, %gather3A_760, %select_n3A_753 : vector<16xf32>
    %lt3A_766 = arith.cmpi slt, %gather3A_763, %select_n3A_754 : vector<16xi32>
    %and3A_767 = arith.andi %eq3A_765, %lt3A_766 : vector<16xi1>
    %or3A_768 = arith.ori %lt3A_764, %and3A_767 : vector<16xi1>
    %select_n3A_769 = arith.select %or3A_768, %gather3A_760, %select_n3A_753 : vector<16xi1>, vector<16xf32>
    %select_n3A_770 = arith.select %or3A_768, %gather3A_763, %select_n3A_754 : vector<16xi1>, vector<16xi32>
    %xor3A_771 = arith.constant 2 : i32
    %xor3A_772 = vector.broadcast %xor3A_771 : i32 to vector<16xi32>
    %xor3A_773 = arith.xori %iota3A, %xor3A_772 : vector<16xi32>
    %broadcast_in_dim3A_774 = vector.shape_cast %xor3A_773 : vector<16xi32> to vector<16x1xi32>
    %gather3A_775 = vector.shape_cast %broadcast_in_dim3A_774 : vector<16x1xi32> to vector<16xi32>
    %gather3A_776 = tpu.dynamic_gather %select_n3A_769[%gather3A_775] in [0] : vector<16xf32>, vector<16xi32> -> vector<16xf32>
    %broadcast_in_dim3A_777 = vector.shape_cast %xor3A_773 : vector<16xi32> to vector<16x1xi32>
    %gather3A_778 = vector.shape_cast %broadcast_in_dim3A_777 : vector<16x1xi32> to vector<16xi32>
    %gather3A_779 = tpu.dynamic_gather %select_n3A_770[%gather3A_778] in [0] : vector<16xi32>, vector<16xi32> -> vector<16xi32>
    %lt3A_780 = arith.cmpf olt, %gather3A_776, %select_n3A_769 : vector<16xf32>
    %eq3A_781 = arith.cmpf oeq, %gather3A_776, %select_n3A_769 : vector<16xf32>
    %lt3A_782 = arith.cmpi slt, %gather3A_779, %select_n3A_770 : vector<16xi32>
    %and3A_783 = arith.andi %eq3A_781, %lt3A_782 : vector<16xi1>
    %or3A_784 = arith.ori %lt3A_780, %and3A_783 : vector<16xi1>
    %select_n3A_785 = arith.select %or3A_784, %gather3A_776, %select_n3A_769 : vector<16xi1>, vector<16xf32>
    %select_n3A_786 = arith.select %or3A_784, %gather3A_779, %select_n3A_770 : vector<16xi1>, vector<16xi32>
    %xor3A_787 = arith.constant 1 : i32
    %xor3A_788 = vector.broadcast %xor3A_787 : i32 to vector<16xi32>
    %xor3A_789 = arith.xori %iota3A, %xor3A_788 : vector<16xi32>
    %broadcast_in_dim3A_790 = vector.shape_cast %xor3A_789 : vector<16xi32> to vector<16x1xi32>
    %gather3A_791 = vector.shape_cast %broadcast_in_dim3A_790 : vector<16x1xi32> to vector<16xi32>
    %gather3A_792 = tpu.dynamic_gather %select_n3A_785[%gather3A_791] in [0] : vector<16xf32>, vector<16xi32> -> vector<16xf32>
    %broadcast_in_dim3A_793 = vector.shape_cast %xor3A_789 : vector<16xi32> to vector<16x1xi32>
    %gather3A_794 = vector.shape_cast %broadcast_in_dim3A_793 : vector<16x1xi32> to vector<16xi32>
    %gather3A_795 = tpu.dynamic_gather %select_n3A_786[%gather3A_794] in [0] : vector<16xi32>, vector<16xi32> -> vector<16xi32>
    %lt3A_796 = arith.cmpf olt, %gather3A_792, %select_n3A_785 : vector<16xf32>
    %eq3A_797 = arith.cmpf oeq, %gather3A_792, %select_n3A_785 : vector<16xf32>
    %lt3A_798 = arith.cmpi slt, %gather3A_795, %select_n3A_786 : vector<16xi32>
    %and3A_799 = arith.andi %eq3A_797, %lt3A_798 : vector<16xi1>
    %or3A_800 = arith.ori %lt3A_796, %and3A_799 : vector<16xi1>
    %select_n3A_801 = arith.select %or3A_800, %gather3A_792, %select_n3A_785 : vector<16xi1>, vector<16xf32>
    %select_n3A_802 = arith.select %or3A_800, %gather3A_795, %select_n3A_786 : vector<16xi1>, vector<16xi32>
    %eq3A_803 = arith.cmpf oeq, %scan3A_737#0, %select_n3A_801 : vector<16xf32>
    %eq3A_804 = arith.cmpi eq, %scan3A_737#4, %select_n3A_802 : vector<16xi32>
    %and3A_805 = arith.andi %eq3A_803, %eq3A_804 : vector<16xi1>
    %select_n3A_806 = arith.select %and3A_805, %scan3A_737#1, %scan3A_737#0 : vector<16xi1>, vector<16xf32>
    %select_n3A_807 = arith.select %and3A_805, %scan3A_737#5, %scan3A_737#4 : vector<16xi1>, vector<16xi32>
    %select_n3A_808 = arith.select %and3A_805, %scan3A_737#2, %scan3A_737#1 : vector<16xi1>, vector<16xf32>
    %select_n3A_809 = arith.select %and3A_805, %scan3A_737#6, %scan3A_737#5 : vector<16xi1>, vector<16xi32>
    %select_n3A_810 = arith.select %and3A_805, %scan3A_737#3, %scan3A_737#2 : vector<16xi1>, vector<16xf32>
    %select_n3A_811 = arith.select %and3A_805, %scan3A_737#7, %scan3A_737#6 : vector<16xi1>, vector<16xi32>
    %jit3A_812 = arith.constant 0x7F800000 : f32
    %broadcast_in_dim3A_813 = vector.broadcast %jit3A_812 : f32 to vector<16xf32>
    %select_n3A_814 = arith.select %and3A_805, %broadcast_in_dim3A_813, %scan3A_737#3 : vector<16xi1>, vector<16xf32>
    %eq3A_815 = arith.constant 2 : i32
    %eq3A_816 = vector.broadcast %eq3A_815 : i32 to vector<16xi32>
    %eq3A_817 = arith.cmpi eq, %iota3A, %eq3A_816 : vector<16xi32>
    %select_n3A_818 = arith.select %eq3A_817, %select_n3A_802, %select_n3A_480 : vector<16xi1>, vector<16xi32>
    %xor3A_819 = arith.constant 8 : i32
    %xor3A_820 = vector.broadcast %xor3A_819 : i32 to vector<16xi32>
    %xor3A_821 = arith.xori %iota3A, %xor3A_820 : vector<16xi32>
    %broadcast_in_dim3A_822 = vector.shape_cast %xor3A_821 : vector<16xi32> to vector<16x1xi32>
    %gather3A_823 = vector.shape_cast %broadcast_in_dim3A_822 : vector<16x1xi32> to vector<16xi32>
    %gather3A_824 = tpu.dynamic_gather %select_n3A_806[%gather3A_823] in [0] : vector<16xf32>, vector<16xi32> -> vector<16xf32>
    %broadcast_in_dim3A_825 = vector.shape_cast %xor3A_821 : vector<16xi32> to vector<16x1xi32>
    %gather3A_826 = vector.shape_cast %broadcast_in_dim3A_825 : vector<16x1xi32> to vector<16xi32>
    %gather3A_827 = tpu.dynamic_gather %select_n3A_807[%gather3A_826] in [0] : vector<16xi32>, vector<16xi32> -> vector<16xi32>
    %lt3A_828 = arith.cmpf olt, %gather3A_824, %select_n3A_806 : vector<16xf32>
    %eq3A_829 = arith.cmpf oeq, %gather3A_824, %select_n3A_806 : vector<16xf32>
    %lt3A_830 = arith.cmpi slt, %gather3A_827, %select_n3A_807 : vector<16xi32>
    %and3A_831 = arith.andi %eq3A_829, %lt3A_830 : vector<16xi1>
    %or3A_832 = arith.ori %lt3A_828, %and3A_831 : vector<16xi1>
    %select_n3A_833 = arith.select %or3A_832, %gather3A_824, %select_n3A_806 : vector<16xi1>, vector<16xf32>
    %select_n3A_834 = arith.select %or3A_832, %gather3A_827, %select_n3A_807 : vector<16xi1>, vector<16xi32>
    %xor3A_835 = arith.constant 4 : i32
    %xor3A_836 = vector.broadcast %xor3A_835 : i32 to vector<16xi32>
    %xor3A_837 = arith.xori %iota3A, %xor3A_836 : vector<16xi32>
    %broadcast_in_dim3A_838 = vector.shape_cast %xor3A_837 : vector<16xi32> to vector<16x1xi32>
    %gather3A_839 = vector.shape_cast %broadcast_in_dim3A_838 : vector<16x1xi32> to vector<16xi32>
    %gather3A_840 = tpu.dynamic_gather %select_n3A_833[%gather3A_839] in [0] : vector<16xf32>, vector<16xi32> -> vector<16xf32>
    %broadcast_in_dim3A_841 = vector.shape_cast %xor3A_837 : vector<16xi32> to vector<16x1xi32>
    %gather3A_842 = vector.shape_cast %broadcast_in_dim3A_841 : vector<16x1xi32> to vector<16xi32>
    %gather3A_843 = tpu.dynamic_gather %select_n3A_834[%gather3A_842] in [0] : vector<16xi32>, vector<16xi32> -> vector<16xi32>
    %lt3A_844 = arith.cmpf olt, %gather3A_840, %select_n3A_833 : vector<16xf32>
    %eq3A_845 = arith.cmpf oeq, %gather3A_840, %select_n3A_833 : vector<16xf32>
    %lt3A_846 = arith.cmpi slt, %gather3A_843, %select_n3A_834 : vector<16xi32>
    %and3A_847 = arith.andi %eq3A_845, %lt3A_846 : vector<16xi1>
    %or3A_848 = arith.ori %lt3A_844, %and3A_847 : vector<16xi1>
    %select_n3A_849 = arith.select %or3A_848, %gather3A_840, %select_n3A_833 : vector<16xi1>, vector<16xf32>
    %select_n3A_850 = arith.select %or3A_848, %gather3A_843, %select_n3A_834 : vector<16xi1>, vector<16xi32>
    %xor3A_851 = arith.constant 2 : i32
    %xor3A_852 = vector.broadcast %xor3A_851 : i32 to vector<16xi32>
    %xor3A_853 = arith.xori %iota3A, %xor3A_852 : vector<16xi32>
    %broadcast_in_dim3A_854 = vector.shape_cast %xor3A_853 : vector<16xi32> to vector<16x1xi32>
    %gather3A_855 = vector.shape_cast %broadcast_in_dim3A_854 : vector<16x1xi32> to vector<16xi32>
    %gather3A_856 = tpu.dynamic_gather %select_n3A_849[%gather3A_855] in [0] : vector<16xf32>, vector<16xi32> -> vector<16xf32>
    %broadcast_in_dim3A_857 = vector.shape_cast %xor3A_853 : vector<16xi32> to vector<16x1xi32>
    %gather3A_858 = vector.shape_cast %broadcast_in_dim3A_857 : vector<16x1xi32> to vector<16xi32>
    %gather3A_859 = tpu.dynamic_gather %select_n3A_850[%gather3A_858] in [0] : vector<16xi32>, vector<16xi32> -> vector<16xi32>
    %lt3A_860 = arith.cmpf olt, %gather3A_856, %select_n3A_849 : vector<16xf32>
    %eq3A_861 = arith.cmpf oeq, %gather3A_856, %select_n3A_849 : vector<16xf32>
    %lt3A_862 = arith.cmpi slt, %gather3A_859, %select_n3A_850 : vector<16xi32>
    %and3A_863 = arith.andi %eq3A_861, %lt3A_862 : vector<16xi1>
    %or3A_864 = arith.ori %lt3A_860, %and3A_863 : vector<16xi1>
    %select_n3A_865 = arith.select %or3A_864, %gather3A_856, %select_n3A_849 : vector<16xi1>, vector<16xf32>
    %select_n3A_866 = arith.select %or3A_864, %gather3A_859, %select_n3A_850 : vector<16xi1>, vector<16xi32>
    %xor3A_867 = arith.constant 1 : i32
    %xor3A_868 = vector.broadcast %xor3A_867 : i32 to vector<16xi32>
    %xor3A_869 = arith.xori %iota3A, %xor3A_868 : vector<16xi32>
    %broadcast_in_dim3A_870 = vector.shape_cast %xor3A_869 : vector<16xi32> to vector<16x1xi32>
    %gather3A_871 = vector.shape_cast %broadcast_in_dim3A_870 : vector<16x1xi32> to vector<16xi32>
    %gather3A_872 = tpu.dynamic_gather %select_n3A_865[%gather3A_871] in [0] : vector<16xf32>, vector<16xi32> -> vector<16xf32>
    %broadcast_in_dim3A_873 = vector.shape_cast %xor3A_869 : vector<16xi32> to vector<16x1xi32>
    %gather3A_874 = vector.shape_cast %broadcast_in_dim3A_873 : vector<16x1xi32> to vector<16xi32>
    %gather3A_875 = tpu.dynamic_gather %select_n3A_866[%gather3A_874] in [0] : vector<16xi32>, vector<16xi32> -> vector<16xi32>
    %lt3A_876 = arith.cmpf olt, %gather3A_872, %select_n3A_865 : vector<16xf32>
    %eq3A_877 = arith.cmpf oeq, %gather3A_872, %select_n3A_865 : vector<16xf32>
    %lt3A_878 = arith.cmpi slt, %gather3A_875, %select_n3A_866 : vector<16xi32>
    %and3A_879 = arith.andi %eq3A_877, %lt3A_878 : vector<16xi1>
    %or3A_880 = arith.ori %lt3A_876, %and3A_879 : vector<16xi1>
    %select_n3A_881 = arith.select %or3A_880, %gather3A_872, %select_n3A_865 : vector<16xi1>, vector<16xf32>
    %select_n3A_882 = arith.select %or3A_880, %gather3A_875, %select_n3A_866 : vector<16xi1>, vector<16xi32>
    %eq3A_883 = arith.cmpf oeq, %select_n3A_806, %select_n3A_881 : vector<16xf32>
    %eq3A_884 = arith.cmpi eq, %select_n3A_807, %select_n3A_882 : vector<16xi32>
    %and3A_885 = arith.andi %eq3A_883, %eq3A_884 : vector<16xi1>
    %select_n3A_886 = arith.select %and3A_885, %select_n3A_808, %select_n3A_806 : vector<16xi1>, vector<16xf32>
    %select_n3A_887 = arith.select %and3A_885, %select_n3A_809, %select_n3A_807 : vector<16xi1>, vector<16xi32>
    %select_n3A_888 = arith.select %and3A_885, %select_n3A_810, %select_n3A_808 : vector<16xi1>, vector<16xf32>
    %select_n3A_889 = arith.select %and3A_885, %select_n3A_811, %select_n3A_809 : vector<16xi1>, vector<16xi32>
    %select_n3A_890 = arith.select %and3A_885, %select_n3A_814, %select_n3A_810 : vector<16xi1>, vector<16xf32>
    %select_n3A_891 = arith.select %and3A_885, %scan3A_737#7, %select_n3A_811 : vector<16xi1>, vector<16xi32>
    %jit3A_892 = arith.constant 0x7F800000 : f32
    %broadcast_in_dim3A_893 = vector.broadcast %jit3A_892 : f32 to vector<16xf32>
    %select_n3A_894 = arith.select %and3A_885, %broadcast_in_dim3A_893, %select_n3A_814 : vector<16xi1>, vector<16xf32>
    %eq3A_895 = arith.constant 2 : i32
    %eq3A_896 = vector.broadcast %eq3A_895 : i32 to vector<16xi32>
    %eq3A_897 = arith.cmpi eq, %iota3A, %eq3A_896 : vector<16xi32>
    %select_n3A_898 = arith.select %eq3A_897, %select_n3A_882, %select_n3A_560 : vector<16xi1>, vector<16xi32>
    %xor3A_899 = arith.constant 8 : i32
    %xor3A_900 = vector.broadcast %xor3A_899 : i32 to vector<16xi32>
    %xor3A_901 = arith.xori %iota3A, %xor3A_900 : vector<16xi32>
    %broadcast_in_dim3A_902 = vector.shape_cast %xor3A_901 : vector<16xi32> to vector<16x1xi32>
    %gather3A_903 = vector.shape_cast %broadcast_in_dim3A_902 : vector<16x1xi32> to vector<16xi32>
    %gather3A_904 = tpu.dynamic_gather %select_n3A_886[%gather3A_903] in [0] : vector<16xf32>, vector<16xi32> -> vector<16xf32>
    %broadcast_in_dim3A_905 = vector.shape_cast %xor3A_901 : vector<16xi32> to vector<16x1xi32>
    %gather3A_906 = vector.shape_cast %broadcast_in_dim3A_905 : vector<16x1xi32> to vector<16xi32>
    %gather3A_907 = tpu.dynamic_gather %select_n3A_887[%gather3A_906] in [0] : vector<16xi32>, vector<16xi32> -> vector<16xi32>
    %lt3A_908 = arith.cmpf olt, %gather3A_904, %select_n3A_886 : vector<16xf32>
    %eq3A_909 = arith.cmpf oeq, %gather3A_904, %select_n3A_886 : vector<16xf32>
    %lt3A_910 = arith.cmpi slt, %gather3A_907, %select_n3A_887 : vector<16xi32>
    %and3A_911 = arith.andi %eq3A_909, %lt3A_910 : vector<16xi1>
    %or3A_912 = arith.ori %lt3A_908, %and3A_911 : vector<16xi1>
    %select_n3A_913 = arith.select %or3A_912, %gather3A_904, %select_n3A_886 : vector<16xi1>, vector<16xf32>
    %select_n3A_914 = arith.select %or3A_912, %gather3A_907, %select_n3A_887 : vector<16xi1>, vector<16xi32>
    %xor3A_915 = arith.constant 4 : i32
    %xor3A_916 = vector.broadcast %xor3A_915 : i32 to vector<16xi32>
    %xor3A_917 = arith.xori %iota3A, %xor3A_916 : vector<16xi32>
    %broadcast_in_dim3A_918 = vector.shape_cast %xor3A_917 : vector<16xi32> to vector<16x1xi32>
    %gather3A_919 = vector.shape_cast %broadcast_in_dim3A_918 : vector<16x1xi32> to vector<16xi32>
    %gather3A_920 = tpu.dynamic_gather %select_n3A_913[%gather3A_919] in [0] : vector<16xf32>, vector<16xi32> -> vector<16xf32>
    %broadcast_in_dim3A_921 = vector.shape_cast %xor3A_917 : vector<16xi32> to vector<16x1xi32>
    %gather3A_922 = vector.shape_cast %broadcast_in_dim3A_921 : vector<16x1xi32> to vector<16xi32>
    %gather3A_923 = tpu.dynamic_gather %select_n3A_914[%gather3A_922] in [0] : vector<16xi32>, vector<16xi32> -> vector<16xi32>
    %lt3A_924 = arith.cmpf olt, %gather3A_920, %select_n3A_913 : vector<16xf32>
    %eq3A_925 = arith.cmpf oeq, %gather3A_920, %select_n3A_913 : vector<16xf32>
    %lt3A_926 = arith.cmpi slt, %gather3A_923, %select_n3A_914 : vector<16xi32>
    %and3A_927 = arith.andi %eq3A_925, %lt3A_926 : vector<16xi1>
    %or3A_928 = arith.ori %lt3A_924, %and3A_927 : vector<16xi1>
    %select_n3A_929 = arith.select %or3A_928, %gather3A_920, %select_n3A_913 : vector<16xi1>, vector<16xf32>
    %select_n3A_930 = arith.select %or3A_928, %gather3A_923, %select_n3A_914 : vector<16xi1>, vector<16xi32>
    %xor3A_931 = arith.constant 2 : i32
    %xor3A_932 = vector.broadcast %xor3A_931 : i32 to vector<16xi32>
    %xor3A_933 = arith.xori %iota3A, %xor3A_932 : vector<16xi32>
    %broadcast_in_dim3A_934 = vector.shape_cast %xor3A_933 : vector<16xi32> to vector<16x1xi32>
    %gather3A_935 = vector.shape_cast %broadcast_in_dim3A_934 : vector<16x1xi32> to vector<16xi32>
    %gather3A_936 = tpu.dynamic_gather %select_n3A_929[%gather3A_935] in [0] : vector<16xf32>, vector<16xi32> -> vector<16xf32>
    %broadcast_in_dim3A_937 = vector.shape_cast %xor3A_933 : vector<16xi32> to vector<16x1xi32>
    %gather3A_938 = vector.shape_cast %broadcast_in_dim3A_937 : vector<16x1xi32> to vector<16xi32>
    %gather3A_939 = tpu.dynamic_gather %select_n3A_930[%gather3A_938] in [0] : vector<16xi32>, vector<16xi32> -> vector<16xi32>
    %lt3A_940 = arith.cmpf olt, %gather3A_936, %select_n3A_929 : vector<16xf32>
    %eq3A_941 = arith.cmpf oeq, %gather3A_936, %select_n3A_929 : vector<16xf32>
    %lt3A_942 = arith.cmpi slt, %gather3A_939, %select_n3A_930 : vector<16xi32>
    %and3A_943 = arith.andi %eq3A_941, %lt3A_942 : vector<16xi1>
    %or3A_944 = arith.ori %lt3A_940, %and3A_943 : vector<16xi1>
    %select_n3A_945 = arith.select %or3A_944, %gather3A_936, %select_n3A_929 : vector<16xi1>, vector<16xf32>
    %select_n3A_946 = arith.select %or3A_944, %gather3A_939, %select_n3A_930 : vector<16xi1>, vector<16xi32>
    %xor3A_947 = arith.constant 1 : i32
    %xor3A_948 = vector.broadcast %xor3A_947 : i32 to vector<16xi32>
    %xor3A_949 = arith.xori %iota3A, %xor3A_948 : vector<16xi32>
    %broadcast_in_dim3A_950 = vector.shape_cast %xor3A_949 : vector<16xi32> to vector<16x1xi32>
    %gather3A_951 = vector.shape_cast %broadcast_in_dim3A_950 : vector<16x1xi32> to vector<16xi32>
    %gather3A_952 = tpu.dynamic_gather %select_n3A_945[%gather3A_951] in [0] : vector<16xf32>, vector<16xi32> -> vector<16xf32>
    %broadcast_in_dim3A_953 = vector.shape_cast %xor3A_949 : vector<16xi32> to vector<16x1xi32>
    %gather3A_954 = vector.shape_cast %broadcast_in_dim3A_953 : vector<16x1xi32> to vector<16xi32>
    %gather3A_955 = tpu.dynamic_gather %select_n3A_946[%gather3A_954] in [0] : vector<16xi32>, vector<16xi32> -> vector<16xi32>
    %lt3A_956 = arith.cmpf olt, %gather3A_952, %select_n3A_945 : vector<16xf32>
    %eq3A_957 = arith.cmpf oeq, %gather3A_952, %select_n3A_945 : vector<16xf32>
    %lt3A_958 = arith.cmpi slt, %gather3A_955, %select_n3A_946 : vector<16xi32>
    %and3A_959 = arith.andi %eq3A_957, %lt3A_958 : vector<16xi1>
    %or3A_960 = arith.ori %lt3A_956, %and3A_959 : vector<16xi1>
    %select_n3A_961 = arith.select %or3A_960, %gather3A_952, %select_n3A_945 : vector<16xi1>, vector<16xf32>
    %select_n3A_962 = arith.select %or3A_960, %gather3A_955, %select_n3A_946 : vector<16xi1>, vector<16xi32>
    %eq3A_963 = arith.cmpf oeq, %select_n3A_886, %select_n3A_961 : vector<16xf32>
    %eq3A_964 = arith.cmpi eq, %select_n3A_887, %select_n3A_962 : vector<16xi32>
    %and3A_965 = arith.andi %eq3A_963, %eq3A_964 : vector<16xi1>
    %select_n3A_966 = arith.select %and3A_965, %select_n3A_888, %select_n3A_886 : vector<16xi1>, vector<16xf32>
    %select_n3A_967 = arith.select %and3A_965, %select_n3A_889, %select_n3A_887 : vector<16xi1>, vector<16xi32>
    %select_n3A_968 = arith.select %and3A_965, %select_n3A_890, %select_n3A_888 : vector<16xi1>, vector<16xf32>
    %select_n3A_969 = arith.select %and3A_965, %select_n3A_891, %select_n3A_889 : vector<16xi1>, vector<16xi32>
    %select_n3A_970 = arith.select %and3A_965, %select_n3A_894, %select_n3A_890 : vector<16xi1>, vector<16xf32>
    %select_n3A_971 = arith.select %and3A_965, %scan3A_737#7, %select_n3A_891 : vector<16xi1>, vector<16xi32>
    %jit3A_972 = arith.constant 0x7F800000 : f32
    %broadcast_in_dim3A_973 = vector.broadcast %jit3A_972 : f32 to vector<16xf32>
    %select_n3A_974 = arith.select %and3A_965, %broadcast_in_dim3A_973, %select_n3A_894 : vector<16xi1>, vector<16xf32>
    %eq3A_975 = arith.constant 2 : i32
    %eq3A_976 = vector.broadcast %eq3A_975 : i32 to vector<16xi32>
    %eq3A_977 = arith.cmpi eq, %iota3A, %eq3A_976 : vector<16xi32>
    %select_n3A_978 = arith.select %eq3A_977, %select_n3A_962, %select_n3A_640 : vector<16xi1>, vector<16xi32>
    %xor3A_979 = arith.constant 8 : i32
    %xor3A_980 = vector.broadcast %xor3A_979 : i32 to vector<16xi32>
    %xor3A_981 = arith.xori %iota3A, %xor3A_980 : vector<16xi32>
    %broadcast_in_dim3A_982 = vector.shape_cast %xor3A_981 : vector<16xi32> to vector<16x1xi32>
    %gather3A_983 = vector.shape_cast %broadcast_in_dim3A_982 : vector<16x1xi32> to vector<16xi32>
    %gather3A_984 = tpu.dynamic_gather %select_n3A_966[%gather3A_983] in [0] : vector<16xf32>, vector<16xi32> -> vector<16xf32>
    %broadcast_in_dim3A_985 = vector.shape_cast %xor3A_981 : vector<16xi32> to vector<16x1xi32>
    %gather3A_986 = vector.shape_cast %broadcast_in_dim3A_985 : vector<16x1xi32> to vector<16xi32>
    %gather3A_987 = tpu.dynamic_gather %select_n3A_967[%gather3A_986] in [0] : vector<16xi32>, vector<16xi32> -> vector<16xi32>
    %lt3A_988 = arith.cmpf olt, %gather3A_984, %select_n3A_966 : vector<16xf32>
    %eq3A_989 = arith.cmpf oeq, %gather3A_984, %select_n3A_966 : vector<16xf32>
    %lt3A_990 = arith.cmpi slt, %gather3A_987, %select_n3A_967 : vector<16xi32>
    %and3A_991 = arith.andi %eq3A_989, %lt3A_990 : vector<16xi1>
    %or3A_992 = arith.ori %lt3A_988, %and3A_991 : vector<16xi1>
    %select_n3A_993 = arith.select %or3A_992, %gather3A_984, %select_n3A_966 : vector<16xi1>, vector<16xf32>
    %select_n3A_994 = arith.select %or3A_992, %gather3A_987, %select_n3A_967 : vector<16xi1>, vector<16xi32>
    %xor3A_995 = arith.constant 4 : i32
    %xor3A_996 = vector.broadcast %xor3A_995 : i32 to vector<16xi32>
    %xor3A_997 = arith.xori %iota3A, %xor3A_996 : vector<16xi32>
    %broadcast_in_dim3A_998 = vector.shape_cast %xor3A_997 : vector<16xi32> to vector<16x1xi32>
    %gather3A_999 = vector.shape_cast %broadcast_in_dim3A_998 : vector<16x1xi32> to vector<16xi32>
    %gather3A_1000 = tpu.dynamic_gather %select_n3A_993[%gather3A_999] in [0] : vector<16xf32>, vector<16xi32> -> vector<16xf32>
    %broadcast_in_dim3A_1001 = vector.shape_cast %xor3A_997 : vector<16xi32> to vector<16x1xi32>
    %gather3A_1002 = vector.shape_cast %broadcast_in_dim3A_1001 : vector<16x1xi32> to vector<16xi32>
    %gather3A_1003 = tpu.dynamic_gather %select_n3A_994[%gather3A_1002] in [0] : vector<16xi32>, vector<16xi32> -> vector<16xi32>
    %lt3A_1004 = arith.cmpf olt, %gather3A_1000, %select_n3A_993 : vector<16xf32>
    %eq3A_1005 = arith.cmpf oeq, %gather3A_1000, %select_n3A_993 : vector<16xf32>
    %lt3A_1006 = arith.cmpi slt, %gather3A_1003, %select_n3A_994 : vector<16xi32>
    %and3A_1007 = arith.andi %eq3A_1005, %lt3A_1006 : vector<16xi1>
    %or3A_1008 = arith.ori %lt3A_1004, %and3A_1007 : vector<16xi1>
    %select_n3A_1009 = arith.select %or3A_1008, %gather3A_1000, %select_n3A_993 : vector<16xi1>, vector<16xf32>
    %select_n3A_1010 = arith.select %or3A_1008, %gather3A_1003, %select_n3A_994 : vector<16xi1>, vector<16xi32>
    %xor3A_1011 = arith.constant 2 : i32
    %xor3A_1012 = vector.broadcast %xor3A_1011 : i32 to vector<16xi32>
    %xor3A_1013 = arith.xori %iota3A, %xor3A_1012 : vector<16xi32>
    %broadcast_in_dim3A_1014 = vector.shape_cast %xor3A_1013 : vector<16xi32> to vector<16x1xi32>
    %gather3A_1015 = vector.shape_cast %broadcast_in_dim3A_1014 : vector<16x1xi32> to vector<16xi32>
    %gather3A_1016 = tpu.dynamic_gather %select_n3A_1009[%gather3A_1015] in [0] : vector<16xf32>, vector<16xi32> -> vector<16xf32>
    %broadcast_in_dim3A_1017 = vector.shape_cast %xor3A_1013 : vector<16xi32> to vector<16x1xi32>
    %gather3A_1018 = vector.shape_cast %broadcast_in_dim3A_1017 : vector<16x1xi32> to vector<16xi32>
    %gather3A_1019 = tpu.dynamic_gather %select_n3A_1010[%gather3A_1018] in [0] : vector<16xi32>, vector<16xi32> -> vector<16xi32>
    %lt3A_1020 = arith.cmpf olt, %gather3A_1016, %select_n3A_1009 : vector<16xf32>
    %eq3A_1021 = arith.cmpf oeq, %gather3A_1016, %select_n3A_1009 : vector<16xf32>
    %lt3A_1022 = arith.cmpi slt, %gather3A_1019, %select_n3A_1010 : vector<16xi32>
    %and3A_1023 = arith.andi %eq3A_1021, %lt3A_1022 : vector<16xi1>
    %or3A_1024 = arith.ori %lt3A_1020, %and3A_1023 : vector<16xi1>
    %select_n3A_1025 = arith.select %or3A_1024, %gather3A_1016, %select_n3A_1009 : vector<16xi1>, vector<16xf32>
    %select_n3A_1026 = arith.select %or3A_1024, %gather3A_1019, %select_n3A_1010 : vector<16xi1>, vector<16xi32>
    %xor3A_1027 = arith.constant 1 : i32
    %xor3A_1028 = vector.broadcast %xor3A_1027 : i32 to vector<16xi32>
    %xor3A_1029 = arith.xori %iota3A, %xor3A_1028 : vector<16xi32>
    %broadcast_in_dim3A_1030 = vector.shape_cast %xor3A_1029 : vector<16xi32> to vector<16x1xi32>
    %gather3A_1031 = vector.shape_cast %broadcast_in_dim3A_1030 : vector<16x1xi32> to vector<16xi32>
    %gather3A_1032 = tpu.dynamic_gather %select_n3A_1025[%gather3A_1031] in [0] : vector<16xf32>, vector<16xi32> -> vector<16xf32>
    %broadcast_in_dim3A_1033 = vector.shape_cast %xor3A_1029 : vector<16xi32> to vector<16x1xi32>
    %gather3A_1034 = vector.shape_cast %broadcast_in_dim3A_1033 : vector<16x1xi32> to vector<16xi32>
    %gather3A_1035 = tpu.dynamic_gather %select_n3A_1026[%gather3A_1034] in [0] : vector<16xi32>, vector<16xi32> -> vector<16xi32>
    %lt3A_1036 = arith.cmpf olt, %gather3A_1032, %select_n3A_1025 : vector<16xf32>
    %eq3A_1037 = arith.cmpf oeq, %gather3A_1032, %select_n3A_1025 : vector<16xf32>
    %lt3A_1038 = arith.cmpi slt, %gather3A_1035, %select_n3A_1026 : vector<16xi32>
    %and3A_1039 = arith.andi %eq3A_1037, %lt3A_1038 : vector<16xi1>
    %or3A_1040 = arith.ori %lt3A_1036, %and3A_1039 : vector<16xi1>
    %select_n3A_1041 = arith.select %or3A_1040, %gather3A_1032, %select_n3A_1025 : vector<16xi1>, vector<16xf32>
    %select_n3A_1042 = arith.select %or3A_1040, %gather3A_1035, %select_n3A_1026 : vector<16xi1>, vector<16xi32>
    %eq3A_1043 = arith.cmpf oeq, %select_n3A_966, %select_n3A_1041 : vector<16xf32>
    %eq3A_1044 = arith.cmpi eq, %select_n3A_967, %select_n3A_1042 : vector<16xi32>
    %and3A_1045 = arith.andi %eq3A_1043, %eq3A_1044 : vector<16xi1>
    %select_n3A_1046 = arith.select %and3A_1045, %select_n3A_968, %select_n3A_966 : vector<16xi1>, vector<16xf32>
    %select_n3A_1047 = arith.select %and3A_1045, %select_n3A_969, %select_n3A_967 : vector<16xi1>, vector<16xi32>
    %select_n3A_1048 = arith.select %and3A_1045, %select_n3A_970, %select_n3A_968 : vector<16xi1>, vector<16xf32>
    %select_n3A_1049 = arith.select %and3A_1045, %select_n3A_971, %select_n3A_969 : vector<16xi1>, vector<16xi32>
    %select_n3A_1050 = arith.select %and3A_1045, %select_n3A_974, %select_n3A_970 : vector<16xi1>, vector<16xf32>
    %select_n3A_1051 = arith.select %and3A_1045, %scan3A_737#7, %select_n3A_971 : vector<16xi1>, vector<16xi32>
    %jit3A_1052 = arith.constant 0x7F800000 : f32
    %broadcast_in_dim3A_1053 = vector.broadcast %jit3A_1052 : f32 to vector<16xf32>
    %select_n3A_1054 = arith.select %and3A_1045, %broadcast_in_dim3A_1053, %select_n3A_974 : vector<16xi1>, vector<16xf32>
    %eq3A_1055 = arith.constant 2 : i32
    %eq3A_1056 = vector.broadcast %eq3A_1055 : i32 to vector<16xi32>
    %eq3A_1057 = arith.cmpi eq, %iota3A, %eq3A_1056 : vector<16xi32>
    %select_n3A_1058 = arith.select %eq3A_1057, %select_n3A_1042, %select_n3A_720 : vector<16xi1>, vector<16xi32>
    %slice3A_1059 = vector.extract_strided_slice %get3A_34 {offsets = [3], sizes = [1], strides = [1]} : vector<16xf32> to vector<1xf32>
    %squeeze3A_1060 = vector.extract %slice3A_1059[0] : f32 from vector<1xf32>
    %slice3A_1061 = vector.extract_strided_slice %get3A_39 {offsets = [3], sizes = [1], strides = [1]} : vector<16xf32> to vector<1xf32>
    %squeeze3A_1062 = vector.extract %slice3A_1061[0] : f32 from vector<1xf32>
    %slice3A_1063 = vector.extract_strided_slice %get3A_44 {offsets = [3], sizes = [1], strides = [1]} : vector<16xf32> to vector<1xf32>
    %squeeze3A_1064 = vector.extract %slice3A_1063[0] : f32 from vector<1xf32>
    %slice3A_1065 = vector.extract_strided_slice %get3A_49 {offsets = [3], sizes = [1], strides = [1]} : vector<16xf32> to vector<1xf32>
    %squeeze3A_1066 = vector.extract %slice3A_1065[0] : f32 from vector<1xf32>
    %broadcast_in_dim3A_1067 = arith.constant 0x7F800000 : f32
    %broadcast_in_dim3A_1068 = vector.broadcast %broadcast_in_dim3A_1067 : f32 to vector<16xf32>
    %broadcast_in_dim3A_1069 = arith.constant 0 : i32
    %broadcast_in_dim3A_1070 = vector.broadcast %broadcast_in_dim3A_1069 : i32 to vector<16xi32>
    %scan3A_1071 = arith.constant 0 : i32
    %scan3A_1072 = arith.constant 512 : i32
    %scan3A_1073 = arith.addi %scan3A_1071, %scan3A_1072 : i32
    %scan3A_1074 = arith.constant 1 : i32
    %scan3A_1075:9 = scf.for %scan3A_1758 = %scan3A_1071 to %scan3A_1073 step %scan3A_1074 iter_args(%scan3A_1759 = %broadcast_in_dim3A_1068, %scan3A_1760 = %broadcast_in_dim3A_1068, %scan3A_1761 = %broadcast_in_dim3A_1068, %scan3A_1762 = %broadcast_in_dim3A_1068, %scan3A_1763 = %broadcast_in_dim3A_1070, %scan3A_1764 = %broadcast_in_dim3A_1070, %scan3A_1765 = %broadcast_in_dim3A_1070, %scan3A_1766 = %broadcast_in_dim3A_1070, %scan3A_1767 = %iota3A) -> (vector<16xf32>, vector<16xf32>, vector<16xf32>, vector<16xf32>, vector<16xi32>, vector<16xi32>, vector<16xi32>, vector<16xi32>, vector<16xi32>)  : i32 {
      %mul3A_1768 = arith.constant 16 : i32
      %mul3A_1769 = arith.muli %scan3A_1758, %mul3A_1768 : i32
      %get3A_1770 = arith.constant 0 : i32
      %get3A_1771 = arith.index_cast %get3A_1770 : i32 to index
      %get3A_1772 = arith.index_cast %mul3A_1769 : i32 to index
      %get3A_1773 = tpu.vector_load %arg5[%get3A_1771, %get3A_1772] {strides = array<i32>} : memref<4x8192xf32, #tpu.memory_space<vmem>>, vector<1x16xf32>,
      %get3A_1774 = vector.shape_cast %get3A_1773 : vector<1x16xf32> to vector<16xf32>
      %sub3A_1775 = vector.broadcast %squeeze3A_1060 : f32 to vector<16xf32>
      %sub3A_1776 = arith.subf %get3A_1774, %sub3A_1775 : vector<16xf32>
      %abs3A = math.absf %sub3A_1776 : vector<16xf32>
      %get3A_1777 = arith.constant 1 : i32
      %get3A_1778 = arith.index_cast %get3A_1777 : i32 to index
      %get3A_1779 = arith.index_cast %mul3A_1769 : i32 to index
      %get3A_1780 = tpu.vector_load %arg5[%get3A_1778, %get3A_1779] {strides = array<i32>} : memref<4x8192xf32, #tpu.memory_space<vmem>>, vector<1x16xf32>,
      %get3A_1781 = vector.shape_cast %get3A_1780 : vector<1x16xf32> to vector<16xf32>
      %sub3A_1782 = vector.broadcast %squeeze3A_1062 : f32 to vector<16xf32>
      %sub3A_1783 = arith.subf %get3A_1781, %sub3A_1782 : vector<16xf32>
      %abs3A_1784 = math.absf %sub3A_1783 : vector<16xf32>
      %add3A_1785 = arith.addf %abs3A, %abs3A_1784 : vector<16xf32>
      %get3A_1786 = arith.constant 2 : i32
      %get3A_1787 = arith.index_cast %get3A_1786 : i32 to index
      %get3A_1788 = arith.index_cast %mul3A_1769 : i32 to index
      %get3A_1789 = tpu.vector_load %arg5[%get3A_1787, %get3A_1788] {strides = array<i32>} : memref<4x8192xf32, #tpu.memory_space<vmem>>, vector<1x16xf32>,
      %get3A_1790 = vector.shape_cast %get3A_1789 : vector<1x16xf32> to vector<16xf32>
      %sub3A_1791 = vector.broadcast %squeeze3A_1064 : f32 to vector<16xf32>
      %sub3A_1792 = arith.subf %get3A_1790, %sub3A_1791 : vector<16xf32>
      %abs3A_1793 = math.absf %sub3A_1792 : vector<16xf32>
      %add3A_1794 = arith.addf %add3A_1785, %abs3A_1793 : vector<16xf32>
      %get3A_1795 = arith.constant 3 : i32
      %get3A_1796 = arith.index_cast %get3A_1795 : i32 to index
      %get3A_1797 = arith.index_cast %mul3A_1769 : i32 to index
      %get3A_1798 = tpu.vector_load %arg5[%get3A_1796, %get3A_1797] {strides = array<i32>} : memref<4x8192xf32, #tpu.memory_space<vmem>>, vector<1x16xf32>,
      %get3A_1799 = vector.shape_cast %get3A_1798 : vector<1x16xf32> to vector<16xf32>
      %sub3A_1800 = vector.broadcast %squeeze3A_1066 : f32 to vector<16xf32>
      %sub3A_1801 = arith.subf %get3A_1799, %sub3A_1800 : vector<16xf32>
      %abs3A_1802 = math.absf %sub3A_1801 : vector<16xf32>
      %add3A_1803 = arith.addf %add3A_1794, %abs3A_1802 : vector<16xf32>
      %lt3A_1804 = arith.cmpf olt, %add3A_1803, %scan3A_1759 : vector<16xf32>
      %lt3A_1805 = arith.cmpf olt, %add3A_1803, %scan3A_1760 : vector<16xf32>
      %lt3A_1806 = arith.cmpf olt, %add3A_1803, %scan3A_1761 : vector<16xf32>
      %lt3A_1807 = arith.cmpf olt, %add3A_1803, %scan3A_1762 : vector<16xf32>
      %select_n3A_1808 = arith.select %lt3A_1806, %scan3A_1761, %add3A_1803 : vector<16xi1>, vector<16xf32>
      %select_n3A_1809 = arith.select %lt3A_1807, %select_n3A_1808, %scan3A_1762 : vector<16xi1>, vector<16xf32>
      %select_n3A_1810 = arith.select %lt3A_1806, %scan3A_1765, %scan3A_1767 : vector<16xi1>, vector<16xi32>
      %select_n3A_1811 = arith.select %lt3A_1807, %select_n3A_1810, %scan3A_1766 : vector<16xi1>, vector<16xi32>
      %select_n3A_1812 = arith.select %lt3A_1805, %scan3A_1760, %add3A_1803 : vector<16xi1>, vector<16xf32>
      %select_n3A_1813 = arith.select %lt3A_1806, %select_n3A_1812, %scan3A_1761 : vector<16xi1>, vector<16xf32>
      %select_n3A_1814 = arith.select %lt3A_1805, %scan3A_1764, %scan3A_1767 : vector<16xi1>, vector<16xi32>
      %select_n3A_1815 = arith.select %lt3A_1806, %select_n3A_1814, %scan3A_1765 : vector<16xi1>, vector<16xi32>
      %select_n3A_1816 = arith.select %lt3A_1804, %scan3A_1759, %add3A_1803 : vector<16xi1>, vector<16xf32>
      %select_n3A_1817 = arith.select %lt3A_1805, %select_n3A_1816, %scan3A_1760 : vector<16xi1>, vector<16xf32>
      %select_n3A_1818 = arith.select %lt3A_1804, %scan3A_1763, %scan3A_1767 : vector<16xi1>, vector<16xi32>
      %select_n3A_1819 = arith.select %lt3A_1805, %select_n3A_1818, %scan3A_1764 : vector<16xi1>, vector<16xi32>
      %select_n3A_1820 = arith.select %lt3A_1804, %add3A_1803, %scan3A_1759 : vector<16xi1>, vector<16xf32>
      %select_n3A_1821 = arith.select %lt3A_1804, %scan3A_1767, %scan3A_1763 : vector<16xi1>, vector<16xi32>
      %add3A_1822 = arith.constant 16 : i32
      %add3A_1823 = vector.broadcast %add3A_1822 : i32 to vector<16xi32>
      %add3A_1824 = arith.addi %scan3A_1767, %add3A_1823 : vector<16xi32>
      scf.yield %select_n3A_1820, %select_n3A_1817, %select_n3A_1813, %select_n3A_1809, %select_n3A_1821, %select_n3A_1819, %select_n3A_1815, %select_n3A_1811, %add3A_1824 : vector<16xf32>, vector<16xf32>, vector<16xf32>, vector<16xf32>, vector<16xi32>, vector<16xi32>, vector<16xi32>, vector<16xi32>, vector<16xi32>
    }
    %scan3A_1076 = arith.constant 512 : i32
    %xor3A_1077 = arith.constant 8 : i32
    %xor3A_1078 = vector.broadcast %xor3A_1077 : i32 to vector<16xi32>
    %xor3A_1079 = arith.xori %iota3A, %xor3A_1078 : vector<16xi32>
    %broadcast_in_dim3A_1080 = vector.shape_cast %xor3A_1079 : vector<16xi32> to vector<16x1xi32>
    %gather3A_1081 = vector.shape_cast %broadcast_in_dim3A_1080 : vector<16x1xi32> to vector<16xi32>
    %gather3A_1082 = tpu.dynamic_gather %scan3A_1075#0[%gather3A_1081] in [0] : vector<16xf32>, vector<16xi32> -> vector<16xf32>
    %broadcast_in_dim3A_1083 = vector.shape_cast %xor3A_1079 : vector<16xi32> to vector<16x1xi32>
    %gather3A_1084 = vector.shape_cast %broadcast_in_dim3A_1083 : vector<16x1xi32> to vector<16xi32>
    %gather3A_1085 = tpu.dynamic_gather %scan3A_1075#4[%gather3A_1084] in [0] : vector<16xi32>, vector<16xi32> -> vector<16xi32>
    %lt3A_1086 = arith.cmpf olt, %gather3A_1082, %scan3A_1075#0 : vector<16xf32>
    %eq3A_1087 = arith.cmpf oeq, %gather3A_1082, %scan3A_1075#0 : vector<16xf32>
    %lt3A_1088 = arith.cmpi slt, %gather3A_1085, %scan3A_1075#4 : vector<16xi32>
    %and3A_1089 = arith.andi %eq3A_1087, %lt3A_1088 : vector<16xi1>
    %or3A_1090 = arith.ori %lt3A_1086, %and3A_1089 : vector<16xi1>
    %select_n3A_1091 = arith.select %or3A_1090, %gather3A_1082, %scan3A_1075#0 : vector<16xi1>, vector<16xf32>
    %select_n3A_1092 = arith.select %or3A_1090, %gather3A_1085, %scan3A_1075#4 : vector<16xi1>, vector<16xi32>
    %xor3A_1093 = arith.constant 4 : i32
    %xor3A_1094 = vector.broadcast %xor3A_1093 : i32 to vector<16xi32>
    %xor3A_1095 = arith.xori %iota3A, %xor3A_1094 : vector<16xi32>
    %broadcast_in_dim3A_1096 = vector.shape_cast %xor3A_1095 : vector<16xi32> to vector<16x1xi32>
    %gather3A_1097 = vector.shape_cast %broadcast_in_dim3A_1096 : vector<16x1xi32> to vector<16xi32>
    %gather3A_1098 = tpu.dynamic_gather %select_n3A_1091[%gather3A_1097] in [0] : vector<16xf32>, vector<16xi32> -> vector<16xf32>
    %broadcast_in_dim3A_1099 = vector.shape_cast %xor3A_1095 : vector<16xi32> to vector<16x1xi32>
    %gather3A_1100 = vector.shape_cast %broadcast_in_dim3A_1099 : vector<16x1xi32> to vector<16xi32>
    %gather3A_1101 = tpu.dynamic_gather %select_n3A_1092[%gather3A_1100] in [0] : vector<16xi32>, vector<16xi32> -> vector<16xi32>
    %lt3A_1102 = arith.cmpf olt, %gather3A_1098, %select_n3A_1091 : vector<16xf32>
    %eq3A_1103 = arith.cmpf oeq, %gather3A_1098, %select_n3A_1091 : vector<16xf32>
    %lt3A_1104 = arith.cmpi slt, %gather3A_1101, %select_n3A_1092 : vector<16xi32>
    %and3A_1105 = arith.andi %eq3A_1103, %lt3A_1104 : vector<16xi1>
    %or3A_1106 = arith.ori %lt3A_1102, %and3A_1105 : vector<16xi1>
    %select_n3A_1107 = arith.select %or3A_1106, %gather3A_1098, %select_n3A_1091 : vector<16xi1>, vector<16xf32>
    %select_n3A_1108 = arith.select %or3A_1106, %gather3A_1101, %select_n3A_1092 : vector<16xi1>, vector<16xi32>
    %xor3A_1109 = arith.constant 2 : i32
    %xor3A_1110 = vector.broadcast %xor3A_1109 : i32 to vector<16xi32>
    %xor3A_1111 = arith.xori %iota3A, %xor3A_1110 : vector<16xi32>
    %broadcast_in_dim3A_1112 = vector.shape_cast %xor3A_1111 : vector<16xi32> to vector<16x1xi32>
    %gather3A_1113 = vector.shape_cast %broadcast_in_dim3A_1112 : vector<16x1xi32> to vector<16xi32>
    %gather3A_1114 = tpu.dynamic_gather %select_n3A_1107[%gather3A_1113] in [0] : vector<16xf32>, vector<16xi32> -> vector<16xf32>
    %broadcast_in_dim3A_1115 = vector.shape_cast %xor3A_1111 : vector<16xi32> to vector<16x1xi32>
    %gather3A_1116 = vector.shape_cast %broadcast_in_dim3A_1115 : vector<16x1xi32> to vector<16xi32>
    %gather3A_1117 = tpu.dynamic_gather %select_n3A_1108[%gather3A_1116] in [0] : vector<16xi32>, vector<16xi32> -> vector<16xi32>
    %lt3A_1118 = arith.cmpf olt, %gather3A_1114, %select_n3A_1107 : vector<16xf32>
    %eq3A_1119 = arith.cmpf oeq, %gather3A_1114, %select_n3A_1107 : vector<16xf32>
    %lt3A_1120 = arith.cmpi slt, %gather3A_1117, %select_n3A_1108 : vector<16xi32>
    %and3A_1121 = arith.andi %eq3A_1119, %lt3A_1120 : vector<16xi1>
    %or3A_1122 = arith.ori %lt3A_1118, %and3A_1121 : vector<16xi1>
    %select_n3A_1123 = arith.select %or3A_1122, %gather3A_1114, %select_n3A_1107 : vector<16xi1>, vector<16xf32>
    %select_n3A_1124 = arith.select %or3A_1122, %gather3A_1117, %select_n3A_1108 : vector<16xi1>, vector<16xi32>
    %xor3A_1125 = arith.constant 1 : i32
    %xor3A_1126 = vector.broadcast %xor3A_1125 : i32 to vector<16xi32>
    %xor3A_1127 = arith.xori %iota3A, %xor3A_1126 : vector<16xi32>
    %broadcast_in_dim3A_1128 = vector.shape_cast %xor3A_1127 : vector<16xi32> to vector<16x1xi32>
    %gather3A_1129 = vector.shape_cast %broadcast_in_dim3A_1128 : vector<16x1xi32> to vector<16xi32>
    %gather3A_1130 = tpu.dynamic_gather %select_n3A_1123[%gather3A_1129] in [0] : vector<16xf32>, vector<16xi32> -> vector<16xf32>
    %broadcast_in_dim3A_1131 = vector.shape_cast %xor3A_1127 : vector<16xi32> to vector<16x1xi32>
    %gather3A_1132 = vector.shape_cast %broadcast_in_dim3A_1131 : vector<16x1xi32> to vector<16xi32>
    %gather3A_1133 = tpu.dynamic_gather %select_n3A_1124[%gather3A_1132] in [0] : vector<16xi32>, vector<16xi32> -> vector<16xi32>
    %lt3A_1134 = arith.cmpf olt, %gather3A_1130, %select_n3A_1123 : vector<16xf32>
    %eq3A_1135 = arith.cmpf oeq, %gather3A_1130, %select_n3A_1123 : vector<16xf32>
    %lt3A_1136 = arith.cmpi slt, %gather3A_1133, %select_n3A_1124 : vector<16xi32>
    %and3A_1137 = arith.andi %eq3A_1135, %lt3A_1136 : vector<16xi1>
    %or3A_1138 = arith.ori %lt3A_1134, %and3A_1137 : vector<16xi1>
    %select_n3A_1139 = arith.select %or3A_1138, %gather3A_1130, %select_n3A_1123 : vector<16xi1>, vector<16xf32>
    %select_n3A_1140 = arith.select %or3A_1138, %gather3A_1133, %select_n3A_1124 : vector<16xi1>, vector<16xi32>
    %eq3A_1141 = arith.cmpf oeq, %scan3A_1075#0, %select_n3A_1139 : vector<16xf32>
    %eq3A_1142 = arith.cmpi eq, %scan3A_1075#4, %select_n3A_1140 : vector<16xi32>
    %and3A_1143 = arith.andi %eq3A_1141, %eq3A_1142 : vector<16xi1>
    %select_n3A_1144 = arith.select %and3A_1143, %scan3A_1075#1, %scan3A_1075#0 : vector<16xi1>, vector<16xf32>
    %select_n3A_1145 = arith.select %and3A_1143, %scan3A_1075#5, %scan3A_1075#4 : vector<16xi1>, vector<16xi32>
    %select_n3A_1146 = arith.select %and3A_1143, %scan3A_1075#2, %scan3A_1075#1 : vector<16xi1>, vector<16xf32>
    %select_n3A_1147 = arith.select %and3A_1143, %scan3A_1075#6, %scan3A_1075#5 : vector<16xi1>, vector<16xi32>
    %select_n3A_1148 = arith.select %and3A_1143, %scan3A_1075#3, %scan3A_1075#2 : vector<16xi1>, vector<16xf32>
    %select_n3A_1149 = arith.select %and3A_1143, %scan3A_1075#7, %scan3A_1075#6 : vector<16xi1>, vector<16xi32>
    %jit3A_1150 = arith.constant 0x7F800000 : f32
    %broadcast_in_dim3A_1151 = vector.broadcast %jit3A_1150 : f32 to vector<16xf32>
    %select_n3A_1152 = arith.select %and3A_1143, %broadcast_in_dim3A_1151, %scan3A_1075#3 : vector<16xi1>, vector<16xf32>
    %eq3A_1153 = arith.constant 3 : i32
    %eq3A_1154 = vector.broadcast %eq3A_1153 : i32 to vector<16xi32>
    %eq3A_1155 = arith.cmpi eq, %iota3A, %eq3A_1154 : vector<16xi32>
    %select_n3A_1156 = arith.select %eq3A_1155, %select_n3A_1140, %select_n3A_818 : vector<16xi1>, vector<16xi32>
    %xor3A_1157 = arith.constant 8 : i32
    %xor3A_1158 = vector.broadcast %xor3A_1157 : i32 to vector<16xi32>
    %xor3A_1159 = arith.xori %iota3A, %xor3A_1158 : vector<16xi32>
    %broadcast_in_dim3A_1160 = vector.shape_cast %xor3A_1159 : vector<16xi32> to vector<16x1xi32>
    %gather3A_1161 = vector.shape_cast %broadcast_in_dim3A_1160 : vector<16x1xi32> to vector<16xi32>
    %gather3A_1162 = tpu.dynamic_gather %select_n3A_1144[%gather3A_1161] in [0] : vector<16xf32>, vector<16xi32> -> vector<16xf32>
    %broadcast_in_dim3A_1163 = vector.shape_cast %xor3A_1159 : vector<16xi32> to vector<16x1xi32>
    %gather3A_1164 = vector.shape_cast %broadcast_in_dim3A_1163 : vector<16x1xi32> to vector<16xi32>
    %gather3A_1165 = tpu.dynamic_gather %select_n3A_1145[%gather3A_1164] in [0] : vector<16xi32>, vector<16xi32> -> vector<16xi32>
    %lt3A_1166 = arith.cmpf olt, %gather3A_1162, %select_n3A_1144 : vector<16xf32>
    %eq3A_1167 = arith.cmpf oeq, %gather3A_1162, %select_n3A_1144 : vector<16xf32>
    %lt3A_1168 = arith.cmpi slt, %gather3A_1165, %select_n3A_1145 : vector<16xi32>
    %and3A_1169 = arith.andi %eq3A_1167, %lt3A_1168 : vector<16xi1>
    %or3A_1170 = arith.ori %lt3A_1166, %and3A_1169 : vector<16xi1>
    %select_n3A_1171 = arith.select %or3A_1170, %gather3A_1162, %select_n3A_1144 : vector<16xi1>, vector<16xf32>
    %select_n3A_1172 = arith.select %or3A_1170, %gather3A_1165, %select_n3A_1145 : vector<16xi1>, vector<16xi32>
    %xor3A_1173 = arith.constant 4 : i32
    %xor3A_1174 = vector.broadcast %xor3A_1173 : i32 to vector<16xi32>
    %xor3A_1175 = arith.xori %iota3A, %xor3A_1174 : vector<16xi32>
    %broadcast_in_dim3A_1176 = vector.shape_cast %xor3A_1175 : vector<16xi32> to vector<16x1xi32>
    %gather3A_1177 = vector.shape_cast %broadcast_in_dim3A_1176 : vector<16x1xi32> to vector<16xi32>
    %gather3A_1178 = tpu.dynamic_gather %select_n3A_1171[%gather3A_1177] in [0] : vector<16xf32>, vector<16xi32> -> vector<16xf32>
    %broadcast_in_dim3A_1179 = vector.shape_cast %xor3A_1175 : vector<16xi32> to vector<16x1xi32>
    %gather3A_1180 = vector.shape_cast %broadcast_in_dim3A_1179 : vector<16x1xi32> to vector<16xi32>
    %gather3A_1181 = tpu.dynamic_gather %select_n3A_1172[%gather3A_1180] in [0] : vector<16xi32>, vector<16xi32> -> vector<16xi32>
    %lt3A_1182 = arith.cmpf olt, %gather3A_1178, %select_n3A_1171 : vector<16xf32>
    %eq3A_1183 = arith.cmpf oeq, %gather3A_1178, %select_n3A_1171 : vector<16xf32>
    %lt3A_1184 = arith.cmpi slt, %gather3A_1181, %select_n3A_1172 : vector<16xi32>
    %and3A_1185 = arith.andi %eq3A_1183, %lt3A_1184 : vector<16xi1>
    %or3A_1186 = arith.ori %lt3A_1182, %and3A_1185 : vector<16xi1>
    %select_n3A_1187 = arith.select %or3A_1186, %gather3A_1178, %select_n3A_1171 : vector<16xi1>, vector<16xf32>
    %select_n3A_1188 = arith.select %or3A_1186, %gather3A_1181, %select_n3A_1172 : vector<16xi1>, vector<16xi32>
    %xor3A_1189 = arith.constant 2 : i32
    %xor3A_1190 = vector.broadcast %xor3A_1189 : i32 to vector<16xi32>
    %xor3A_1191 = arith.xori %iota3A, %xor3A_1190 : vector<16xi32>
    %broadcast_in_dim3A_1192 = vector.shape_cast %xor3A_1191 : vector<16xi32> to vector<16x1xi32>
    %gather3A_1193 = vector.shape_cast %broadcast_in_dim3A_1192 : vector<16x1xi32> to vector<16xi32>
    %gather3A_1194 = tpu.dynamic_gather %select_n3A_1187[%gather3A_1193] in [0] : vector<16xf32>, vector<16xi32> -> vector<16xf32>
    %broadcast_in_dim3A_1195 = vector.shape_cast %xor3A_1191 : vector<16xi32> to vector<16x1xi32>
    %gather3A_1196 = vector.shape_cast %broadcast_in_dim3A_1195 : vector<16x1xi32> to vector<16xi32>
    %gather3A_1197 = tpu.dynamic_gather %select_n3A_1188[%gather3A_1196] in [0] : vector<16xi32>, vector<16xi32> -> vector<16xi32>
    %lt3A_1198 = arith.cmpf olt, %gather3A_1194, %select_n3A_1187 : vector<16xf32>
    %eq3A_1199 = arith.cmpf oeq, %gather3A_1194, %select_n3A_1187 : vector<16xf32>
    %lt3A_1200 = arith.cmpi slt, %gather3A_1197, %select_n3A_1188 : vector<16xi32>
    %and3A_1201 = arith.andi %eq3A_1199, %lt3A_1200 : vector<16xi1>
    %or3A_1202 = arith.ori %lt3A_1198, %and3A_1201 : vector<16xi1>
    %select_n3A_1203 = arith.select %or3A_1202, %gather3A_1194, %select_n3A_1187 : vector<16xi1>, vector<16xf32>
    %select_n3A_1204 = arith.select %or3A_1202, %gather3A_1197, %select_n3A_1188 : vector<16xi1>, vector<16xi32>
    %xor3A_1205 = arith.constant 1 : i32
    %xor3A_1206 = vector.broadcast %xor3A_1205 : i32 to vector<16xi32>
    %xor3A_1207 = arith.xori %iota3A, %xor3A_1206 : vector<16xi32>
    %broadcast_in_dim3A_1208 = vector.shape_cast %xor3A_1207 : vector<16xi32> to vector<16x1xi32>
    %gather3A_1209 = vector.shape_cast %broadcast_in_dim3A_1208 : vector<16x1xi32> to vector<16xi32>
    %gather3A_1210 = tpu.dynamic_gather %select_n3A_1203[%gather3A_1209] in [0] : vector<16xf32>, vector<16xi32> -> vector<16xf32>
    %broadcast_in_dim3A_1211 = vector.shape_cast %xor3A_1207 : vector<16xi32> to vector<16x1xi32>
    %gather3A_1212 = vector.shape_cast %broadcast_in_dim3A_1211 : vector<16x1xi32> to vector<16xi32>
    %gather3A_1213 = tpu.dynamic_gather %select_n3A_1204[%gather3A_1212] in [0] : vector<16xi32>, vector<16xi32> -> vector<16xi32>
    %lt3A_1214 = arith.cmpf olt, %gather3A_1210, %select_n3A_1203 : vector<16xf32>
    %eq3A_1215 = arith.cmpf oeq, %gather3A_1210, %select_n3A_1203 : vector<16xf32>
    %lt3A_1216 = arith.cmpi slt, %gather3A_1213, %select_n3A_1204 : vector<16xi32>
    %and3A_1217 = arith.andi %eq3A_1215, %lt3A_1216 : vector<16xi1>
    %or3A_1218 = arith.ori %lt3A_1214, %and3A_1217 : vector<16xi1>
    %select_n3A_1219 = arith.select %or3A_1218, %gather3A_1210, %select_n3A_1203 : vector<16xi1>, vector<16xf32>
    %select_n3A_1220 = arith.select %or3A_1218, %gather3A_1213, %select_n3A_1204 : vector<16xi1>, vector<16xi32>
    %eq3A_1221 = arith.cmpf oeq, %select_n3A_1144, %select_n3A_1219 : vector<16xf32>
    %eq3A_1222 = arith.cmpi eq, %select_n3A_1145, %select_n3A_1220 : vector<16xi32>
    %and3A_1223 = arith.andi %eq3A_1221, %eq3A_1222 : vector<16xi1>
    %select_n3A_1224 = arith.select %and3A_1223, %select_n3A_1146, %select_n3A_1144 : vector<16xi1>, vector<16xf32>
    %select_n3A_1225 = arith.select %and3A_1223, %select_n3A_1147, %select_n3A_1145 : vector<16xi1>, vector<16xi32>
    %select_n3A_1226 = arith.select %and3A_1223, %select_n3A_1148, %select_n3A_1146 : vector<16xi1>, vector<16xf32>
    %select_n3A_1227 = arith.select %and3A_1223, %select_n3A_1149, %select_n3A_1147 : vector<16xi1>, vector<16xi32>
    %select_n3A_1228 = arith.select %and3A_1223, %select_n3A_1152, %select_n3A_1148 : vector<16xi1>, vector<16xf32>
    %select_n3A_1229 = arith.select %and3A_1223, %scan3A_1075#7, %select_n3A_1149 : vector<16xi1>, vector<16xi32>
    %jit3A_1230 = arith.constant 0x7F800000 : f32
    %broadcast_in_dim3A_1231 = vector.broadcast %jit3A_1230 : f32 to vector<16xf32>
    %select_n3A_1232 = arith.select %and3A_1223, %broadcast_in_dim3A_1231, %select_n3A_1152 : vector<16xi1>, vector<16xf32>
    %eq3A_1233 = arith.constant 3 : i32
    %eq3A_1234 = vector.broadcast %eq3A_1233 : i32 to vector<16xi32>
    %eq3A_1235 = arith.cmpi eq, %iota3A, %eq3A_1234 : vector<16xi32>
    %select_n3A_1236 = arith.select %eq3A_1235, %select_n3A_1220, %select_n3A_898 : vector<16xi1>, vector<16xi32>
    %xor3A_1237 = arith.constant 8 : i32
    %xor3A_1238 = vector.broadcast %xor3A_1237 : i32 to vector<16xi32>
    %xor3A_1239 = arith.xori %iota3A, %xor3A_1238 : vector<16xi32>
    %broadcast_in_dim3A_1240 = vector.shape_cast %xor3A_1239 : vector<16xi32> to vector<16x1xi32>
    %gather3A_1241 = vector.shape_cast %broadcast_in_dim3A_1240 : vector<16x1xi32> to vector<16xi32>
    %gather3A_1242 = tpu.dynamic_gather %select_n3A_1224[%gather3A_1241] in [0] : vector<16xf32>, vector<16xi32> -> vector<16xf32>
    %broadcast_in_dim3A_1243 = vector.shape_cast %xor3A_1239 : vector<16xi32> to vector<16x1xi32>
    %gather3A_1244 = vector.shape_cast %broadcast_in_dim3A_1243 : vector<16x1xi32> to vector<16xi32>
    %gather3A_1245 = tpu.dynamic_gather %select_n3A_1225[%gather3A_1244] in [0] : vector<16xi32>, vector<16xi32> -> vector<16xi32>
    %lt3A_1246 = arith.cmpf olt, %gather3A_1242, %select_n3A_1224 : vector<16xf32>
    %eq3A_1247 = arith.cmpf oeq, %gather3A_1242, %select_n3A_1224 : vector<16xf32>
    %lt3A_1248 = arith.cmpi slt, %gather3A_1245, %select_n3A_1225 : vector<16xi32>
    %and3A_1249 = arith.andi %eq3A_1247, %lt3A_1248 : vector<16xi1>
    %or3A_1250 = arith.ori %lt3A_1246, %and3A_1249 : vector<16xi1>
    %select_n3A_1251 = arith.select %or3A_1250, %gather3A_1242, %select_n3A_1224 : vector<16xi1>, vector<16xf32>
    %select_n3A_1252 = arith.select %or3A_1250, %gather3A_1245, %select_n3A_1225 : vector<16xi1>, vector<16xi32>
    %xor3A_1253 = arith.constant 4 : i32
    %xor3A_1254 = vector.broadcast %xor3A_1253 : i32 to vector<16xi32>
    %xor3A_1255 = arith.xori %iota3A, %xor3A_1254 : vector<16xi32>
    %broadcast_in_dim3A_1256 = vector.shape_cast %xor3A_1255 : vector<16xi32> to vector<16x1xi32>
    %gather3A_1257 = vector.shape_cast %broadcast_in_dim3A_1256 : vector<16x1xi32> to vector<16xi32>
    %gather3A_1258 = tpu.dynamic_gather %select_n3A_1251[%gather3A_1257] in [0] : vector<16xf32>, vector<16xi32> -> vector<16xf32>
    %broadcast_in_dim3A_1259 = vector.shape_cast %xor3A_1255 : vector<16xi32> to vector<16x1xi32>
    %gather3A_1260 = vector.shape_cast %broadcast_in_dim3A_1259 : vector<16x1xi32> to vector<16xi32>
    %gather3A_1261 = tpu.dynamic_gather %select_n3A_1252[%gather3A_1260] in [0] : vector<16xi32>, vector<16xi32> -> vector<16xi32>
    %lt3A_1262 = arith.cmpf olt, %gather3A_1258, %select_n3A_1251 : vector<16xf32>
    %eq3A_1263 = arith.cmpf oeq, %gather3A_1258, %select_n3A_1251 : vector<16xf32>
    %lt3A_1264 = arith.cmpi slt, %gather3A_1261, %select_n3A_1252 : vector<16xi32>
    %and3A_1265 = arith.andi %eq3A_1263, %lt3A_1264 : vector<16xi1>
    %or3A_1266 = arith.ori %lt3A_1262, %and3A_1265 : vector<16xi1>
    %select_n3A_1267 = arith.select %or3A_1266, %gather3A_1258, %select_n3A_1251 : vector<16xi1>, vector<16xf32>
    %select_n3A_1268 = arith.select %or3A_1266, %gather3A_1261, %select_n3A_1252 : vector<16xi1>, vector<16xi32>
    %xor3A_1269 = arith.constant 2 : i32
    %xor3A_1270 = vector.broadcast %xor3A_1269 : i32 to vector<16xi32>
    %xor3A_1271 = arith.xori %iota3A, %xor3A_1270 : vector<16xi32>
    %broadcast_in_dim3A_1272 = vector.shape_cast %xor3A_1271 : vector<16xi32> to vector<16x1xi32>
    %gather3A_1273 = vector.shape_cast %broadcast_in_dim3A_1272 : vector<16x1xi32> to vector<16xi32>
    %gather3A_1274 = tpu.dynamic_gather %select_n3A_1267[%gather3A_1273] in [0] : vector<16xf32>, vector<16xi32> -> vector<16xf32>
    %broadcast_in_dim3A_1275 = vector.shape_cast %xor3A_1271 : vector<16xi32> to vector<16x1xi32>
    %gather3A_1276 = vector.shape_cast %broadcast_in_dim3A_1275 : vector<16x1xi32> to vector<16xi32>
    %gather3A_1277 = tpu.dynamic_gather %select_n3A_1268[%gather3A_1276] in [0] : vector<16xi32>, vector<16xi32> -> vector<16xi32>
    %lt3A_1278 = arith.cmpf olt, %gather3A_1274, %select_n3A_1267 : vector<16xf32>
    %eq3A_1279 = arith.cmpf oeq, %gather3A_1274, %select_n3A_1267 : vector<16xf32>
    %lt3A_1280 = arith.cmpi slt, %gather3A_1277, %select_n3A_1268 : vector<16xi32>
    %and3A_1281 = arith.andi %eq3A_1279, %lt3A_1280 : vector<16xi1>
    %or3A_1282 = arith.ori %lt3A_1278, %and3A_1281 : vector<16xi1>
    %select_n3A_1283 = arith.select %or3A_1282, %gather3A_1274, %select_n3A_1267 : vector<16xi1>, vector<16xf32>
    %select_n3A_1284 = arith.select %or3A_1282, %gather3A_1277, %select_n3A_1268 : vector<16xi1>, vector<16xi32>
    %xor3A_1285 = arith.constant 1 : i32
    %xor3A_1286 = vector.broadcast %xor3A_1285 : i32 to vector<16xi32>
    %xor3A_1287 = arith.xori %iota3A, %xor3A_1286 : vector<16xi32>
    %broadcast_in_dim3A_1288 = vector.shape_cast %xor3A_1287 : vector<16xi32> to vector<16x1xi32>
    %gather3A_1289 = vector.shape_cast %broadcast_in_dim3A_1288 : vector<16x1xi32> to vector<16xi32>
    %gather3A_1290 = tpu.dynamic_gather %select_n3A_1283[%gather3A_1289] in [0] : vector<16xf32>, vector<16xi32> -> vector<16xf32>
    %broadcast_in_dim3A_1291 = vector.shape_cast %xor3A_1287 : vector<16xi32> to vector<16x1xi32>
    %gather3A_1292 = vector.shape_cast %broadcast_in_dim3A_1291 : vector<16x1xi32> to vector<16xi32>
    %gather3A_1293 = tpu.dynamic_gather %select_n3A_1284[%gather3A_1292] in [0] : vector<16xi32>, vector<16xi32> -> vector<16xi32>
    %lt3A_1294 = arith.cmpf olt, %gather3A_1290, %select_n3A_1283 : vector<16xf32>
    %eq3A_1295 = arith.cmpf oeq, %gather3A_1290, %select_n3A_1283 : vector<16xf32>
    %lt3A_1296 = arith.cmpi slt, %gather3A_1293, %select_n3A_1284 : vector<16xi32>
    %and3A_1297 = arith.andi %eq3A_1295, %lt3A_1296 : vector<16xi1>
    %or3A_1298 = arith.ori %lt3A_1294, %and3A_1297 : vector<16xi1>
    %select_n3A_1299 = arith.select %or3A_1298, %gather3A_1290, %select_n3A_1283 : vector<16xi1>, vector<16xf32>
    %select_n3A_1300 = arith.select %or3A_1298, %gather3A_1293, %select_n3A_1284 : vector<16xi1>, vector<16xi32>
    %eq3A_1301 = arith.cmpf oeq, %select_n3A_1224, %select_n3A_1299 : vector<16xf32>
    %eq3A_1302 = arith.cmpi eq, %select_n3A_1225, %select_n3A_1300 : vector<16xi32>
    %and3A_1303 = arith.andi %eq3A_1301, %eq3A_1302 : vector<16xi1>
    %select_n3A_1304 = arith.select %and3A_1303, %select_n3A_1226, %select_n3A_1224 : vector<16xi1>, vector<16xf32>
    %select_n3A_1305 = arith.select %and3A_1303, %select_n3A_1227, %select_n3A_1225 : vector<16xi1>, vector<16xi32>
    %select_n3A_1306 = arith.select %and3A_1303, %select_n3A_1228, %select_n3A_1226 : vector<16xi1>, vector<16xf32>
    %select_n3A_1307 = arith.select %and3A_1303, %select_n3A_1229, %select_n3A_1227 : vector<16xi1>, vector<16xi32>
    %select_n3A_1308 = arith.select %and3A_1303, %select_n3A_1232, %select_n3A_1228 : vector<16xi1>, vector<16xf32>
    %select_n3A_1309 = arith.select %and3A_1303, %scan3A_1075#7, %select_n3A_1229 : vector<16xi1>, vector<16xi32>
    %jit3A_1310 = arith.constant 0x7F800000 : f32
    %broadcast_in_dim3A_1311 = vector.broadcast %jit3A_1310 : f32 to vector<16xf32>
    %select_n3A_1312 = arith.select %and3A_1303, %broadcast_in_dim3A_1311, %select_n3A_1232 : vector<16xi1>, vector<16xf32>
    %eq3A_1313 = arith.constant 3 : i32
    %eq3A_1314 = vector.broadcast %eq3A_1313 : i32 to vector<16xi32>
    %eq3A_1315 = arith.cmpi eq, %iota3A, %eq3A_1314 : vector<16xi32>
    %select_n3A_1316 = arith.select %eq3A_1315, %select_n3A_1300, %select_n3A_978 : vector<16xi1>, vector<16xi32>
    %xor3A_1317 = arith.constant 8 : i32
    %xor3A_1318 = vector.broadcast %xor3A_1317 : i32 to vector<16xi32>
    %xor3A_1319 = arith.xori %iota3A, %xor3A_1318 : vector<16xi32>
    %broadcast_in_dim3A_1320 = vector.shape_cast %xor3A_1319 : vector<16xi32> to vector<16x1xi32>
    %gather3A_1321 = vector.shape_cast %broadcast_in_dim3A_1320 : vector<16x1xi32> to vector<16xi32>
    %gather3A_1322 = tpu.dynamic_gather %select_n3A_1304[%gather3A_1321] in [0] : vector<16xf32>, vector<16xi32> -> vector<16xf32>
    %broadcast_in_dim3A_1323 = vector.shape_cast %xor3A_1319 : vector<16xi32> to vector<16x1xi32>
    %gather3A_1324 = vector.shape_cast %broadcast_in_dim3A_1323 : vector<16x1xi32> to vector<16xi32>
    %gather3A_1325 = tpu.dynamic_gather %select_n3A_1305[%gather3A_1324] in [0] : vector<16xi32>, vector<16xi32> -> vector<16xi32>
    %lt3A_1326 = arith.cmpf olt, %gather3A_1322, %select_n3A_1304 : vector<16xf32>
    %eq3A_1327 = arith.cmpf oeq, %gather3A_1322, %select_n3A_1304 : vector<16xf32>
    %lt3A_1328 = arith.cmpi slt, %gather3A_1325, %select_n3A_1305 : vector<16xi32>
    %and3A_1329 = arith.andi %eq3A_1327, %lt3A_1328 : vector<16xi1>
    %or3A_1330 = arith.ori %lt3A_1326, %and3A_1329 : vector<16xi1>
    %select_n3A_1331 = arith.select %or3A_1330, %gather3A_1322, %select_n3A_1304 : vector<16xi1>, vector<16xf32>
    %select_n3A_1332 = arith.select %or3A_1330, %gather3A_1325, %select_n3A_1305 : vector<16xi1>, vector<16xi32>
    %xor3A_1333 = arith.constant 4 : i32
    %xor3A_1334 = vector.broadcast %xor3A_1333 : i32 to vector<16xi32>
    %xor3A_1335 = arith.xori %iota3A, %xor3A_1334 : vector<16xi32>
    %broadcast_in_dim3A_1336 = vector.shape_cast %xor3A_1335 : vector<16xi32> to vector<16x1xi32>
    %gather3A_1337 = vector.shape_cast %broadcast_in_dim3A_1336 : vector<16x1xi32> to vector<16xi32>
    %gather3A_1338 = tpu.dynamic_gather %select_n3A_1331[%gather3A_1337] in [0] : vector<16xf32>, vector<16xi32> -> vector<16xf32>
    %broadcast_in_dim3A_1339 = vector.shape_cast %xor3A_1335 : vector<16xi32> to vector<16x1xi32>
    %gather3A_1340 = vector.shape_cast %broadcast_in_dim3A_1339 : vector<16x1xi32> to vector<16xi32>
    %gather3A_1341 = tpu.dynamic_gather %select_n3A_1332[%gather3A_1340] in [0] : vector<16xi32>, vector<16xi32> -> vector<16xi32>
    %lt3A_1342 = arith.cmpf olt, %gather3A_1338, %select_n3A_1331 : vector<16xf32>
    %eq3A_1343 = arith.cmpf oeq, %gather3A_1338, %select_n3A_1331 : vector<16xf32>
    %lt3A_1344 = arith.cmpi slt, %gather3A_1341, %select_n3A_1332 : vector<16xi32>
    %and3A_1345 = arith.andi %eq3A_1343, %lt3A_1344 : vector<16xi1>
    %or3A_1346 = arith.ori %lt3A_1342, %and3A_1345 : vector<16xi1>
    %select_n3A_1347 = arith.select %or3A_1346, %gather3A_1338, %select_n3A_1331 : vector<16xi1>, vector<16xf32>
    %select_n3A_1348 = arith.select %or3A_1346, %gather3A_1341, %select_n3A_1332 : vector<16xi1>, vector<16xi32>
    %xor3A_1349 = arith.constant 2 : i32
    %xor3A_1350 = vector.broadcast %xor3A_1349 : i32 to vector<16xi32>
    %xor3A_1351 = arith.xori %iota3A, %xor3A_1350 : vector<16xi32>
    %broadcast_in_dim3A_1352 = vector.shape_cast %xor3A_1351 : vector<16xi32> to vector<16x1xi32>
    %gather3A_1353 = vector.shape_cast %broadcast_in_dim3A_1352 : vector<16x1xi32> to vector<16xi32>
    %gather3A_1354 = tpu.dynamic_gather %select_n3A_1347[%gather3A_1353] in [0] : vector<16xf32>, vector<16xi32> -> vector<16xf32>
    %broadcast_in_dim3A_1355 = vector.shape_cast %xor3A_1351 : vector<16xi32> to vector<16x1xi32>
    %gather3A_1356 = vector.shape_cast %broadcast_in_dim3A_1355 : vector<16x1xi32> to vector<16xi32>
    %gather3A_1357 = tpu.dynamic_gather %select_n3A_1348[%gather3A_1356] in [0] : vector<16xi32>, vector<16xi32> -> vector<16xi32>
    %lt3A_1358 = arith.cmpf olt, %gather3A_1354, %select_n3A_1347 : vector<16xf32>
    %eq3A_1359 = arith.cmpf oeq, %gather3A_1354, %select_n3A_1347 : vector<16xf32>
    %lt3A_1360 = arith.cmpi slt, %gather3A_1357, %select_n3A_1348 : vector<16xi32>
    %and3A_1361 = arith.andi %eq3A_1359, %lt3A_1360 : vector<16xi1>
    %or3A_1362 = arith.ori %lt3A_1358, %and3A_1361 : vector<16xi1>
    %select_n3A_1363 = arith.select %or3A_1362, %gather3A_1354, %select_n3A_1347 : vector<16xi1>, vector<16xf32>
    %select_n3A_1364 = arith.select %or3A_1362, %gather3A_1357, %select_n3A_1348 : vector<16xi1>, vector<16xi32>
    %xor3A_1365 = arith.constant 1 : i32
    %xor3A_1366 = vector.broadcast %xor3A_1365 : i32 to vector<16xi32>
    %xor3A_1367 = arith.xori %iota3A, %xor3A_1366 : vector<16xi32>
    %broadcast_in_dim3A_1368 = vector.shape_cast %xor3A_1367 : vector<16xi32> to vector<16x1xi32>
    %gather3A_1369 = vector.shape_cast %broadcast_in_dim3A_1368 : vector<16x1xi32> to vector<16xi32>
    %gather3A_1370 = tpu.dynamic_gather %select_n3A_1363[%gather3A_1369] in [0] : vector<16xf32>, vector<16xi32> -> vector<16xf32>
    %broadcast_in_dim3A_1371 = vector.shape_cast %xor3A_1367 : vector<16xi32> to vector<16x1xi32>
    %gather3A_1372 = vector.shape_cast %broadcast_in_dim3A_1371 : vector<16x1xi32> to vector<16xi32>
    %gather3A_1373 = tpu.dynamic_gather %select_n3A_1364[%gather3A_1372] in [0] : vector<16xi32>, vector<16xi32> -> vector<16xi32>
    %lt3A_1374 = arith.cmpf olt, %gather3A_1370, %select_n3A_1363 : vector<16xf32>
    %eq3A_1375 = arith.cmpf oeq, %gather3A_1370, %select_n3A_1363 : vector<16xf32>
    %lt3A_1376 = arith.cmpi slt, %gather3A_1373, %select_n3A_1364 : vector<16xi32>
    %and3A_1377 = arith.andi %eq3A_1375, %lt3A_1376 : vector<16xi1>
    %or3A_1378 = arith.ori %lt3A_1374, %and3A_1377 : vector<16xi1>
    %select_n3A_1379 = arith.select %or3A_1378, %gather3A_1370, %select_n3A_1363 : vector<16xi1>, vector<16xf32>
    %select_n3A_1380 = arith.select %or3A_1378, %gather3A_1373, %select_n3A_1364 : vector<16xi1>, vector<16xi32>
    %eq3A_1381 = arith.cmpf oeq, %select_n3A_1304, %select_n3A_1379 : vector<16xf32>
    %eq3A_1382 = arith.cmpi eq, %select_n3A_1305, %select_n3A_1380 : vector<16xi32>
    %and3A_1383 = arith.andi %eq3A_1381, %eq3A_1382 : vector<16xi1>
    %select_n3A_1384 = arith.select %and3A_1383, %select_n3A_1306, %select_n3A_1304 : vector<16xi1>, vector<16xf32>
    %select_n3A_1385 = arith.select %and3A_1383, %select_n3A_1307, %select_n3A_1305 : vector<16xi1>, vector<16xi32>
    %select_n3A_1386 = arith.select %and3A_1383, %select_n3A_1308, %select_n3A_1306 : vector<16xi1>, vector<16xf32>
    %select_n3A_1387 = arith.select %and3A_1383, %select_n3A_1309, %select_n3A_1307 : vector<16xi1>, vector<16xi32>
    %select_n3A_1388 = arith.select %and3A_1383, %select_n3A_1312, %select_n3A_1308 : vector<16xi1>, vector<16xf32>
    %select_n3A_1389 = arith.select %and3A_1383, %scan3A_1075#7, %select_n3A_1309 : vector<16xi1>, vector<16xi32>
    %jit3A_1390 = arith.constant 0x7F800000 : f32
    %broadcast_in_dim3A_1391 = vector.broadcast %jit3A_1390 : f32 to vector<16xf32>
    %select_n3A_1392 = arith.select %and3A_1383, %broadcast_in_dim3A_1391, %select_n3A_1312 : vector<16xi1>, vector<16xf32>
    %eq3A_1393 = arith.constant 3 : i32
    %eq3A_1394 = vector.broadcast %eq3A_1393 : i32 to vector<16xi32>
    %eq3A_1395 = arith.cmpi eq, %iota3A, %eq3A_1394 : vector<16xi32>
    %select_n3A_1396 = arith.select %eq3A_1395, %select_n3A_1380, %select_n3A_1058 : vector<16xi1>, vector<16xi32>
    %slice3A_1397 = vector.extract_strided_slice %get3A_34 {offsets = [4], sizes = [1], strides = [1]} : vector<16xf32> to vector<1xf32>
    %squeeze3A_1398 = vector.extract %slice3A_1397[0] : f32 from vector<1xf32>
    %slice3A_1399 = vector.extract_strided_slice %get3A_39 {offsets = [4], sizes = [1], strides = [1]} : vector<16xf32> to vector<1xf32>
    %squeeze3A_1400 = vector.extract %slice3A_1399[0] : f32 from vector<1xf32>
    %slice3A_1401 = vector.extract_strided_slice %get3A_44 {offsets = [4], sizes = [1], strides = [1]} : vector<16xf32> to vector<1xf32>
    %squeeze3A_1402 = vector.extract %slice3A_1401[0] : f32 from vector<1xf32>
    %slice3A_1403 = vector.extract_strided_slice %get3A_49 {offsets = [4], sizes = [1], strides = [1]} : vector<16xf32> to vector<1xf32>
    %squeeze3A_1404 = vector.extract %slice3A_1403[0] : f32 from vector<1xf32>
    %broadcast_in_dim3A_1405 = arith.constant 0x7F800000 : f32
    %broadcast_in_dim3A_1406 = vector.broadcast %broadcast_in_dim3A_1405 : f32 to vector<16xf32>
    %broadcast_in_dim3A_1407 = arith.constant 0 : i32
    %broadcast_in_dim3A_1408 = vector.broadcast %broadcast_in_dim3A_1407 : i32 to vector<16xi32>
    %scan3A_1409 = arith.constant 0 : i32
    %scan3A_1410 = arith.constant 512 : i32
    %scan3A_1411 = arith.addi %scan3A_1409, %scan3A_1410 : i32
    %scan3A_1412 = arith.constant 1 : i32
    %scan3A_1413:9 = scf.for %scan3A_1758 = %scan3A_1409 to %scan3A_1411 step %scan3A_1412 iter_args(%scan3A_1759 = %broadcast_in_dim3A_1406, %scan3A_1760 = %broadcast_in_dim3A_1406, %scan3A_1761 = %broadcast_in_dim3A_1406, %scan3A_1762 = %broadcast_in_dim3A_1406, %scan3A_1763 = %broadcast_in_dim3A_1408, %scan3A_1764 = %broadcast_in_dim3A_1408, %scan3A_1765 = %broadcast_in_dim3A_1408, %scan3A_1766 = %broadcast_in_dim3A_1408, %scan3A_1767 = %iota3A) -> (vector<16xf32>, vector<16xf32>, vector<16xf32>, vector<16xf32>, vector<16xi32>, vector<16xi32>, vector<16xi32>, vector<16xi32>, vector<16xi32>)  : i32 {
      %mul3A_1768 = arith.constant 16 : i32
      %mul3A_1769 = arith.muli %scan3A_1758, %mul3A_1768 : i32
      %get3A_1770 = arith.constant 0 : i32
      %get3A_1771 = arith.index_cast %get3A_1770 : i32 to index
      %get3A_1772 = arith.index_cast %mul3A_1769 : i32 to index
      %get3A_1773 = tpu.vector_load %arg5[%get3A_1771, %get3A_1772] {strides = array<i32>} : memref<4x8192xf32, #tpu.memory_space<vmem>>, vector<1x16xf32>,
      %get3A_1774 = vector.shape_cast %get3A_1773 : vector<1x16xf32> to vector<16xf32>
      %sub3A_1775 = vector.broadcast %squeeze3A_1398 : f32 to vector<16xf32>
      %sub3A_1776 = arith.subf %get3A_1774, %sub3A_1775 : vector<16xf32>
      %abs3A = math.absf %sub3A_1776 : vector<16xf32>
      %get3A_1777 = arith.constant 1 : i32
      %get3A_1778 = arith.index_cast %get3A_1777 : i32 to index
      %get3A_1779 = arith.index_cast %mul3A_1769 : i32 to index
      %get3A_1780 = tpu.vector_load %arg5[%get3A_1778, %get3A_1779] {strides = array<i32>} : memref<4x8192xf32, #tpu.memory_space<vmem>>, vector<1x16xf32>,
      %get3A_1781 = vector.shape_cast %get3A_1780 : vector<1x16xf32> to vector<16xf32>
      %sub3A_1782 = vector.broadcast %squeeze3A_1400 : f32 to vector<16xf32>
      %sub3A_1783 = arith.subf %get3A_1781, %sub3A_1782 : vector<16xf32>
      %abs3A_1784 = math.absf %sub3A_1783 : vector<16xf32>
      %add3A_1785 = arith.addf %abs3A, %abs3A_1784 : vector<16xf32>
      %get3A_1786 = arith.constant 2 : i32
      %get3A_1787 = arith.index_cast %get3A_1786 : i32 to index
      %get3A_1788 = arith.index_cast %mul3A_1769 : i32 to index
      %get3A_1789 = tpu.vector_load %arg5[%get3A_1787, %get3A_1788] {strides = array<i32>} : memref<4x8192xf32, #tpu.memory_space<vmem>>, vector<1x16xf32>,
      %get3A_1790 = vector.shape_cast %get3A_1789 : vector<1x16xf32> to vector<16xf32>
      %sub3A_1791 = vector.broadcast %squeeze3A_1402 : f32 to vector<16xf32>
      %sub3A_1792 = arith.subf %get3A_1790, %sub3A_1791 : vector<16xf32>
      %abs3A_1793 = math.absf %sub3A_1792 : vector<16xf32>
      %add3A_1794 = arith.addf %add3A_1785, %abs3A_1793 : vector<16xf32>
      %get3A_1795 = arith.constant 3 : i32
      %get3A_1796 = arith.index_cast %get3A_1795 : i32 to index
      %get3A_1797 = arith.index_cast %mul3A_1769 : i32 to index
      %get3A_1798 = tpu.vector_load %arg5[%get3A_1796, %get3A_1797] {strides = array<i32>} : memref<4x8192xf32, #tpu.memory_space<vmem>>, vector<1x16xf32>,
      %get3A_1799 = vector.shape_cast %get3A_1798 : vector<1x16xf32> to vector<16xf32>
      %sub3A_1800 = vector.broadcast %squeeze3A_1404 : f32 to vector<16xf32>
      %sub3A_1801 = arith.subf %get3A_1799, %sub3A_1800 : vector<16xf32>
      %abs3A_1802 = math.absf %sub3A_1801 : vector<16xf32>
      %add3A_1803 = arith.addf %add3A_1794, %abs3A_1802 : vector<16xf32>
      %lt3A_1804 = arith.cmpf olt, %add3A_1803, %scan3A_1759 : vector<16xf32>
      %lt3A_1805 = arith.cmpf olt, %add3A_1803, %scan3A_1760 : vector<16xf32>
      %lt3A_1806 = arith.cmpf olt, %add3A_1803, %scan3A_1761 : vector<16xf32>
      %lt3A_1807 = arith.cmpf olt, %add3A_1803, %scan3A_1762 : vector<16xf32>
      %select_n3A_1808 = arith.select %lt3A_1806, %scan3A_1761, %add3A_1803 : vector<16xi1>, vector<16xf32>
      %select_n3A_1809 = arith.select %lt3A_1807, %select_n3A_1808, %scan3A_1762 : vector<16xi1>, vector<16xf32>
      %select_n3A_1810 = arith.select %lt3A_1806, %scan3A_1765, %scan3A_1767 : vector<16xi1>, vector<16xi32>
      %select_n3A_1811 = arith.select %lt3A_1807, %select_n3A_1810, %scan3A_1766 : vector<16xi1>, vector<16xi32>
      %select_n3A_1812 = arith.select %lt3A_1805, %scan3A_1760, %add3A_1803 : vector<16xi1>, vector<16xf32>
      %select_n3A_1813 = arith.select %lt3A_1806, %select_n3A_1812, %scan3A_1761 : vector<16xi1>, vector<16xf32>
      %select_n3A_1814 = arith.select %lt3A_1805, %scan3A_1764, %scan3A_1767 : vector<16xi1>, vector<16xi32>
      %select_n3A_1815 = arith.select %lt3A_1806, %select_n3A_1814, %scan3A_1765 : vector<16xi1>, vector<16xi32>
      %select_n3A_1816 = arith.select %lt3A_1804, %scan3A_1759, %add3A_1803 : vector<16xi1>, vector<16xf32>
      %select_n3A_1817 = arith.select %lt3A_1805, %select_n3A_1816, %scan3A_1760 : vector<16xi1>, vector<16xf32>
      %select_n3A_1818 = arith.select %lt3A_1804, %scan3A_1763, %scan3A_1767 : vector<16xi1>, vector<16xi32>
      %select_n3A_1819 = arith.select %lt3A_1805, %select_n3A_1818, %scan3A_1764 : vector<16xi1>, vector<16xi32>
      %select_n3A_1820 = arith.select %lt3A_1804, %add3A_1803, %scan3A_1759 : vector<16xi1>, vector<16xf32>
      %select_n3A_1821 = arith.select %lt3A_1804, %scan3A_1767, %scan3A_1763 : vector<16xi1>, vector<16xi32>
      %add3A_1822 = arith.constant 16 : i32
      %add3A_1823 = vector.broadcast %add3A_1822 : i32 to vector<16xi32>
      %add3A_1824 = arith.addi %scan3A_1767, %add3A_1823 : vector<16xi32>
      scf.yield %select_n3A_1820, %select_n3A_1817, %select_n3A_1813, %select_n3A_1809, %select_n3A_1821, %select_n3A_1819, %select_n3A_1815, %select_n3A_1811, %add3A_1824 : vector<16xf32>, vector<16xf32>, vector<16xf32>, vector<16xf32>, vector<16xi32>, vector<16xi32>, vector<16xi32>, vector<16xi32>, vector<16xi32>
    }
    %scan3A_1414 = arith.constant 512 : i32
    %xor3A_1415 = arith.constant 8 : i32
    %xor3A_1416 = vector.broadcast %xor3A_1415 : i32 to vector<16xi32>
    %xor3A_1417 = arith.xori %iota3A, %xor3A_1416 : vector<16xi32>
    %broadcast_in_dim3A_1418 = vector.shape_cast %xor3A_1417 : vector<16xi32> to vector<16x1xi32>
    %gather3A_1419 = vector.shape_cast %broadcast_in_dim3A_1418 : vector<16x1xi32> to vector<16xi32>
    %gather3A_1420 = tpu.dynamic_gather %scan3A_1413#0[%gather3A_1419] in [0] : vector<16xf32>, vector<16xi32> -> vector<16xf32>
    %broadcast_in_dim3A_1421 = vector.shape_cast %xor3A_1417 : vector<16xi32> to vector<16x1xi32>
    %gather3A_1422 = vector.shape_cast %broadcast_in_dim3A_1421 : vector<16x1xi32> to vector<16xi32>
    %gather3A_1423 = tpu.dynamic_gather %scan3A_1413#4[%gather3A_1422] in [0] : vector<16xi32>, vector<16xi32> -> vector<16xi32>
    %lt3A_1424 = arith.cmpf olt, %gather3A_1420, %scan3A_1413#0 : vector<16xf32>
    %eq3A_1425 = arith.cmpf oeq, %gather3A_1420, %scan3A_1413#0 : vector<16xf32>
    %lt3A_1426 = arith.cmpi slt, %gather3A_1423, %scan3A_1413#4 : vector<16xi32>
    %and3A_1427 = arith.andi %eq3A_1425, %lt3A_1426 : vector<16xi1>
    %or3A_1428 = arith.ori %lt3A_1424, %and3A_1427 : vector<16xi1>
    %select_n3A_1429 = arith.select %or3A_1428, %gather3A_1420, %scan3A_1413#0 : vector<16xi1>, vector<16xf32>
    %select_n3A_1430 = arith.select %or3A_1428, %gather3A_1423, %scan3A_1413#4 : vector<16xi1>, vector<16xi32>
    %xor3A_1431 = arith.constant 4 : i32
    %xor3A_1432 = vector.broadcast %xor3A_1431 : i32 to vector<16xi32>
    %xor3A_1433 = arith.xori %iota3A, %xor3A_1432 : vector<16xi32>
    %broadcast_in_dim3A_1434 = vector.shape_cast %xor3A_1433 : vector<16xi32> to vector<16x1xi32>
    %gather3A_1435 = vector.shape_cast %broadcast_in_dim3A_1434 : vector<16x1xi32> to vector<16xi32>
    %gather3A_1436 = tpu.dynamic_gather %select_n3A_1429[%gather3A_1435] in [0] : vector<16xf32>, vector<16xi32> -> vector<16xf32>
    %broadcast_in_dim3A_1437 = vector.shape_cast %xor3A_1433 : vector<16xi32> to vector<16x1xi32>
    %gather3A_1438 = vector.shape_cast %broadcast_in_dim3A_1437 : vector<16x1xi32> to vector<16xi32>
    %gather3A_1439 = tpu.dynamic_gather %select_n3A_1430[%gather3A_1438] in [0] : vector<16xi32>, vector<16xi32> -> vector<16xi32>
    %lt3A_1440 = arith.cmpf olt, %gather3A_1436, %select_n3A_1429 : vector<16xf32>
    %eq3A_1441 = arith.cmpf oeq, %gather3A_1436, %select_n3A_1429 : vector<16xf32>
    %lt3A_1442 = arith.cmpi slt, %gather3A_1439, %select_n3A_1430 : vector<16xi32>
    %and3A_1443 = arith.andi %eq3A_1441, %lt3A_1442 : vector<16xi1>
    %or3A_1444 = arith.ori %lt3A_1440, %and3A_1443 : vector<16xi1>
    %select_n3A_1445 = arith.select %or3A_1444, %gather3A_1436, %select_n3A_1429 : vector<16xi1>, vector<16xf32>
    %select_n3A_1446 = arith.select %or3A_1444, %gather3A_1439, %select_n3A_1430 : vector<16xi1>, vector<16xi32>
    %xor3A_1447 = arith.constant 2 : i32
    %xor3A_1448 = vector.broadcast %xor3A_1447 : i32 to vector<16xi32>
    %xor3A_1449 = arith.xori %iota3A, %xor3A_1448 : vector<16xi32>
    %broadcast_in_dim3A_1450 = vector.shape_cast %xor3A_1449 : vector<16xi32> to vector<16x1xi32>
    %gather3A_1451 = vector.shape_cast %broadcast_in_dim3A_1450 : vector<16x1xi32> to vector<16xi32>
    %gather3A_1452 = tpu.dynamic_gather %select_n3A_1445[%gather3A_1451] in [0] : vector<16xf32>, vector<16xi32> -> vector<16xf32>
    %broadcast_in_dim3A_1453 = vector.shape_cast %xor3A_1449 : vector<16xi32> to vector<16x1xi32>
    %gather3A_1454 = vector.shape_cast %broadcast_in_dim3A_1453 : vector<16x1xi32> to vector<16xi32>
    %gather3A_1455 = tpu.dynamic_gather %select_n3A_1446[%gather3A_1454] in [0] : vector<16xi32>, vector<16xi32> -> vector<16xi32>
    %lt3A_1456 = arith.cmpf olt, %gather3A_1452, %select_n3A_1445 : vector<16xf32>
    %eq3A_1457 = arith.cmpf oeq, %gather3A_1452, %select_n3A_1445 : vector<16xf32>
    %lt3A_1458 = arith.cmpi slt, %gather3A_1455, %select_n3A_1446 : vector<16xi32>
    %and3A_1459 = arith.andi %eq3A_1457, %lt3A_1458 : vector<16xi1>
    %or3A_1460 = arith.ori %lt3A_1456, %and3A_1459 : vector<16xi1>
    %select_n3A_1461 = arith.select %or3A_1460, %gather3A_1452, %select_n3A_1445 : vector<16xi1>, vector<16xf32>
    %select_n3A_1462 = arith.select %or3A_1460, %gather3A_1455, %select_n3A_1446 : vector<16xi1>, vector<16xi32>
    %xor3A_1463 = arith.constant 1 : i32
    %xor3A_1464 = vector.broadcast %xor3A_1463 : i32 to vector<16xi32>
    %xor3A_1465 = arith.xori %iota3A, %xor3A_1464 : vector<16xi32>
    %broadcast_in_dim3A_1466 = vector.shape_cast %xor3A_1465 : vector<16xi32> to vector<16x1xi32>
    %gather3A_1467 = vector.shape_cast %broadcast_in_dim3A_1466 : vector<16x1xi32> to vector<16xi32>
    %gather3A_1468 = tpu.dynamic_gather %select_n3A_1461[%gather3A_1467] in [0] : vector<16xf32>, vector<16xi32> -> vector<16xf32>
    %broadcast_in_dim3A_1469 = vector.shape_cast %xor3A_1465 : vector<16xi32> to vector<16x1xi32>
    %gather3A_1470 = vector.shape_cast %broadcast_in_dim3A_1469 : vector<16x1xi32> to vector<16xi32>
    %gather3A_1471 = tpu.dynamic_gather %select_n3A_1462[%gather3A_1470] in [0] : vector<16xi32>, vector<16xi32> -> vector<16xi32>
    %lt3A_1472 = arith.cmpf olt, %gather3A_1468, %select_n3A_1461 : vector<16xf32>
    %eq3A_1473 = arith.cmpf oeq, %gather3A_1468, %select_n3A_1461 : vector<16xf32>
    %lt3A_1474 = arith.cmpi slt, %gather3A_1471, %select_n3A_1462 : vector<16xi32>
    %and3A_1475 = arith.andi %eq3A_1473, %lt3A_1474 : vector<16xi1>
    %or3A_1476 = arith.ori %lt3A_1472, %and3A_1475 : vector<16xi1>
    %select_n3A_1477 = arith.select %or3A_1476, %gather3A_1468, %select_n3A_1461 : vector<16xi1>, vector<16xf32>
    %select_n3A_1478 = arith.select %or3A_1476, %gather3A_1471, %select_n3A_1462 : vector<16xi1>, vector<16xi32>
    %eq3A_1479 = arith.cmpf oeq, %scan3A_1413#0, %select_n3A_1477 : vector<16xf32>
    %eq3A_1480 = arith.cmpi eq, %scan3A_1413#4, %select_n3A_1478 : vector<16xi32>
    %and3A_1481 = arith.andi %eq3A_1479, %eq3A_1480 : vector<16xi1>
    %select_n3A_1482 = arith.select %and3A_1481, %scan3A_1413#1, %scan3A_1413#0 : vector<16xi1>, vector<16xf32>
    %select_n3A_1483 = arith.select %and3A_1481, %scan3A_1413#5, %scan3A_1413#4 : vector<16xi1>, vector<16xi32>
    %select_n3A_1484 = arith.select %and3A_1481, %scan3A_1413#2, %scan3A_1413#1 : vector<16xi1>, vector<16xf32>
    %select_n3A_1485 = arith.select %and3A_1481, %scan3A_1413#6, %scan3A_1413#5 : vector<16xi1>, vector<16xi32>
    %select_n3A_1486 = arith.select %and3A_1481, %scan3A_1413#3, %scan3A_1413#2 : vector<16xi1>, vector<16xf32>
    %select_n3A_1487 = arith.select %and3A_1481, %scan3A_1413#7, %scan3A_1413#6 : vector<16xi1>, vector<16xi32>
    %jit3A_1488 = arith.constant 0x7F800000 : f32
    %broadcast_in_dim3A_1489 = vector.broadcast %jit3A_1488 : f32 to vector<16xf32>
    %select_n3A_1490 = arith.select %and3A_1481, %broadcast_in_dim3A_1489, %scan3A_1413#3 : vector<16xi1>, vector<16xf32>
    %eq3A_1491 = arith.constant 4 : i32
    %eq3A_1492 = vector.broadcast %eq3A_1491 : i32 to vector<16xi32>
    %eq3A_1493 = arith.cmpi eq, %iota3A, %eq3A_1492 : vector<16xi32>
    %select_n3A_1494 = arith.select %eq3A_1493, %select_n3A_1478, %select_n3A_1156 : vector<16xi1>, vector<16xi32>
    %xor3A_1495 = arith.constant 8 : i32
    %xor3A_1496 = vector.broadcast %xor3A_1495 : i32 to vector<16xi32>
    %xor3A_1497 = arith.xori %iota3A, %xor3A_1496 : vector<16xi32>
    %broadcast_in_dim3A_1498 = vector.shape_cast %xor3A_1497 : vector<16xi32> to vector<16x1xi32>
    %gather3A_1499 = vector.shape_cast %broadcast_in_dim3A_1498 : vector<16x1xi32> to vector<16xi32>
    %gather3A_1500 = tpu.dynamic_gather %select_n3A_1482[%gather3A_1499] in [0] : vector<16xf32>, vector<16xi32> -> vector<16xf32>
    %broadcast_in_dim3A_1501 = vector.shape_cast %xor3A_1497 : vector<16xi32> to vector<16x1xi32>
    %gather3A_1502 = vector.shape_cast %broadcast_in_dim3A_1501 : vector<16x1xi32> to vector<16xi32>
    %gather3A_1503 = tpu.dynamic_gather %select_n3A_1483[%gather3A_1502] in [0] : vector<16xi32>, vector<16xi32> -> vector<16xi32>
    %lt3A_1504 = arith.cmpf olt, %gather3A_1500, %select_n3A_1482 : vector<16xf32>
    %eq3A_1505 = arith.cmpf oeq, %gather3A_1500, %select_n3A_1482 : vector<16xf32>
    %lt3A_1506 = arith.cmpi slt, %gather3A_1503, %select_n3A_1483 : vector<16xi32>
    %and3A_1507 = arith.andi %eq3A_1505, %lt3A_1506 : vector<16xi1>
    %or3A_1508 = arith.ori %lt3A_1504, %and3A_1507 : vector<16xi1>
    %select_n3A_1509 = arith.select %or3A_1508, %gather3A_1500, %select_n3A_1482 : vector<16xi1>, vector<16xf32>
    %select_n3A_1510 = arith.select %or3A_1508, %gather3A_1503, %select_n3A_1483 : vector<16xi1>, vector<16xi32>
    %xor3A_1511 = arith.constant 4 : i32
    %xor3A_1512 = vector.broadcast %xor3A_1511 : i32 to vector<16xi32>
    %xor3A_1513 = arith.xori %iota3A, %xor3A_1512 : vector<16xi32>
    %broadcast_in_dim3A_1514 = vector.shape_cast %xor3A_1513 : vector<16xi32> to vector<16x1xi32>
    %gather3A_1515 = vector.shape_cast %broadcast_in_dim3A_1514 : vector<16x1xi32> to vector<16xi32>
    %gather3A_1516 = tpu.dynamic_gather %select_n3A_1509[%gather3A_1515] in [0] : vector<16xf32>, vector<16xi32> -> vector<16xf32>
    %broadcast_in_dim3A_1517 = vector.shape_cast %xor3A_1513 : vector<16xi32> to vector<16x1xi32>
    %gather3A_1518 = vector.shape_cast %broadcast_in_dim3A_1517 : vector<16x1xi32> to vector<16xi32>
    %gather3A_1519 = tpu.dynamic_gather %select_n3A_1510[%gather3A_1518] in [0] : vector<16xi32>, vector<16xi32> -> vector<16xi32>
    %lt3A_1520 = arith.cmpf olt, %gather3A_1516, %select_n3A_1509 : vector<16xf32>
    %eq3A_1521 = arith.cmpf oeq, %gather3A_1516, %select_n3A_1509 : vector<16xf32>
    %lt3A_1522 = arith.cmpi slt, %gather3A_1519, %select_n3A_1510 : vector<16xi32>
    %and3A_1523 = arith.andi %eq3A_1521, %lt3A_1522 : vector<16xi1>
    %or3A_1524 = arith.ori %lt3A_1520, %and3A_1523 : vector<16xi1>
    %select_n3A_1525 = arith.select %or3A_1524, %gather3A_1516, %select_n3A_1509 : vector<16xi1>, vector<16xf32>
    %select_n3A_1526 = arith.select %or3A_1524, %gather3A_1519, %select_n3A_1510 : vector<16xi1>, vector<16xi32>
    %xor3A_1527 = arith.constant 2 : i32
    %xor3A_1528 = vector.broadcast %xor3A_1527 : i32 to vector<16xi32>
    %xor3A_1529 = arith.xori %iota3A, %xor3A_1528 : vector<16xi32>
    %broadcast_in_dim3A_1530 = vector.shape_cast %xor3A_1529 : vector<16xi32> to vector<16x1xi32>
    %gather3A_1531 = vector.shape_cast %broadcast_in_dim3A_1530 : vector<16x1xi32> to vector<16xi32>
    %gather3A_1532 = tpu.dynamic_gather %select_n3A_1525[%gather3A_1531] in [0] : vector<16xf32>, vector<16xi32> -> vector<16xf32>
    %broadcast_in_dim3A_1533 = vector.shape_cast %xor3A_1529 : vector<16xi32> to vector<16x1xi32>
    %gather3A_1534 = vector.shape_cast %broadcast_in_dim3A_1533 : vector<16x1xi32> to vector<16xi32>
    %gather3A_1535 = tpu.dynamic_gather %select_n3A_1526[%gather3A_1534] in [0] : vector<16xi32>, vector<16xi32> -> vector<16xi32>
    %lt3A_1536 = arith.cmpf olt, %gather3A_1532, %select_n3A_1525 : vector<16xf32>
    %eq3A_1537 = arith.cmpf oeq, %gather3A_1532, %select_n3A_1525 : vector<16xf32>
    %lt3A_1538 = arith.cmpi slt, %gather3A_1535, %select_n3A_1526 : vector<16xi32>
    %and3A_1539 = arith.andi %eq3A_1537, %lt3A_1538 : vector<16xi1>
    %or3A_1540 = arith.ori %lt3A_1536, %and3A_1539 : vector<16xi1>
    %select_n3A_1541 = arith.select %or3A_1540, %gather3A_1532, %select_n3A_1525 : vector<16xi1>, vector<16xf32>
    %select_n3A_1542 = arith.select %or3A_1540, %gather3A_1535, %select_n3A_1526 : vector<16xi1>, vector<16xi32>
    %xor3A_1543 = arith.constant 1 : i32
    %xor3A_1544 = vector.broadcast %xor3A_1543 : i32 to vector<16xi32>
    %xor3A_1545 = arith.xori %iota3A, %xor3A_1544 : vector<16xi32>
    %broadcast_in_dim3A_1546 = vector.shape_cast %xor3A_1545 : vector<16xi32> to vector<16x1xi32>
    %gather3A_1547 = vector.shape_cast %broadcast_in_dim3A_1546 : vector<16x1xi32> to vector<16xi32>
    %gather3A_1548 = tpu.dynamic_gather %select_n3A_1541[%gather3A_1547] in [0] : vector<16xf32>, vector<16xi32> -> vector<16xf32>
    %broadcast_in_dim3A_1549 = vector.shape_cast %xor3A_1545 : vector<16xi32> to vector<16x1xi32>
    %gather3A_1550 = vector.shape_cast %broadcast_in_dim3A_1549 : vector<16x1xi32> to vector<16xi32>
    %gather3A_1551 = tpu.dynamic_gather %select_n3A_1542[%gather3A_1550] in [0] : vector<16xi32>, vector<16xi32> -> vector<16xi32>
    %lt3A_1552 = arith.cmpf olt, %gather3A_1548, %select_n3A_1541 : vector<16xf32>
    %eq3A_1553 = arith.cmpf oeq, %gather3A_1548, %select_n3A_1541 : vector<16xf32>
    %lt3A_1554 = arith.cmpi slt, %gather3A_1551, %select_n3A_1542 : vector<16xi32>
    %and3A_1555 = arith.andi %eq3A_1553, %lt3A_1554 : vector<16xi1>
    %or3A_1556 = arith.ori %lt3A_1552, %and3A_1555 : vector<16xi1>
    %select_n3A_1557 = arith.select %or3A_1556, %gather3A_1548, %select_n3A_1541 : vector<16xi1>, vector<16xf32>
    %select_n3A_1558 = arith.select %or3A_1556, %gather3A_1551, %select_n3A_1542 : vector<16xi1>, vector<16xi32>
    %eq3A_1559 = arith.cmpf oeq, %select_n3A_1482, %select_n3A_1557 : vector<16xf32>
    %eq3A_1560 = arith.cmpi eq, %select_n3A_1483, %select_n3A_1558 : vector<16xi32>
    %and3A_1561 = arith.andi %eq3A_1559, %eq3A_1560 : vector<16xi1>
    %select_n3A_1562 = arith.select %and3A_1561, %select_n3A_1484, %select_n3A_1482 : vector<16xi1>, vector<16xf32>
    %select_n3A_1563 = arith.select %and3A_1561, %select_n3A_1485, %select_n3A_1483 : vector<16xi1>, vector<16xi32>
    %select_n3A_1564 = arith.select %and3A_1561, %select_n3A_1486, %select_n3A_1484 : vector<16xi1>, vector<16xf32>
    %select_n3A_1565 = arith.select %and3A_1561, %select_n3A_1487, %select_n3A_1485 : vector<16xi1>, vector<16xi32>
    %select_n3A_1566 = arith.select %and3A_1561, %select_n3A_1490, %select_n3A_1486 : vector<16xi1>, vector<16xf32>
    %select_n3A_1567 = arith.select %and3A_1561, %scan3A_1413#7, %select_n3A_1487 : vector<16xi1>, vector<16xi32>
    %jit3A_1568 = arith.constant 0x7F800000 : f32
    %broadcast_in_dim3A_1569 = vector.broadcast %jit3A_1568 : f32 to vector<16xf32>
    %select_n3A_1570 = arith.select %and3A_1561, %broadcast_in_dim3A_1569, %select_n3A_1490 : vector<16xi1>, vector<16xf32>
    %eq3A_1571 = arith.constant 4 : i32
    %eq3A_1572 = vector.broadcast %eq3A_1571 : i32 to vector<16xi32>
    %eq3A_1573 = arith.cmpi eq, %iota3A, %eq3A_1572 : vector<16xi32>
    %select_n3A_1574 = arith.select %eq3A_1573, %select_n3A_1558, %select_n3A_1236 : vector<16xi1>, vector<16xi32>
    %xor3A_1575 = arith.constant 8 : i32
    %xor3A_1576 = vector.broadcast %xor3A_1575 : i32 to vector<16xi32>
    %xor3A_1577 = arith.xori %iota3A, %xor3A_1576 : vector<16xi32>
    %broadcast_in_dim3A_1578 = vector.shape_cast %xor3A_1577 : vector<16xi32> to vector<16x1xi32>
    %gather3A_1579 = vector.shape_cast %broadcast_in_dim3A_1578 : vector<16x1xi32> to vector<16xi32>
    %gather3A_1580 = tpu.dynamic_gather %select_n3A_1562[%gather3A_1579] in [0] : vector<16xf32>, vector<16xi32> -> vector<16xf32>
    %broadcast_in_dim3A_1581 = vector.shape_cast %xor3A_1577 : vector<16xi32> to vector<16x1xi32>
    %gather3A_1582 = vector.shape_cast %broadcast_in_dim3A_1581 : vector<16x1xi32> to vector<16xi32>
    %gather3A_1583 = tpu.dynamic_gather %select_n3A_1563[%gather3A_1582] in [0] : vector<16xi32>, vector<16xi32> -> vector<16xi32>
    %lt3A_1584 = arith.cmpf olt, %gather3A_1580, %select_n3A_1562 : vector<16xf32>
    %eq3A_1585 = arith.cmpf oeq, %gather3A_1580, %select_n3A_1562 : vector<16xf32>
    %lt3A_1586 = arith.cmpi slt, %gather3A_1583, %select_n3A_1563 : vector<16xi32>
    %and3A_1587 = arith.andi %eq3A_1585, %lt3A_1586 : vector<16xi1>
    %or3A_1588 = arith.ori %lt3A_1584, %and3A_1587 : vector<16xi1>
    %select_n3A_1589 = arith.select %or3A_1588, %gather3A_1580, %select_n3A_1562 : vector<16xi1>, vector<16xf32>
    %select_n3A_1590 = arith.select %or3A_1588, %gather3A_1583, %select_n3A_1563 : vector<16xi1>, vector<16xi32>
    %xor3A_1591 = arith.constant 4 : i32
    %xor3A_1592 = vector.broadcast %xor3A_1591 : i32 to vector<16xi32>
    %xor3A_1593 = arith.xori %iota3A, %xor3A_1592 : vector<16xi32>
    %broadcast_in_dim3A_1594 = vector.shape_cast %xor3A_1593 : vector<16xi32> to vector<16x1xi32>
    %gather3A_1595 = vector.shape_cast %broadcast_in_dim3A_1594 : vector<16x1xi32> to vector<16xi32>
    %gather3A_1596 = tpu.dynamic_gather %select_n3A_1589[%gather3A_1595] in [0] : vector<16xf32>, vector<16xi32> -> vector<16xf32>
    %broadcast_in_dim3A_1597 = vector.shape_cast %xor3A_1593 : vector<16xi32> to vector<16x1xi32>
    %gather3A_1598 = vector.shape_cast %broadcast_in_dim3A_1597 : vector<16x1xi32> to vector<16xi32>
    %gather3A_1599 = tpu.dynamic_gather %select_n3A_1590[%gather3A_1598] in [0] : vector<16xi32>, vector<16xi32> -> vector<16xi32>
    %lt3A_1600 = arith.cmpf olt, %gather3A_1596, %select_n3A_1589 : vector<16xf32>
    %eq3A_1601 = arith.cmpf oeq, %gather3A_1596, %select_n3A_1589 : vector<16xf32>
    %lt3A_1602 = arith.cmpi slt, %gather3A_1599, %select_n3A_1590 : vector<16xi32>
    %and3A_1603 = arith.andi %eq3A_1601, %lt3A_1602 : vector<16xi1>
    %or3A_1604 = arith.ori %lt3A_1600, %and3A_1603 : vector<16xi1>
    %select_n3A_1605 = arith.select %or3A_1604, %gather3A_1596, %select_n3A_1589 : vector<16xi1>, vector<16xf32>
    %select_n3A_1606 = arith.select %or3A_1604, %gather3A_1599, %select_n3A_1590 : vector<16xi1>, vector<16xi32>
    %xor3A_1607 = arith.constant 2 : i32
    %xor3A_1608 = vector.broadcast %xor3A_1607 : i32 to vector<16xi32>
    %xor3A_1609 = arith.xori %iota3A, %xor3A_1608 : vector<16xi32>
    %broadcast_in_dim3A_1610 = vector.shape_cast %xor3A_1609 : vector<16xi32> to vector<16x1xi32>
    %gather3A_1611 = vector.shape_cast %broadcast_in_dim3A_1610 : vector<16x1xi32> to vector<16xi32>
    %gather3A_1612 = tpu.dynamic_gather %select_n3A_1605[%gather3A_1611] in [0] : vector<16xf32>, vector<16xi32> -> vector<16xf32>
    %broadcast_in_dim3A_1613 = vector.shape_cast %xor3A_1609 : vector<16xi32> to vector<16x1xi32>
    %gather3A_1614 = vector.shape_cast %broadcast_in_dim3A_1613 : vector<16x1xi32> to vector<16xi32>
    %gather3A_1615 = tpu.dynamic_gather %select_n3A_1606[%gather3A_1614] in [0] : vector<16xi32>, vector<16xi32> -> vector<16xi32>
    %lt3A_1616 = arith.cmpf olt, %gather3A_1612, %select_n3A_1605 : vector<16xf32>
    %eq3A_1617 = arith.cmpf oeq, %gather3A_1612, %select_n3A_1605 : vector<16xf32>
    %lt3A_1618 = arith.cmpi slt, %gather3A_1615, %select_n3A_1606 : vector<16xi32>
    %and3A_1619 = arith.andi %eq3A_1617, %lt3A_1618 : vector<16xi1>
    %or3A_1620 = arith.ori %lt3A_1616, %and3A_1619 : vector<16xi1>
    %select_n3A_1621 = arith.select %or3A_1620, %gather3A_1612, %select_n3A_1605 : vector<16xi1>, vector<16xf32>
    %select_n3A_1622 = arith.select %or3A_1620, %gather3A_1615, %select_n3A_1606 : vector<16xi1>, vector<16xi32>
    %xor3A_1623 = arith.constant 1 : i32
    %xor3A_1624 = vector.broadcast %xor3A_1623 : i32 to vector<16xi32>
    %xor3A_1625 = arith.xori %iota3A, %xor3A_1624 : vector<16xi32>
    %broadcast_in_dim3A_1626 = vector.shape_cast %xor3A_1625 : vector<16xi32> to vector<16x1xi32>
    %gather3A_1627 = vector.shape_cast %broadcast_in_dim3A_1626 : vector<16x1xi32> to vector<16xi32>
    %gather3A_1628 = tpu.dynamic_gather %select_n3A_1621[%gather3A_1627] in [0] : vector<16xf32>, vector<16xi32> -> vector<16xf32>
    %broadcast_in_dim3A_1629 = vector.shape_cast %xor3A_1625 : vector<16xi32> to vector<16x1xi32>
    %gather3A_1630 = vector.shape_cast %broadcast_in_dim3A_1629 : vector<16x1xi32> to vector<16xi32>
    %gather3A_1631 = tpu.dynamic_gather %select_n3A_1622[%gather3A_1630] in [0] : vector<16xi32>, vector<16xi32> -> vector<16xi32>
    %lt3A_1632 = arith.cmpf olt, %gather3A_1628, %select_n3A_1621 : vector<16xf32>
    %eq3A_1633 = arith.cmpf oeq, %gather3A_1628, %select_n3A_1621 : vector<16xf32>
    %lt3A_1634 = arith.cmpi slt, %gather3A_1631, %select_n3A_1622 : vector<16xi32>
    %and3A_1635 = arith.andi %eq3A_1633, %lt3A_1634 : vector<16xi1>
    %or3A_1636 = arith.ori %lt3A_1632, %and3A_1635 : vector<16xi1>
    %select_n3A_1637 = arith.select %or3A_1636, %gather3A_1628, %select_n3A_1621 : vector<16xi1>, vector<16xf32>
    %select_n3A_1638 = arith.select %or3A_1636, %gather3A_1631, %select_n3A_1622 : vector<16xi1>, vector<16xi32>
    %eq3A_1639 = arith.cmpf oeq, %select_n3A_1562, %select_n3A_1637 : vector<16xf32>
    %eq3A_1640 = arith.cmpi eq, %select_n3A_1563, %select_n3A_1638 : vector<16xi32>
    %and3A_1641 = arith.andi %eq3A_1639, %eq3A_1640 : vector<16xi1>
    %select_n3A_1642 = arith.select %and3A_1641, %select_n3A_1564, %select_n3A_1562 : vector<16xi1>, vector<16xf32>
    %select_n3A_1643 = arith.select %and3A_1641, %select_n3A_1565, %select_n3A_1563 : vector<16xi1>, vector<16xi32>
    %select_n3A_1644 = arith.select %and3A_1641, %select_n3A_1566, %select_n3A_1564 : vector<16xi1>, vector<16xf32>
    %select_n3A_1645 = arith.select %and3A_1641, %select_n3A_1567, %select_n3A_1565 : vector<16xi1>, vector<16xi32>
    %select_n3A_1646 = arith.select %and3A_1641, %select_n3A_1570, %select_n3A_1566 : vector<16xi1>, vector<16xf32>
    %select_n3A_1647 = arith.select %and3A_1641, %scan3A_1413#7, %select_n3A_1567 : vector<16xi1>, vector<16xi32>
    %jit3A_1648 = arith.constant 0x7F800000 : f32
    %broadcast_in_dim3A_1649 = vector.broadcast %jit3A_1648 : f32 to vector<16xf32>
    %select_n3A_1650 = arith.select %and3A_1641, %broadcast_in_dim3A_1649, %select_n3A_1570 : vector<16xi1>, vector<16xf32>
    %eq3A_1651 = arith.constant 4 : i32
    %eq3A_1652 = vector.broadcast %eq3A_1651 : i32 to vector<16xi32>
    %eq3A_1653 = arith.cmpi eq, %iota3A, %eq3A_1652 : vector<16xi32>
    %select_n3A_1654 = arith.select %eq3A_1653, %select_n3A_1638, %select_n3A_1316 : vector<16xi1>, vector<16xi32>
    %xor3A_1655 = arith.constant 8 : i32
    %xor3A_1656 = vector.broadcast %xor3A_1655 : i32 to vector<16xi32>
    %xor3A_1657 = arith.xori %iota3A, %xor3A_1656 : vector<16xi32>
    %broadcast_in_dim3A_1658 = vector.shape_cast %xor3A_1657 : vector<16xi32> to vector<16x1xi32>
    %gather3A_1659 = vector.shape_cast %broadcast_in_dim3A_1658 : vector<16x1xi32> to vector<16xi32>
    %gather3A_1660 = tpu.dynamic_gather %select_n3A_1642[%gather3A_1659] in [0] : vector<16xf32>, vector<16xi32> -> vector<16xf32>
    %broadcast_in_dim3A_1661 = vector.shape_cast %xor3A_1657 : vector<16xi32> to vector<16x1xi32>
    %gather3A_1662 = vector.shape_cast %broadcast_in_dim3A_1661 : vector<16x1xi32> to vector<16xi32>
    %gather3A_1663 = tpu.dynamic_gather %select_n3A_1643[%gather3A_1662] in [0] : vector<16xi32>, vector<16xi32> -> vector<16xi32>
    %lt3A_1664 = arith.cmpf olt, %gather3A_1660, %select_n3A_1642 : vector<16xf32>
    %eq3A_1665 = arith.cmpf oeq, %gather3A_1660, %select_n3A_1642 : vector<16xf32>
    %lt3A_1666 = arith.cmpi slt, %gather3A_1663, %select_n3A_1643 : vector<16xi32>
    %and3A_1667 = arith.andi %eq3A_1665, %lt3A_1666 : vector<16xi1>
    %or3A_1668 = arith.ori %lt3A_1664, %and3A_1667 : vector<16xi1>
    %select_n3A_1669 = arith.select %or3A_1668, %gather3A_1660, %select_n3A_1642 : vector<16xi1>, vector<16xf32>
    %select_n3A_1670 = arith.select %or3A_1668, %gather3A_1663, %select_n3A_1643 : vector<16xi1>, vector<16xi32>
    %xor3A_1671 = arith.constant 4 : i32
    %xor3A_1672 = vector.broadcast %xor3A_1671 : i32 to vector<16xi32>
    %xor3A_1673 = arith.xori %iota3A, %xor3A_1672 : vector<16xi32>
    %broadcast_in_dim3A_1674 = vector.shape_cast %xor3A_1673 : vector<16xi32> to vector<16x1xi32>
    %gather3A_1675 = vector.shape_cast %broadcast_in_dim3A_1674 : vector<16x1xi32> to vector<16xi32>
    %gather3A_1676 = tpu.dynamic_gather %select_n3A_1669[%gather3A_1675] in [0] : vector<16xf32>, vector<16xi32> -> vector<16xf32>
    %broadcast_in_dim3A_1677 = vector.shape_cast %xor3A_1673 : vector<16xi32> to vector<16x1xi32>
    %gather3A_1678 = vector.shape_cast %broadcast_in_dim3A_1677 : vector<16x1xi32> to vector<16xi32>
    %gather3A_1679 = tpu.dynamic_gather %select_n3A_1670[%gather3A_1678] in [0] : vector<16xi32>, vector<16xi32> -> vector<16xi32>
    %lt3A_1680 = arith.cmpf olt, %gather3A_1676, %select_n3A_1669 : vector<16xf32>
    %eq3A_1681 = arith.cmpf oeq, %gather3A_1676, %select_n3A_1669 : vector<16xf32>
    %lt3A_1682 = arith.cmpi slt, %gather3A_1679, %select_n3A_1670 : vector<16xi32>
    %and3A_1683 = arith.andi %eq3A_1681, %lt3A_1682 : vector<16xi1>
    %or3A_1684 = arith.ori %lt3A_1680, %and3A_1683 : vector<16xi1>
    %select_n3A_1685 = arith.select %or3A_1684, %gather3A_1676, %select_n3A_1669 : vector<16xi1>, vector<16xf32>
    %select_n3A_1686 = arith.select %or3A_1684, %gather3A_1679, %select_n3A_1670 : vector<16xi1>, vector<16xi32>
    %xor3A_1687 = arith.constant 2 : i32
    %xor3A_1688 = vector.broadcast %xor3A_1687 : i32 to vector<16xi32>
    %xor3A_1689 = arith.xori %iota3A, %xor3A_1688 : vector<16xi32>
    %broadcast_in_dim3A_1690 = vector.shape_cast %xor3A_1689 : vector<16xi32> to vector<16x1xi32>
    %gather3A_1691 = vector.shape_cast %broadcast_in_dim3A_1690 : vector<16x1xi32> to vector<16xi32>
    %gather3A_1692 = tpu.dynamic_gather %select_n3A_1685[%gather3A_1691] in [0] : vector<16xf32>, vector<16xi32> -> vector<16xf32>
    %broadcast_in_dim3A_1693 = vector.shape_cast %xor3A_1689 : vector<16xi32> to vector<16x1xi32>
    %gather3A_1694 = vector.shape_cast %broadcast_in_dim3A_1693 : vector<16x1xi32> to vector<16xi32>
    %gather3A_1695 = tpu.dynamic_gather %select_n3A_1686[%gather3A_1694] in [0] : vector<16xi32>, vector<16xi32> -> vector<16xi32>
    %lt3A_1696 = arith.cmpf olt, %gather3A_1692, %select_n3A_1685 : vector<16xf32>
    %eq3A_1697 = arith.cmpf oeq, %gather3A_1692, %select_n3A_1685 : vector<16xf32>
    %lt3A_1698 = arith.cmpi slt, %gather3A_1695, %select_n3A_1686 : vector<16xi32>
    %and3A_1699 = arith.andi %eq3A_1697, %lt3A_1698 : vector<16xi1>
    %or3A_1700 = arith.ori %lt3A_1696, %and3A_1699 : vector<16xi1>
    %select_n3A_1701 = arith.select %or3A_1700, %gather3A_1692, %select_n3A_1685 : vector<16xi1>, vector<16xf32>
    %select_n3A_1702 = arith.select %or3A_1700, %gather3A_1695, %select_n3A_1686 : vector<16xi1>, vector<16xi32>
    %xor3A_1703 = arith.constant 1 : i32
    %xor3A_1704 = vector.broadcast %xor3A_1703 : i32 to vector<16xi32>
    %xor3A_1705 = arith.xori %iota3A, %xor3A_1704 : vector<16xi32>
    %broadcast_in_dim3A_1706 = vector.shape_cast %xor3A_1705 : vector<16xi32> to vector<16x1xi32>
    %gather3A_1707 = vector.shape_cast %broadcast_in_dim3A_1706 : vector<16x1xi32> to vector<16xi32>
    %gather3A_1708 = tpu.dynamic_gather %select_n3A_1701[%gather3A_1707] in [0] : vector<16xf32>, vector<16xi32> -> vector<16xf32>
    %broadcast_in_dim3A_1709 = vector.shape_cast %xor3A_1705 : vector<16xi32> to vector<16x1xi32>
    %gather3A_1710 = vector.shape_cast %broadcast_in_dim3A_1709 : vector<16x1xi32> to vector<16xi32>
    %gather3A_1711 = tpu.dynamic_gather %select_n3A_1702[%gather3A_1710] in [0] : vector<16xi32>, vector<16xi32> -> vector<16xi32>
    %lt3A_1712 = arith.cmpf olt, %gather3A_1708, %select_n3A_1701 : vector<16xf32>
    %eq3A_1713 = arith.cmpf oeq, %gather3A_1708, %select_n3A_1701 : vector<16xf32>
    %lt3A_1714 = arith.cmpi slt, %gather3A_1711, %select_n3A_1702 : vector<16xi32>
    %and3A_1715 = arith.andi %eq3A_1713, %lt3A_1714 : vector<16xi1>
    %or3A_1716 = arith.ori %lt3A_1712, %and3A_1715 : vector<16xi1>
    %select_n3A_1717 = arith.select %or3A_1716, %gather3A_1708, %select_n3A_1701 : vector<16xi1>, vector<16xf32>
    %select_n3A_1718 = arith.select %or3A_1716, %gather3A_1711, %select_n3A_1702 : vector<16xi1>, vector<16xi32>
    %eq3A_1719 = arith.cmpf oeq, %select_n3A_1642, %select_n3A_1717 : vector<16xf32>
    %eq3A_1720 = arith.cmpi eq, %select_n3A_1643, %select_n3A_1718 : vector<16xi32>
    %and3A_1721 = arith.andi %eq3A_1719, %eq3A_1720 : vector<16xi1>
    %select_n3A_1722 = arith.select %and3A_1721, %select_n3A_1644, %select_n3A_1642 : vector<16xi1>, vector<16xf32>
    %select_n3A_1723 = arith.select %and3A_1721, %select_n3A_1645, %select_n3A_1643 : vector<16xi1>, vector<16xi32>
    %select_n3A_1724 = arith.select %and3A_1721, %select_n3A_1646, %select_n3A_1644 : vector<16xi1>, vector<16xf32>
    %select_n3A_1725 = arith.select %and3A_1721, %select_n3A_1647, %select_n3A_1645 : vector<16xi1>, vector<16xi32>
    %select_n3A_1726 = arith.select %and3A_1721, %select_n3A_1650, %select_n3A_1646 : vector<16xi1>, vector<16xf32>
    %select_n3A_1727 = arith.select %and3A_1721, %scan3A_1413#7, %select_n3A_1647 : vector<16xi1>, vector<16xi32>
    %jit3A_1728 = arith.constant 0x7F800000 : f32
    %broadcast_in_dim3A_1729 = vector.broadcast %jit3A_1728 : f32 to vector<16xf32>
    %select_n3A_1730 = arith.select %and3A_1721, %broadcast_in_dim3A_1729, %select_n3A_1650 : vector<16xi1>, vector<16xf32>
    %eq3A_1731 = arith.constant 4 : i32
    %eq3A_1732 = vector.broadcast %eq3A_1731 : i32 to vector<16xi32>
    %eq3A_1733 = arith.cmpi eq, %iota3A, %eq3A_1732 : vector<16xi32>
    %select_n3A_1734 = arith.select %eq3A_1733, %select_n3A_1718, %select_n3A_1396 : vector<16xi1>, vector<16xi32>
    %swap3A = arith.constant 0 : i32
    %swap3A_1735 = arith.index_cast %swap3A : i32 to index
    %swap3A_1736 = arith.constant 0 : index
    %swap3A_1737 = tpu.vector_load %arg7[%swap3A_1735, %swap3A_1736] {strides = array<i32>} : memref<4x16xi32, #tpu.memory_space<vmem>>, vector<1x16xi32>,
    %swap3A_1738 = vector.shape_cast %swap3A_1737 : vector<1x16xi32> to vector<16xi32>
    %swap3A_1739 = vector.shape_cast %select_n3A_1494 : vector<16xi32> to vector<1x16xi32>
    tpu.vector_store %arg7[%swap3A_1735, %swap3A_1736], %swap3A_1739 {strides = array<i32>} : memref<4x16xi32, #tpu.memory_space<vmem>>, vector<1x16xi32>,
    %swap3A_1740 = arith.constant 1 : i32
    %swap3A_1741 = arith.index_cast %swap3A_1740 : i32 to index
    %swap3A_1742 = arith.constant 0 : index
    %swap3A_1743 = tpu.vector_load %arg7[%swap3A_1741, %swap3A_1742] {strides = array<i32>} : memref<4x16xi32, #tpu.memory_space<vmem>>, vector<1x16xi32>,
    %swap3A_1744 = vector.shape_cast %swap3A_1743 : vector<1x16xi32> to vector<16xi32>
    %swap3A_1745 = vector.shape_cast %select_n3A_1574 : vector<16xi32> to vector<1x16xi32>
    tpu.vector_store %arg7[%swap3A_1741, %swap3A_1742], %swap3A_1745 {strides = array<i32>} : memref<4x16xi32, #tpu.memory_space<vmem>>, vector<1x16xi32>,
    %swap3A_1746 = arith.constant 2 : i32
    %swap3A_1747 = arith.index_cast %swap3A_1746 : i32 to index
    %swap3A_1748 = arith.constant 0 : index
    %swap3A_1749 = tpu.vector_load %arg7[%swap3A_1747, %swap3A_1748] {strides = array<i32>} : memref<4x16xi32, #tpu.memory_space<vmem>>, vector<1x16xi32>,
    %swap3A_1750 = vector.shape_cast %swap3A_1749 : vector<1x16xi32> to vector<16xi32>
    %swap3A_1751 = vector.shape_cast %select_n3A_1654 : vector<16xi32> to vector<1x16xi32>
    tpu.vector_store %arg7[%swap3A_1747, %swap3A_1748], %swap3A_1751 {strides = array<i32>} : memref<4x16xi32, #tpu.memory_space<vmem>>, vector<1x16xi32>,
    %swap3A_1752 = arith.constant 3 : i32
    %swap3A_1753 = arith.index_cast %swap3A_1752 : i32 to index
    %swap3A_1754 = arith.constant 0 : index
    %swap3A_1755 = tpu.vector_load %arg7[%swap3A_1753, %swap3A_1754] {strides = array<i32>} : memref<4x16xi32, #tpu.memory_space<vmem>>, vector<1x16xi32>,
    %swap3A_1756 = vector.shape_cast %swap3A_1755 : vector<1x16xi32> to vector<16xi32>
    %swap3A_1757 = vector.shape_cast %select_n3A_1734 : vector<16xi32> to vector<1x16xi32>
    tpu.vector_store %arg7[%swap3A_1753, %swap3A_1754], %swap3A_1757 {strides = array<i32>} : memref<4x16xi32, #tpu.memory_space<vmem>>, vector<1x16xi32>,
    "tpu.region"() ({
      %run_scoped3A = tpu.sem_alloc : memref<!tpu.dma_semaphore, #tpu.memory_space<semaphore_mem>>
      %dma_start3A = arith.constant 0 : i32
      %dma_start3A_1758 = arith.constant 0 : i32
      %dma_start3A_1759 = tpu.memref_slice %arg4[%select_n3A, %select_n3A_30, %dma_start3A, %dma_start3A_1758] : memref<8x4x4x16xi32, #tpu.memory_space<hbm>> -> memref<1x1x4x16xi32, #tpu.memory_space<hbm>>
      %dma_start3A_1760 = tpu.memref_squeeze %dma_start3A_1759 : memref<1x1x4x16xi32, #tpu.memory_space<hbm>> -> memref<4x16xi32, #tpu.memory_space<hbm>>
      %dma_start3A_1761 = arith.constant 0 : i32
      %dma_start3A_1762 = arith.constant 0 : i32
      %dma_start3A_1763 = tpu.memref_slice %arg4[%select_n3A, %select_n3A_30, %dma_start3A_1761, %dma_start3A_1762] : memref<8x4x4x16xi32, #tpu.memory_space<hbm>> -> memref<1x1x4x16xi32, #tpu.memory_space<hbm>>
      %dma_start3A_1764 = tpu.memref_squeeze %dma_start3A_1763 : memref<1x1x4x16xi32, #tpu.memory_space<hbm>> -> memref<4x16xi32, #tpu.memory_space<hbm>>
      tpu.enqueue_dma source(%arg7 : memref<4x16xi32, #tpu.memory_space<vmem>>) target(%dma_start3A_1764 : memref<4x16xi32, #tpu.memory_space<hbm>>) target_semaphore(%run_scoped3A : memref<!tpu.dma_semaphore, #tpu.memory_space<semaphore_mem>>)
      %dma_wait3A = arith.constant 0 : i32
      %dma_wait3A_1765 = arith.constant 0 : i32
      %dma_wait3A_1766 = tpu.memref_slice %arg4[%select_n3A, %select_n3A_30, %dma_wait3A, %dma_wait3A_1765] : memref<8x4x4x16xi32, #tpu.memory_space<hbm>> -> memref<1x1x4x16xi32, #tpu.memory_space<hbm>>
      %dma_wait3A_1767 = tpu.memref_squeeze %dma_wait3A_1766 : memref<1x1x4x16xi32, #tpu.memory_space<hbm>> -> memref<4x16xi32, #tpu.memory_space<hbm>>
      %dma_wait3A_1768 = arith.constant 0 : i32
      %dma_wait3A_1769 = arith.constant 0 : i32
      %dma_wait3A_1770 = tpu.memref_slice %arg4[%select_n3A, %select_n3A_30, %dma_wait3A_1768, %dma_wait3A_1769] : memref<8x4x4x16xi32, #tpu.memory_space<hbm>> -> memref<1x1x4x16xi32, #tpu.memory_space<hbm>>
      %dma_wait3A_1771 = tpu.memref_squeeze %dma_wait3A_1770 : memref<1x1x4x16xi32, #tpu.memory_space<hbm>> -> memref<4x16xi32, #tpu.memory_space<hbm>>
      tpu.wait_dma2 semaphore(%run_scoped3A : memref<!tpu.dma_semaphore, #tpu.memory_space<semaphore_mem>>) src(%arg7 : memref<4x16xi32, #tpu.memory_space<vmem>>) dst(%dma_wait3A_1771 : memref<4x16xi32, #tpu.memory_space<hbm>>)
      tpu.yield
    }) : () -> ()
    return
  }
}

module attributes {stable_mosaic.version = 14 : i64} {
  func.func @_tc_body(%arg0: i32, %arg1: memref<1x16x8192xf32, #tpu.memory_space<vmem>>, %arg2: memref<4x8192xf32, #tpu.memory_space<vmem>>, %arg3: memref<1x176x4xf32, #tpu.memory_space<vmem>>, %arg4: memref<1x176x4xi32, #tpu.memory_space<vmem>>) attributes {dimension_semantics = [#tpu.dimension_semantics<arbitrary>], iteration_bounds = array<i64: 2>, scalar_prefetch = 0 : i64, scratch_operands = 0 : i64, tpu.core_type = #tpu.core_type<tc>, window_params = [{transform_indices = @transform_0, window_bounds = array<i64: 1, 16, 8192>}, {pipeline_mode = #tpu.pipeline_mode<synchronous>, transform_indices = @transform_1, window_bounds = array<i64: 4, 8192>}, {transform_indices = @transform_2, window_bounds = array<i64: 1, 176, 4>}, {transform_indices = @transform_3, window_bounds = array<i64: 1, 176, 4>}]} {
    %get3A = arith.constant 0 : index
    %get3A_0 = arith.constant 0 : index
    %get3A_1 = arith.constant 0 : index
    %get3A_2 = vector.load %arg3[%get3A, %get3A_0, %get3A_1] : memref<1x176x4xf32, #tpu.memory_space<vmem>>, vector<1x176x4xf32>
    %get3A_3 = vector.shape_cast %get3A_2 : vector<1x176x4xf32> to vector<176x4xf32>
    %get3A_4 = arith.constant 0 : index
    %get3A_5 = arith.constant 0 : index
    %get3A_6 = vector.load %arg2[%get3A_4, %get3A_5] : memref<4x8192xf32, #tpu.memory_space<vmem>>, vector<1x8192xf32>
    %get3A_7 = arith.constant 1 : index
    %get3A_8 = arith.constant 0 : index
    %get3A_9 = vector.load %arg2[%get3A_7, %get3A_8] : memref<4x8192xf32, #tpu.memory_space<vmem>>, vector<1x8192xf32>
    %get3A_10 = arith.constant 2 : index
    %get3A_11 = arith.constant 0 : index
    %get3A_12 = vector.load %arg2[%get3A_10, %get3A_11] : memref<4x8192xf32, #tpu.memory_space<vmem>>, vector<1x8192xf32>
    %get3A_13 = arith.constant 3 : index
    %get3A_14 = arith.constant 0 : index
    %get3A_15 = vector.load %arg2[%get3A_13, %get3A_14] : memref<4x8192xf32, #tpu.memory_space<vmem>>, vector<1x8192xf32>
    %get3A_16 = arith.constant 0 : index
    %get3A_17 = arith.constant 0 : index
    %get3A_18 = arith.constant 0 : index
    %get3A_19 = vector.load %arg1[%get3A_16, %get3A_17, %get3A_18] : memref<1x16x8192xf32, #tpu.memory_space<vmem>>, vector<1x1x8192xf32>
    %get3A_20 = vector.shape_cast %get3A_19 : vector<1x1x8192xf32> to vector<1x8192xf32>
    %get3A_21 = arith.constant 0 : index
    %get3A_22 = arith.constant 1 : index
    %get3A_23 = arith.constant 0 : index
    %get3A_24 = vector.load %arg1[%get3A_21, %get3A_22, %get3A_23] : memref<1x16x8192xf32, #tpu.memory_space<vmem>>, vector<1x1x8192xf32>
    %get3A_25 = vector.shape_cast %get3A_24 : vector<1x1x8192xf32> to vector<1x8192xf32>
    %get3A_26 = arith.constant 0 : index
    %get3A_27 = arith.constant 2 : index
    %get3A_28 = arith.constant 0 : index
    %get3A_29 = vector.load %arg1[%get3A_26, %get3A_27, %get3A_28] : memref<1x16x8192xf32, #tpu.memory_space<vmem>>, vector<1x1x8192xf32>
    %get3A_30 = vector.shape_cast %get3A_29 : vector<1x1x8192xf32> to vector<1x8192xf32>
    %get3A_31 = arith.constant 0 : index
    %get3A_32 = arith.constant 3 : index
    %get3A_33 = arith.constant 0 : index
    %get3A_34 = vector.load %arg1[%get3A_31, %get3A_32, %get3A_33] : memref<1x16x8192xf32, #tpu.memory_space<vmem>>, vector<1x1x8192xf32>
    %get3A_35 = vector.shape_cast %get3A_34 : vector<1x1x8192xf32> to vector<1x8192xf32>
    %add3A = arith.addf %get3A_20, %get3A_30 : vector<1x8192xf32>
    %div3A = arith.constant 2.000000e+00 : f32
    %div3A_36 = vector.broadcast %div3A : f32 to vector<1x8192xf32>
    %div3A_37 = arith.divf %add3A, %div3A_36 : vector<1x8192xf32>
    %add3A_38 = arith.addf %get3A_25, %get3A_35 : vector<1x8192xf32>
    %div3A_39 = arith.constant 2.000000e+00 : f32
    %div3A_40 = vector.broadcast %div3A_39 : f32 to vector<1x8192xf32>
    %div3A_41 = arith.divf %add3A_38, %div3A_40 : vector<1x8192xf32>
    %sub3A = arith.subf %get3A_30, %get3A_20 : vector<1x8192xf32>
    %sub3A_42 = arith.subf %get3A_35, %get3A_25 : vector<1x8192xf32>
    %slice3A = vector.extract_strided_slice %get3A_3 {offsets = [0, 0], sizes = [32, 4], strides = [1, 1]} : vector<176x4xf32> to vector<32x4xf32>
    %slice3A_43 = vector.extract_strided_slice %slice3A {offsets = [0, 0], sizes = [32, 1], strides = [1, 1]} : vector<32x4xf32> to vector<32x1xf32>
    %sub3A_44 = vector.broadcast %div3A_37 : vector<1x8192xf32> to vector<32x8192xf32>
    %sub3A_45 = vector.broadcast %slice3A_43 : vector<32x1xf32> to vector<32x8192xf32>
    %sub3A_46 = arith.subf %sub3A_44, %sub3A_45 : vector<32x8192xf32>
    %abs3A = math.absf %sub3A_46 : vector<32x8192xf32>
    %slice3A_47 = vector.extract_strided_slice %slice3A {offsets = [0, 1], sizes = [32, 1], strides = [1, 1]} : vector<32x4xf32> to vector<32x1xf32>
    %sub3A_48 = vector.broadcast %div3A_41 : vector<1x8192xf32> to vector<32x8192xf32>
    %sub3A_49 = vector.broadcast %slice3A_47 : vector<32x1xf32> to vector<32x8192xf32>
    %sub3A_50 = arith.subf %sub3A_48, %sub3A_49 : vector<32x8192xf32>
    %abs3A_51 = math.absf %sub3A_50 : vector<32x8192xf32>
    %add3A_52 = arith.addf %abs3A, %abs3A_51 : vector<32x8192xf32>
    %slice3A_53 = vector.extract_strided_slice %slice3A {offsets = [0, 2], sizes = [32, 1], strides = [1, 1]} : vector<32x4xf32> to vector<32x1xf32>
    %sub3A_54 = vector.broadcast %sub3A : vector<1x8192xf32> to vector<32x8192xf32>
    %sub3A_55 = vector.broadcast %slice3A_53 : vector<32x1xf32> to vector<32x8192xf32>
    %sub3A_56 = arith.subf %sub3A_54, %sub3A_55 : vector<32x8192xf32>
    %abs3A_57 = math.absf %sub3A_56 : vector<32x8192xf32>
    %add3A_58 = arith.addf %add3A_52, %abs3A_57 : vector<32x8192xf32>
    %slice3A_59 = vector.extract_strided_slice %slice3A {offsets = [0, 3], sizes = [32, 1], strides = [1, 1]} : vector<32x4xf32> to vector<32x1xf32>
    %sub3A_60 = vector.broadcast %sub3A_42 : vector<1x8192xf32> to vector<32x8192xf32>
    %sub3A_61 = vector.broadcast %slice3A_59 : vector<32x1xf32> to vector<32x8192xf32>
    %sub3A_62 = arith.subf %sub3A_60, %sub3A_61 : vector<32x8192xf32>
    %abs3A_63 = math.absf %sub3A_62 : vector<32x8192xf32>
    %add3A_64 = arith.addf %add3A_58, %abs3A_63 : vector<32x8192xf32>
    %slice3A_65 = vector.extract_strided_slice %get3A_3 {offsets = [32, 0], sizes = [12, 4], strides = [1, 1]} : vector<176x4xf32> to vector<12x4xf32>
    %slice3A_66 = vector.extract_strided_slice %slice3A_65 {offsets = [0, 0], sizes = [12, 1], strides = [1, 1]} : vector<12x4xf32> to vector<12x1xf32>
    %sub3A_67 = vector.broadcast %get3A_6 : vector<1x8192xf32> to vector<12x8192xf32>
    %sub3A_68 = vector.broadcast %slice3A_66 : vector<12x1xf32> to vector<12x8192xf32>
    %sub3A_69 = arith.subf %sub3A_67, %sub3A_68 : vector<12x8192xf32>
    %abs3A_70 = math.absf %sub3A_69 : vector<12x8192xf32>
    %slice3A_71 = vector.extract_strided_slice %slice3A_65 {offsets = [0, 1], sizes = [12, 1], strides = [1, 1]} : vector<12x4xf32> to vector<12x1xf32>
    %sub3A_72 = vector.broadcast %get3A_9 : vector<1x8192xf32> to vector<12x8192xf32>
    %sub3A_73 = vector.broadcast %slice3A_71 : vector<12x1xf32> to vector<12x8192xf32>
    %sub3A_74 = arith.subf %sub3A_72, %sub3A_73 : vector<12x8192xf32>
    %abs3A_75 = math.absf %sub3A_74 : vector<12x8192xf32>
    %add3A_76 = arith.addf %abs3A_70, %abs3A_75 : vector<12x8192xf32>
    %slice3A_77 = vector.extract_strided_slice %slice3A_65 {offsets = [0, 2], sizes = [12, 1], strides = [1, 1]} : vector<12x4xf32> to vector<12x1xf32>
    %sub3A_78 = vector.broadcast %get3A_12 : vector<1x8192xf32> to vector<12x8192xf32>
    %sub3A_79 = vector.broadcast %slice3A_77 : vector<12x1xf32> to vector<12x8192xf32>
    %sub3A_80 = arith.subf %sub3A_78, %sub3A_79 : vector<12x8192xf32>
    %abs3A_81 = math.absf %sub3A_80 : vector<12x8192xf32>
    %add3A_82 = arith.addf %add3A_76, %abs3A_81 : vector<12x8192xf32>
    %slice3A_83 = vector.extract_strided_slice %slice3A_65 {offsets = [0, 3], sizes = [12, 1], strides = [1, 1]} : vector<12x4xf32> to vector<12x1xf32>
    %sub3A_84 = vector.broadcast %get3A_15 : vector<1x8192xf32> to vector<12x8192xf32>
    %sub3A_85 = vector.broadcast %slice3A_83 : vector<12x1xf32> to vector<12x8192xf32>
    %sub3A_86 = arith.subf %sub3A_84, %sub3A_85 : vector<12x8192xf32>
    %abs3A_87 = math.absf %sub3A_86 : vector<12x8192xf32>
    %add3A_88 = arith.addf %add3A_82, %abs3A_87 : vector<12x8192xf32>
    %get3A_89 = arith.constant 0 : index
    %get3A_90 = arith.constant 4 : index
    %get3A_91 = arith.constant 0 : index
    %get3A_92 = vector.load %arg1[%get3A_89, %get3A_90, %get3A_91] : memref<1x16x8192xf32, #tpu.memory_space<vmem>>, vector<1x1x8192xf32>
    %get3A_93 = vector.shape_cast %get3A_92 : vector<1x1x8192xf32> to vector<1x8192xf32>
    %get3A_94 = arith.constant 0 : index
    %get3A_95 = arith.constant 5 : index
    %get3A_96 = arith.constant 0 : index
    %get3A_97 = vector.load %arg1[%get3A_94, %get3A_95, %get3A_96] : memref<1x16x8192xf32, #tpu.memory_space<vmem>>, vector<1x1x8192xf32>
    %get3A_98 = vector.shape_cast %get3A_97 : vector<1x1x8192xf32> to vector<1x8192xf32>
    %get3A_99 = arith.constant 0 : index
    %get3A_100 = arith.constant 6 : index
    %get3A_101 = arith.constant 0 : index
    %get3A_102 = vector.load %arg1[%get3A_99, %get3A_100, %get3A_101] : memref<1x16x8192xf32, #tpu.memory_space<vmem>>, vector<1x1x8192xf32>
    %get3A_103 = vector.shape_cast %get3A_102 : vector<1x1x8192xf32> to vector<1x8192xf32>
    %get3A_104 = arith.constant 0 : index
    %get3A_105 = arith.constant 7 : index
    %get3A_106 = arith.constant 0 : index
    %get3A_107 = vector.load %arg1[%get3A_104, %get3A_105, %get3A_106] : memref<1x16x8192xf32, #tpu.memory_space<vmem>>, vector<1x1x8192xf32>
    %get3A_108 = vector.shape_cast %get3A_107 : vector<1x1x8192xf32> to vector<1x8192xf32>
    %add3A_109 = arith.addf %get3A_93, %get3A_103 : vector<1x8192xf32>
    %div3A_110 = arith.constant 2.000000e+00 : f32
    %div3A_111 = vector.broadcast %div3A_110 : f32 to vector<1x8192xf32>
    %div3A_112 = arith.divf %add3A_109, %div3A_111 : vector<1x8192xf32>
    %add3A_113 = arith.addf %get3A_98, %get3A_108 : vector<1x8192xf32>
    %div3A_114 = arith.constant 2.000000e+00 : f32
    %div3A_115 = vector.broadcast %div3A_114 : f32 to vector<1x8192xf32>
    %div3A_116 = arith.divf %add3A_113, %div3A_115 : vector<1x8192xf32>
    %sub3A_117 = arith.subf %get3A_103, %get3A_93 : vector<1x8192xf32>
    %sub3A_118 = arith.subf %get3A_108, %get3A_98 : vector<1x8192xf32>
    %slice3A_119 = vector.extract_strided_slice %get3A_3 {offsets = [44, 0], sizes = [32, 4], strides = [1, 1]} : vector<176x4xf32> to vector<32x4xf32>
    %slice3A_120 = vector.extract_strided_slice %slice3A_119 {offsets = [0, 0], sizes = [32, 1], strides = [1, 1]} : vector<32x4xf32> to vector<32x1xf32>
    %sub3A_121 = vector.broadcast %div3A_112 : vector<1x8192xf32> to vector<32x8192xf32>
    %sub3A_122 = vector.broadcast %slice3A_120 : vector<32x1xf32> to vector<32x8192xf32>
    %sub3A_123 = arith.subf %sub3A_121, %sub3A_122 : vector<32x8192xf32>
    %abs3A_124 = math.absf %sub3A_123 : vector<32x8192xf32>
    %slice3A_125 = vector.extract_strided_slice %slice3A_119 {offsets = [0, 1], sizes = [32, 1], strides = [1, 1]} : vector<32x4xf32> to vector<32x1xf32>
    %sub3A_126 = vector.broadcast %div3A_116 : vector<1x8192xf32> to vector<32x8192xf32>
    %sub3A_127 = vector.broadcast %slice3A_125 : vector<32x1xf32> to vector<32x8192xf32>
    %sub3A_128 = arith.subf %sub3A_126, %sub3A_127 : vector<32x8192xf32>
    %abs3A_129 = math.absf %sub3A_128 : vector<32x8192xf32>
    %add3A_130 = arith.addf %abs3A_124, %abs3A_129 : vector<32x8192xf32>
    %slice3A_131 = vector.extract_strided_slice %slice3A_119 {offsets = [0, 2], sizes = [32, 1], strides = [1, 1]} : vector<32x4xf32> to vector<32x1xf32>
    %sub3A_132 = vector.broadcast %sub3A_117 : vector<1x8192xf32> to vector<32x8192xf32>
    %sub3A_133 = vector.broadcast %slice3A_131 : vector<32x1xf32> to vector<32x8192xf32>
    %sub3A_134 = arith.subf %sub3A_132, %sub3A_133 : vector<32x8192xf32>
    %abs3A_135 = math.absf %sub3A_134 : vector<32x8192xf32>
    %add3A_136 = arith.addf %add3A_130, %abs3A_135 : vector<32x8192xf32>
    %slice3A_137 = vector.extract_strided_slice %slice3A_119 {offsets = [0, 3], sizes = [32, 1], strides = [1, 1]} : vector<32x4xf32> to vector<32x1xf32>
    %sub3A_138 = vector.broadcast %sub3A_118 : vector<1x8192xf32> to vector<32x8192xf32>
    %sub3A_139 = vector.broadcast %slice3A_137 : vector<32x1xf32> to vector<32x8192xf32>
    %sub3A_140 = arith.subf %sub3A_138, %sub3A_139 : vector<32x8192xf32>
    %abs3A_141 = math.absf %sub3A_140 : vector<32x8192xf32>
    %add3A_142 = arith.addf %add3A_136, %abs3A_141 : vector<32x8192xf32>
    %slice3A_143 = vector.extract_strided_slice %get3A_3 {offsets = [76, 0], sizes = [12, 4], strides = [1, 1]} : vector<176x4xf32> to vector<12x4xf32>
    %slice3A_144 = vector.extract_strided_slice %slice3A_143 {offsets = [0, 0], sizes = [12, 1], strides = [1, 1]} : vector<12x4xf32> to vector<12x1xf32>
    %sub3A_145 = vector.broadcast %get3A_6 : vector<1x8192xf32> to vector<12x8192xf32>
    %sub3A_146 = vector.broadcast %slice3A_144 : vector<12x1xf32> to vector<12x8192xf32>
    %sub3A_147 = arith.subf %sub3A_145, %sub3A_146 : vector<12x8192xf32>
    %abs3A_148 = math.absf %sub3A_147 : vector<12x8192xf32>
    %slice3A_149 = vector.extract_strided_slice %slice3A_143 {offsets = [0, 1], sizes = [12, 1], strides = [1, 1]} : vector<12x4xf32> to vector<12x1xf32>
    %sub3A_150 = vector.broadcast %get3A_9 : vector<1x8192xf32> to vector<12x8192xf32>
    %sub3A_151 = vector.broadcast %slice3A_149 : vector<12x1xf32> to vector<12x8192xf32>
    %sub3A_152 = arith.subf %sub3A_150, %sub3A_151 : vector<12x8192xf32>
    %abs3A_153 = math.absf %sub3A_152 : vector<12x8192xf32>
    %add3A_154 = arith.addf %abs3A_148, %abs3A_153 : vector<12x8192xf32>
    %slice3A_155 = vector.extract_strided_slice %slice3A_143 {offsets = [0, 2], sizes = [12, 1], strides = [1, 1]} : vector<12x4xf32> to vector<12x1xf32>
    %sub3A_156 = vector.broadcast %get3A_12 : vector<1x8192xf32> to vector<12x8192xf32>
    %sub3A_157 = vector.broadcast %slice3A_155 : vector<12x1xf32> to vector<12x8192xf32>
    %sub3A_158 = arith.subf %sub3A_156, %sub3A_157 : vector<12x8192xf32>
    %abs3A_159 = math.absf %sub3A_158 : vector<12x8192xf32>
    %add3A_160 = arith.addf %add3A_154, %abs3A_159 : vector<12x8192xf32>
    %slice3A_161 = vector.extract_strided_slice %slice3A_143 {offsets = [0, 3], sizes = [12, 1], strides = [1, 1]} : vector<12x4xf32> to vector<12x1xf32>
    %sub3A_162 = vector.broadcast %get3A_15 : vector<1x8192xf32> to vector<12x8192xf32>
    %sub3A_163 = vector.broadcast %slice3A_161 : vector<12x1xf32> to vector<12x8192xf32>
    %sub3A_164 = arith.subf %sub3A_162, %sub3A_163 : vector<12x8192xf32>
    %abs3A_165 = math.absf %sub3A_164 : vector<12x8192xf32>
    %add3A_166 = arith.addf %add3A_160, %abs3A_165 : vector<12x8192xf32>
    %get3A_167 = arith.constant 0 : index
    %get3A_168 = arith.constant 8 : index
    %get3A_169 = arith.constant 0 : index
    %get3A_170 = vector.load %arg1[%get3A_167, %get3A_168, %get3A_169] : memref<1x16x8192xf32, #tpu.memory_space<vmem>>, vector<1x1x8192xf32>
    %get3A_171 = vector.shape_cast %get3A_170 : vector<1x1x8192xf32> to vector<1x8192xf32>
    %get3A_172 = arith.constant 0 : index
    %get3A_173 = arith.constant 9 : index
    %get3A_174 = arith.constant 0 : index
    %get3A_175 = vector.load %arg1[%get3A_172, %get3A_173, %get3A_174] : memref<1x16x8192xf32, #tpu.memory_space<vmem>>, vector<1x1x8192xf32>
    %get3A_176 = vector.shape_cast %get3A_175 : vector<1x1x8192xf32> to vector<1x8192xf32>
    %get3A_177 = arith.constant 0 : index
    %get3A_178 = arith.constant 10 : index
    %get3A_179 = arith.constant 0 : index
    %get3A_180 = vector.load %arg1[%get3A_177, %get3A_178, %get3A_179] : memref<1x16x8192xf32, #tpu.memory_space<vmem>>, vector<1x1x8192xf32>
    %get3A_181 = vector.shape_cast %get3A_180 : vector<1x1x8192xf32> to vector<1x8192xf32>
    %get3A_182 = arith.constant 0 : index
    %get3A_183 = arith.constant 11 : index
    %get3A_184 = arith.constant 0 : index
    %get3A_185 = vector.load %arg1[%get3A_182, %get3A_183, %get3A_184] : memref<1x16x8192xf32, #tpu.memory_space<vmem>>, vector<1x1x8192xf32>
    %get3A_186 = vector.shape_cast %get3A_185 : vector<1x1x8192xf32> to vector<1x8192xf32>
    %add3A_187 = arith.addf %get3A_171, %get3A_181 : vector<1x8192xf32>
    %div3A_188 = arith.constant 2.000000e+00 : f32
    %div3A_189 = vector.broadcast %div3A_188 : f32 to vector<1x8192xf32>
    %div3A_190 = arith.divf %add3A_187, %div3A_189 : vector<1x8192xf32>
    %add3A_191 = arith.addf %get3A_176, %get3A_186 : vector<1x8192xf32>
    %div3A_192 = arith.constant 2.000000e+00 : f32
    %div3A_193 = vector.broadcast %div3A_192 : f32 to vector<1x8192xf32>
    %div3A_194 = arith.divf %add3A_191, %div3A_193 : vector<1x8192xf32>
    %sub3A_195 = arith.subf %get3A_181, %get3A_171 : vector<1x8192xf32>
    %sub3A_196 = arith.subf %get3A_186, %get3A_176 : vector<1x8192xf32>
    %slice3A_197 = vector.extract_strided_slice %get3A_3 {offsets = [88, 0], sizes = [32, 4], strides = [1, 1]} : vector<176x4xf32> to vector<32x4xf32>
    %slice3A_198 = vector.extract_strided_slice %slice3A_197 {offsets = [0, 0], sizes = [32, 1], strides = [1, 1]} : vector<32x4xf32> to vector<32x1xf32>
    %sub3A_199 = vector.broadcast %div3A_190 : vector<1x8192xf32> to vector<32x8192xf32>
    %sub3A_200 = vector.broadcast %slice3A_198 : vector<32x1xf32> to vector<32x8192xf32>
    %sub3A_201 = arith.subf %sub3A_199, %sub3A_200 : vector<32x8192xf32>
    %abs3A_202 = math.absf %sub3A_201 : vector<32x8192xf32>
    %slice3A_203 = vector.extract_strided_slice %slice3A_197 {offsets = [0, 1], sizes = [32, 1], strides = [1, 1]} : vector<32x4xf32> to vector<32x1xf32>
    %sub3A_204 = vector.broadcast %div3A_194 : vector<1x8192xf32> to vector<32x8192xf32>
    %sub3A_205 = vector.broadcast %slice3A_203 : vector<32x1xf32> to vector<32x8192xf32>
    %sub3A_206 = arith.subf %sub3A_204, %sub3A_205 : vector<32x8192xf32>
    %abs3A_207 = math.absf %sub3A_206 : vector<32x8192xf32>
    %add3A_208 = arith.addf %abs3A_202, %abs3A_207 : vector<32x8192xf32>
    %slice3A_209 = vector.extract_strided_slice %slice3A_197 {offsets = [0, 2], sizes = [32, 1], strides = [1, 1]} : vector<32x4xf32> to vector<32x1xf32>
    %sub3A_210 = vector.broadcast %sub3A_195 : vector<1x8192xf32> to vector<32x8192xf32>
    %sub3A_211 = vector.broadcast %slice3A_209 : vector<32x1xf32> to vector<32x8192xf32>
    %sub3A_212 = arith.subf %sub3A_210, %sub3A_211 : vector<32x8192xf32>
    %abs3A_213 = math.absf %sub3A_212 : vector<32x8192xf32>
    %add3A_214 = arith.addf %add3A_208, %abs3A_213 : vector<32x8192xf32>
    %slice3A_215 = vector.extract_strided_slice %slice3A_197 {offsets = [0, 3], sizes = [32, 1], strides = [1, 1]} : vector<32x4xf32> to vector<32x1xf32>
    %sub3A_216 = vector.broadcast %sub3A_196 : vector<1x8192xf32> to vector<32x8192xf32>
    %sub3A_217 = vector.broadcast %slice3A_215 : vector<32x1xf32> to vector<32x8192xf32>
    %sub3A_218 = arith.subf %sub3A_216, %sub3A_217 : vector<32x8192xf32>
    %abs3A_219 = math.absf %sub3A_218 : vector<32x8192xf32>
    %add3A_220 = arith.addf %add3A_214, %abs3A_219 : vector<32x8192xf32>
    %slice3A_221 = vector.extract_strided_slice %get3A_3 {offsets = [120, 0], sizes = [12, 4], strides = [1, 1]} : vector<176x4xf32> to vector<12x4xf32>
    %slice3A_222 = vector.extract_strided_slice %slice3A_221 {offsets = [0, 0], sizes = [12, 1], strides = [1, 1]} : vector<12x4xf32> to vector<12x1xf32>
    %sub3A_223 = vector.broadcast %get3A_6 : vector<1x8192xf32> to vector<12x8192xf32>
    %sub3A_224 = vector.broadcast %slice3A_222 : vector<12x1xf32> to vector<12x8192xf32>
    %sub3A_225 = arith.subf %sub3A_223, %sub3A_224 : vector<12x8192xf32>
    %abs3A_226 = math.absf %sub3A_225 : vector<12x8192xf32>
    %slice3A_227 = vector.extract_strided_slice %slice3A_221 {offsets = [0, 1], sizes = [12, 1], strides = [1, 1]} : vector<12x4xf32> to vector<12x1xf32>
    %sub3A_228 = vector.broadcast %get3A_9 : vector<1x8192xf32> to vector<12x8192xf32>
    %sub3A_229 = vector.broadcast %slice3A_227 : vector<12x1xf32> to vector<12x8192xf32>
    %sub3A_230 = arith.subf %sub3A_228, %sub3A_229 : vector<12x8192xf32>
    %abs3A_231 = math.absf %sub3A_230 : vector<12x8192xf32>
    %add3A_232 = arith.addf %abs3A_226, %abs3A_231 : vector<12x8192xf32>
    %slice3A_233 = vector.extract_strided_slice %slice3A_221 {offsets = [0, 2], sizes = [12, 1], strides = [1, 1]} : vector<12x4xf32> to vector<12x1xf32>
    %sub3A_234 = vector.broadcast %get3A_12 : vector<1x8192xf32> to vector<12x8192xf32>
    %sub3A_235 = vector.broadcast %slice3A_233 : vector<12x1xf32> to vector<12x8192xf32>
    %sub3A_236 = arith.subf %sub3A_234, %sub3A_235 : vector<12x8192xf32>
    %abs3A_237 = math.absf %sub3A_236 : vector<12x8192xf32>
    %add3A_238 = arith.addf %add3A_232, %abs3A_237 : vector<12x8192xf32>
    %slice3A_239 = vector.extract_strided_slice %slice3A_221 {offsets = [0, 3], sizes = [12, 1], strides = [1, 1]} : vector<12x4xf32> to vector<12x1xf32>
    %sub3A_240 = vector.broadcast %get3A_15 : vector<1x8192xf32> to vector<12x8192xf32>
    %sub3A_241 = vector.broadcast %slice3A_239 : vector<12x1xf32> to vector<12x8192xf32>
    %sub3A_242 = arith.subf %sub3A_240, %sub3A_241 : vector<12x8192xf32>
    %abs3A_243 = math.absf %sub3A_242 : vector<12x8192xf32>
    %add3A_244 = arith.addf %add3A_238, %abs3A_243 : vector<12x8192xf32>
    %get3A_245 = arith.constant 0 : index
    %get3A_246 = arith.constant 12 : index
    %get3A_247 = arith.constant 0 : index
    %get3A_248 = vector.load %arg1[%get3A_245, %get3A_246, %get3A_247] : memref<1x16x8192xf32, #tpu.memory_space<vmem>>, vector<1x1x8192xf32>
    %get3A_249 = vector.shape_cast %get3A_248 : vector<1x1x8192xf32> to vector<1x8192xf32>
    %get3A_250 = arith.constant 0 : index
    %get3A_251 = arith.constant 13 : index
    %get3A_252 = arith.constant 0 : index
    %get3A_253 = vector.load %arg1[%get3A_250, %get3A_251, %get3A_252] : memref<1x16x8192xf32, #tpu.memory_space<vmem>>, vector<1x1x8192xf32>
    %get3A_254 = vector.shape_cast %get3A_253 : vector<1x1x8192xf32> to vector<1x8192xf32>
    %get3A_255 = arith.constant 0 : index
    %get3A_256 = arith.constant 14 : index
    %get3A_257 = arith.constant 0 : index
    %get3A_258 = vector.load %arg1[%get3A_255, %get3A_256, %get3A_257] : memref<1x16x8192xf32, #tpu.memory_space<vmem>>, vector<1x1x8192xf32>
    %get3A_259 = vector.shape_cast %get3A_258 : vector<1x1x8192xf32> to vector<1x8192xf32>
    %get3A_260 = arith.constant 0 : index
    %get3A_261 = arith.constant 15 : index
    %get3A_262 = arith.constant 0 : index
    %get3A_263 = vector.load %arg1[%get3A_260, %get3A_261, %get3A_262] : memref<1x16x8192xf32, #tpu.memory_space<vmem>>, vector<1x1x8192xf32>
    %get3A_264 = vector.shape_cast %get3A_263 : vector<1x1x8192xf32> to vector<1x8192xf32>
    %add3A_265 = arith.addf %get3A_249, %get3A_259 : vector<1x8192xf32>
    %div3A_266 = arith.constant 2.000000e+00 : f32
    %div3A_267 = vector.broadcast %div3A_266 : f32 to vector<1x8192xf32>
    %div3A_268 = arith.divf %add3A_265, %div3A_267 : vector<1x8192xf32>
    %add3A_269 = arith.addf %get3A_254, %get3A_264 : vector<1x8192xf32>
    %div3A_270 = arith.constant 2.000000e+00 : f32
    %div3A_271 = vector.broadcast %div3A_270 : f32 to vector<1x8192xf32>
    %div3A_272 = arith.divf %add3A_269, %div3A_271 : vector<1x8192xf32>
    %sub3A_273 = arith.subf %get3A_259, %get3A_249 : vector<1x8192xf32>
    %sub3A_274 = arith.subf %get3A_264, %get3A_254 : vector<1x8192xf32>
    %slice3A_275 = vector.extract_strided_slice %get3A_3 {offsets = [132, 0], sizes = [32, 4], strides = [1, 1]} : vector<176x4xf32> to vector<32x4xf32>
    %slice3A_276 = vector.extract_strided_slice %slice3A_275 {offsets = [0, 0], sizes = [32, 1], strides = [1, 1]} : vector<32x4xf32> to vector<32x1xf32>
    %sub3A_277 = vector.broadcast %div3A_268 : vector<1x8192xf32> to vector<32x8192xf32>
    %sub3A_278 = vector.broadcast %slice3A_276 : vector<32x1xf32> to vector<32x8192xf32>
    %sub3A_279 = arith.subf %sub3A_277, %sub3A_278 : vector<32x8192xf32>
    %abs3A_280 = math.absf %sub3A_279 : vector<32x8192xf32>
    %slice3A_281 = vector.extract_strided_slice %slice3A_275 {offsets = [0, 1], sizes = [32, 1], strides = [1, 1]} : vector<32x4xf32> to vector<32x1xf32>
    %sub3A_282 = vector.broadcast %div3A_272 : vector<1x8192xf32> to vector<32x8192xf32>
    %sub3A_283 = vector.broadcast %slice3A_281 : vector<32x1xf32> to vector<32x8192xf32>
    %sub3A_284 = arith.subf %sub3A_282, %sub3A_283 : vector<32x8192xf32>
    %abs3A_285 = math.absf %sub3A_284 : vector<32x8192xf32>
    %add3A_286 = arith.addf %abs3A_280, %abs3A_285 : vector<32x8192xf32>
    %slice3A_287 = vector.extract_strided_slice %slice3A_275 {offsets = [0, 2], sizes = [32, 1], strides = [1, 1]} : vector<32x4xf32> to vector<32x1xf32>
    %sub3A_288 = vector.broadcast %sub3A_273 : vector<1x8192xf32> to vector<32x8192xf32>
    %sub3A_289 = vector.broadcast %slice3A_287 : vector<32x1xf32> to vector<32x8192xf32>
    %sub3A_290 = arith.subf %sub3A_288, %sub3A_289 : vector<32x8192xf32>
    %abs3A_291 = math.absf %sub3A_290 : vector<32x8192xf32>
    %add3A_292 = arith.addf %add3A_286, %abs3A_291 : vector<32x8192xf32>
    %slice3A_293 = vector.extract_strided_slice %slice3A_275 {offsets = [0, 3], sizes = [32, 1], strides = [1, 1]} : vector<32x4xf32> to vector<32x1xf32>
    %sub3A_294 = vector.broadcast %sub3A_274 : vector<1x8192xf32> to vector<32x8192xf32>
    %sub3A_295 = vector.broadcast %slice3A_293 : vector<32x1xf32> to vector<32x8192xf32>
    %sub3A_296 = arith.subf %sub3A_294, %sub3A_295 : vector<32x8192xf32>
    %abs3A_297 = math.absf %sub3A_296 : vector<32x8192xf32>
    %add3A_298 = arith.addf %add3A_292, %abs3A_297 : vector<32x8192xf32>
    %slice3A_299 = vector.extract_strided_slice %get3A_3 {offsets = [164, 0], sizes = [12, 4], strides = [1, 1]} : vector<176x4xf32> to vector<12x4xf32>
    %slice3A_300 = vector.extract_strided_slice %slice3A_299 {offsets = [0, 0], sizes = [12, 1], strides = [1, 1]} : vector<12x4xf32> to vector<12x1xf32>
    %sub3A_301 = vector.broadcast %get3A_6 : vector<1x8192xf32> to vector<12x8192xf32>
    %sub3A_302 = vector.broadcast %slice3A_300 : vector<12x1xf32> to vector<12x8192xf32>
    %sub3A_303 = arith.subf %sub3A_301, %sub3A_302 : vector<12x8192xf32>
    %abs3A_304 = math.absf %sub3A_303 : vector<12x8192xf32>
    %slice3A_305 = vector.extract_strided_slice %slice3A_299 {offsets = [0, 1], sizes = [12, 1], strides = [1, 1]} : vector<12x4xf32> to vector<12x1xf32>
    %sub3A_306 = vector.broadcast %get3A_9 : vector<1x8192xf32> to vector<12x8192xf32>
    %sub3A_307 = vector.broadcast %slice3A_305 : vector<12x1xf32> to vector<12x8192xf32>
    %sub3A_308 = arith.subf %sub3A_306, %sub3A_307 : vector<12x8192xf32>
    %abs3A_309 = math.absf %sub3A_308 : vector<12x8192xf32>
    %add3A_310 = arith.addf %abs3A_304, %abs3A_309 : vector<12x8192xf32>
    %slice3A_311 = vector.extract_strided_slice %slice3A_299 {offsets = [0, 2], sizes = [12, 1], strides = [1, 1]} : vector<12x4xf32> to vector<12x1xf32>
    %sub3A_312 = vector.broadcast %get3A_12 : vector<1x8192xf32> to vector<12x8192xf32>
    %sub3A_313 = vector.broadcast %slice3A_311 : vector<12x1xf32> to vector<12x8192xf32>
    %sub3A_314 = arith.subf %sub3A_312, %sub3A_313 : vector<12x8192xf32>
    %abs3A_315 = math.absf %sub3A_314 : vector<12x8192xf32>
    %add3A_316 = arith.addf %add3A_310, %abs3A_315 : vector<12x8192xf32>
    %slice3A_317 = vector.extract_strided_slice %slice3A_299 {offsets = [0, 3], sizes = [12, 1], strides = [1, 1]} : vector<12x4xf32> to vector<12x1xf32>
    %sub3A_318 = vector.broadcast %get3A_15 : vector<1x8192xf32> to vector<12x8192xf32>
    %sub3A_319 = vector.broadcast %slice3A_317 : vector<12x1xf32> to vector<12x8192xf32>
    %sub3A_320 = arith.subf %sub3A_318, %sub3A_319 : vector<12x8192xf32>
    %abs3A_321 = math.absf %sub3A_320 : vector<12x8192xf32>
    %add3A_322 = arith.addf %add3A_316, %abs3A_321 : vector<12x8192xf32>
    %concatenate3A = tpu.concatenate %add3A_64, %add3A_88, %add3A_142, %add3A_166, %add3A_220, %add3A_244, %add3A_298, %add3A_322 in 0 : vector<32x8192xf32>, vector<12x8192xf32>, vector<32x8192xf32>, vector<12x8192xf32>, vector<32x8192xf32>, vector<12x8192xf32>, vector<32x8192xf32>, vector<12x8192xf32> -> vector<176x8192xf32>
    %iota3A = tpu.iota {dimensions = array<i32: 1>} : vector<176x8192xi32>
    %reduce_min3A = arith.constant dense<0x7F800000> : vector<176xf32>
    %reduce_min3A_323 = vector.multi_reduction <minimumf>, %concatenate3A, %reduce_min3A [1] : vector<176x8192xf32> to vector<176xf32>
    %broadcast_in_dim3A = vector.shape_cast %reduce_min3A_323 : vector<176xf32> to vector<176x1xf32>
    %eq3A = vector.broadcast %broadcast_in_dim3A : vector<176x1xf32> to vector<176x8192xf32>
    %eq3A_324 = arith.cmpf oeq, %concatenate3A, %eq3A : vector<176x8192xf32>
    %jit3A = arith.constant 8192 : i32
    %broadcast_in_dim3A_325 = vector.broadcast %jit3A : i32 to vector<176x8192xi32>
    %select_n3A = arith.select %eq3A_324, %iota3A, %broadcast_in_dim3A_325 : vector<176x8192xi1>, vector<176x8192xi32>
    %reduce_min3A_326 = arith.constant dense<2147483647> : vector<176xi32>
    %reduce_min3A_327 = vector.multi_reduction <minsi>, %select_n3A, %reduce_min3A_326 [1] : vector<176x8192xi32> to vector<176xi32>
    %broadcast_in_dim3A_328 = vector.shape_cast %reduce_min3A_327 : vector<176xi32> to vector<176x1xi32>
    %eq3A_329 = vector.broadcast %broadcast_in_dim3A_328 : vector<176x1xi32> to vector<176x8192xi32>
    %eq3A_330 = arith.cmpi eq, %iota3A, %eq3A_329 : vector<176x8192xi32>
    %jit3A_331 = arith.constant 0x7F800000 : f32
    %broadcast_in_dim3A_332 = vector.broadcast %jit3A_331 : f32 to vector<176x8192xf32>
    %select_n3A_333 = arith.select %eq3A_330, %broadcast_in_dim3A_332, %concatenate3A : vector<176x8192xi1>, vector<176x8192xf32>
    %reduce_min3A_334 = arith.constant dense<0x7F800000> : vector<176xf32>
    %reduce_min3A_335 = vector.multi_reduction <minimumf>, %select_n3A_333, %reduce_min3A_334 [1] : vector<176x8192xf32> to vector<176xf32>
    %broadcast_in_dim3A_336 = vector.shape_cast %reduce_min3A_335 : vector<176xf32> to vector<176x1xf32>
    %eq3A_337 = vector.broadcast %broadcast_in_dim3A_336 : vector<176x1xf32> to vector<176x8192xf32>
    %eq3A_338 = arith.cmpf oeq, %select_n3A_333, %eq3A_337 : vector<176x8192xf32>
    %jit3A_339 = arith.constant 8192 : i32
    %broadcast_in_dim3A_340 = vector.broadcast %jit3A_339 : i32 to vector<176x8192xi32>
    %select_n3A_341 = arith.select %eq3A_338, %iota3A, %broadcast_in_dim3A_340 : vector<176x8192xi1>, vector<176x8192xi32>
    %reduce_min3A_342 = arith.constant dense<2147483647> : vector<176xi32>
    %reduce_min3A_343 = vector.multi_reduction <minsi>, %select_n3A_341, %reduce_min3A_342 [1] : vector<176x8192xi32> to vector<176xi32>
    %broadcast_in_dim3A_344 = vector.shape_cast %reduce_min3A_343 : vector<176xi32> to vector<176x1xi32>
    %eq3A_345 = vector.broadcast %broadcast_in_dim3A_344 : vector<176x1xi32> to vector<176x8192xi32>
    %eq3A_346 = arith.cmpi eq, %iota3A, %eq3A_345 : vector<176x8192xi32>
    %jit3A_347 = arith.constant 0x7F800000 : f32
    %broadcast_in_dim3A_348 = vector.broadcast %jit3A_347 : f32 to vector<176x8192xf32>
    %select_n3A_349 = arith.select %eq3A_346, %broadcast_in_dim3A_348, %select_n3A_333 : vector<176x8192xi1>, vector<176x8192xf32>
    %reduce_min3A_350 = arith.constant dense<0x7F800000> : vector<176xf32>
    %reduce_min3A_351 = vector.multi_reduction <minimumf>, %select_n3A_349, %reduce_min3A_350 [1] : vector<176x8192xf32> to vector<176xf32>
    %broadcast_in_dim3A_352 = vector.shape_cast %reduce_min3A_351 : vector<176xf32> to vector<176x1xf32>
    %eq3A_353 = vector.broadcast %broadcast_in_dim3A_352 : vector<176x1xf32> to vector<176x8192xf32>
    %eq3A_354 = arith.cmpf oeq, %select_n3A_349, %eq3A_353 : vector<176x8192xf32>
    %jit3A_355 = arith.constant 8192 : i32
    %broadcast_in_dim3A_356 = vector.broadcast %jit3A_355 : i32 to vector<176x8192xi32>
    %select_n3A_357 = arith.select %eq3A_354, %iota3A, %broadcast_in_dim3A_356 : vector<176x8192xi1>, vector<176x8192xi32>
    %reduce_min3A_358 = arith.constant dense<2147483647> : vector<176xi32>
    %reduce_min3A_359 = vector.multi_reduction <minsi>, %select_n3A_357, %reduce_min3A_358 [1] : vector<176x8192xi32> to vector<176xi32>
    %broadcast_in_dim3A_360 = vector.shape_cast %reduce_min3A_359 : vector<176xi32> to vector<176x1xi32>
    %eq3A_361 = vector.broadcast %broadcast_in_dim3A_360 : vector<176x1xi32> to vector<176x8192xi32>
    %eq3A_362 = arith.cmpi eq, %iota3A, %eq3A_361 : vector<176x8192xi32>
    %jit3A_363 = arith.constant 0x7F800000 : f32
    %broadcast_in_dim3A_364 = vector.broadcast %jit3A_363 : f32 to vector<176x8192xf32>
    %select_n3A_365 = arith.select %eq3A_362, %broadcast_in_dim3A_364, %select_n3A_349 : vector<176x8192xi1>, vector<176x8192xf32>
    %reduce_min3A_366 = arith.constant dense<0x7F800000> : vector<176xf32>
    %reduce_min3A_367 = vector.multi_reduction <minimumf>, %select_n3A_365, %reduce_min3A_366 [1] : vector<176x8192xf32> to vector<176xf32>
    %broadcast_in_dim3A_368 = vector.shape_cast %reduce_min3A_367 : vector<176xf32> to vector<176x1xf32>
    %eq3A_369 = vector.broadcast %broadcast_in_dim3A_368 : vector<176x1xf32> to vector<176x8192xf32>
    %eq3A_370 = arith.cmpf oeq, %select_n3A_365, %eq3A_369 : vector<176x8192xf32>
    %jit3A_371 = arith.constant 8192 : i32
    %broadcast_in_dim3A_372 = vector.broadcast %jit3A_371 : i32 to vector<176x8192xi32>
    %select_n3A_373 = arith.select %eq3A_370, %iota3A, %broadcast_in_dim3A_372 : vector<176x8192xi1>, vector<176x8192xi32>
    %reduce_min3A_374 = arith.constant dense<2147483647> : vector<176xi32>
    %reduce_min3A_375 = vector.multi_reduction <minsi>, %select_n3A_373, %reduce_min3A_374 [1] : vector<176x8192xi32> to vector<176xi32>
    %broadcast_in_dim3A_376 = vector.shape_cast %reduce_min3A_375 : vector<176xi32> to vector<176x1xi32>
    %concatenate3A_377 = tpu.concatenate %broadcast_in_dim3A_328, %broadcast_in_dim3A_344, %broadcast_in_dim3A_360, %broadcast_in_dim3A_376 in 1 : vector<176x1xi32>, vector<176x1xi32>, vector<176x1xi32>, vector<176x1xi32> -> vector<176x4xi32>
    %swap3A = arith.constant 0 : index
    %swap3A_378 = arith.constant 0 : index
    %swap3A_379 = arith.constant 0 : index
    %swap3A_380 = vector.load %arg4[%swap3A, %swap3A_378, %swap3A_379] : memref<1x176x4xi32, #tpu.memory_space<vmem>>, vector<1x176x4xi32>
    %swap3A_381 = vector.shape_cast %swap3A_380 : vector<1x176x4xi32> to vector<176x4xi32>
    %swap3A_382 = vector.shape_cast %concatenate3A_377 : vector<176x4xi32> to vector<1x176x4xi32>
    tpu.vector_store %arg4[%swap3A, %swap3A_378, %swap3A_379], %swap3A_382 {strides = array<i32>} : memref<1x176x4xi32, #tpu.memory_space<vmem>>, vector<1x176x4xi32>,
    return
  }
  func.func @transform_0(%arg0: i32) -> (i32, i32, i32) {
    %c0_i32 = arith.constant 0 : i32
    %c0_i32_0 = arith.constant 0 : i32
    %c0_i32_1 = arith.constant 0 : i32
    return %arg0, %c0_i32, %c0_i32_0 : i32, i32, i32
  }
  func.func @transform_1(%arg0: i32) -> (i32, i32) {
    %c0_i32 = arith.constant 0 : i32
    %c0_i32_0 = arith.constant 0 : i32
    %c0_i32_1 = arith.constant 0 : i32
    return %c0_i32, %c0_i32_0 : i32, i32
  }
  func.func @transform_2(%arg0: i32) -> (i32, i32, i32) {
    %c0_i32 = arith.constant 0 : i32
    %c0_i32_0 = arith.constant 0 : i32
    %c0_i32_1 = arith.constant 0 : i32
    return %arg0, %c0_i32, %c0_i32_0 : i32, i32, i32
  }
  func.func @transform_3(%arg0: i32) -> (i32, i32, i32) {
    %c0_i32 = arith.constant 0 : i32
    %c0_i32_0 = arith.constant 0 : i32
    %c0_i32_1 = arith.constant 0 : i32
    return %arg0, %c0_i32, %c0_i32_0 : i32, i32, i32
  }
}

</mosaic_0001>

<sc_bundles>
// kernel: kernel.4.cloned.1.call-start
scs
__scs_entry_jumppad:
0x0: {  	(pc) =	sbr.rel $0x88, $3  }
0x1: {  	(tag) =	ssettag $0x0;
	lr =	simm.s32 $0x1  }
0x2: {  	[smem:$0x3F9D] =	sst lr;
	_ =	strace $0xD0000000  }
0x3: {  	_ = 	snop  }
0x4: {  	_ = 	snop  }
0x5: {  	_ = 	snop  }
0x6: {  	_ = 	snop  }
0x7: {  	_ = 	snop  }
__scs_overlays_trampoline_lowered:
0x8: {  	[smem:$0x3FAC] =	sst s0  }
0x9: {  	[smem:$0x3FAD] =	sst s1  }
0xa: {  	[smem:$0x3FAE] =	sst s2  }
0xb: {  	[smem:$0x3FAF] =	sst s3  }
0xc: {  	[smem:$0x3FB0] =	sst s4  }
0xd: {  	[smem:$0x3FB1] =	sst s5  }
0xe: {  	[smem:$0x3FB2] =	sst s6  }
0xf: {  	[smem:$0x3FB3] =	sst s7  }
0x10: {  	[smem:$0x3FB4] =	sst s8  }
0x11: {  	[smem:$0x3FB5] =	sst s9;
	s0 =	simm.s32 @!p0 $0x0  }
0x12: {  	s1 =	sld [smem:$0x3F9B];
	s0 =	simm.s32 @p0 $0x1  }
0x13: {  	[smem:$0x3FB6] =	sst s0;
	s0 =	simm.s32 @!p1 $0x0  }
0x14: {  	s2 =	sld [smem:$0x3F9A];
	s0 =	simm.s32 @p1 $0x1  }
0x15: {  	[smem:$0x3FB7] =	sst s0;
	s0 =	simm.s32 @!p2 $0x0  }
0x16: {  	s3 =	sld [smem:$0x3FDB];
	s0 =	simm.s32 @p2 $0x1  }
0x17: {  	s4 =	simm.s32 $0x1BF5;
	[smem:$0x3FB9] =	sst s0  }
0x18: {  	s0 =	sld [smem:$0x3F9C];
	_ =	swait.ge [sflag:s4], $0x0  }
0x19: {  	s7 =	sld [smem:$0x3F9D]  }
0x1a: {  	s8 =	sadd.s32 $0xFFFFE003, lr  }
0x1b: {  	s9 =	sadd.s32 $0xFFFFFEF7, lr;
	s5 =	simm.s32 $0xFFFFFFFF;
	p2 =	slt.u32 s8, $0xFFFFF086  }
0x1c: {  	p1 =	slt.u32 s9, $0xF7A;
	s5 =	simm.s32 @!p2 $0x0  }
0x1d: {  	s5 =	simm.s32 @p1 $0x1;
	p0 =	seq.s32 s7, s2  }
0x1e: {  	s7 =	smul.u32 @!p0 $0xF7A, s2;
	p2 =	seq.s32 @!p0 s5, $0x0  }
0x1f: {  	s9 =	smul.u32 $0xF7A, s1;
	s8 =	simm.s32 @!p0 $0x1BF5;
	p2 =	por !p2, p0  }
0x20: {  	[sflag:s8] =	ssyncset.s32 @!p0 $0xFFFFF086;
	s6 =	sadd.s32 @!p0 s3, s7;
	s7 =	simm.s32 @!p0 $0x108  }
0x21: {  	s3 =	sadd.s32 s3, s9;
	s6 =	sadd.s32 @!p0 $0x88, s6;
	s7 =	simm.s32 @p2 $0x1082  }
0x22: {  	[simem:s7], [sflag:s8] =	dma.local @!p0 [hbm:s6], $0xF7A  }
0x23: {  	s9 =	sor.u32 $0xD0000000, s2;
	s6 =	simm.s32 $0x108;
	_ =	swait.ge @!p0 [sflag:s8], $0x0  }
0x24: {  	s3 =	sadd.s32 $0x88, s3;
	s6 =	simm.s32 @!p1 $0x1082;
	[sflag:s4] =	ssyncset.s32 $0xFFFFF086  }
0x25: {  	[simem:s6], [sflag:s4] =	dma.local [hbm:s3], $0xF7A  }
0x26: {  	[smem:$0x3F9D] =	sst s1;
	(tag) =	ssettag s2;
	_ =	strace s9  }
0x27: {  	s1 =	sld [smem:$0x3FAD]  }
0x28: {  	s2 =	sld [smem:$0x3FAE]  }
0x29: {  	s4 =	sld [smem:$0x3FB0]  }
0x2a: {  	p0 =	seq.s32 s5, $0x0;
	s5 =	sld [smem:$0x3FB1]  }
0x2b: {  	s6 =	sld [smem:$0x3FB2]  }
0x2c: {  	s7 =	sld [smem:$0x3FB3]  }
0x2d: {  	s3 =	simm.s32 $0x108;
	s8 =	sld [smem:$0x3FB4]  }
0x2e: {  	s3 =	simm.s32 @!p0 $0x1082;
	s9 =	sld [smem:$0x3FB5]  }
0x2f: {  	lr =	sadd.s32 s0, s3;
	s0 =	sld [smem:$0x3FAC]  }
0x30: {  	s3 =	sld [smem:$0x3FAF]  }
0x31: {  	[smem:$0x3FB8] =	sst s10  }
0x32: {  	s10 =	sld [smem:$0x3FB6];
	_ =	sdelay $0x3  }
0x33: {  	p0 =	seq.s32 s10, $0x1;
	s10 =	sld [smem:$0x3FB8];
	_ =	sdelay $0x3  }
0x34: {  	[smem:$0x3FB8] =	sst s10  }
0x35: {  	s10 =	sld [smem:$0x3FB7];
	_ =	sdelay $0x3  }
0x36: {  	p1 =	seq.s32 s10, $0x1;
	s10 =	sld [smem:$0x3FB8];
	_ =	sdelay $0x3  }
0x37: {  	[smem:$0x3FB8] =	sst s10  }
0x38: {  	s10 =	sld [smem:$0x3FB9]  }
0x39: {  	_ = 	snop;
	(pc) =	sbr.ind lr, $3  }
0x3a: {  	_ = 	snop  }
0x3b: {  	_ = 	snop  }
0x3c: {  	p2 =	seq.s32 s10, $0x1;
	s10 =	sld [smem:$0x3FB8]  }
0x3d: {  	_ =	shalt  }
0x3e: {  	_ =	shalt  }
0x3f: {  	_ =	shalt  }
0x40: {  	_ =	shalt  }
0x41: {  	_ =	shalt  }
0x42: {  	_ =	shalt  }
0x43: {  	_ =	shalt  }
0x44: {  	_ =	shalt  }
0x45: {  	_ =	shalt  }
0x46: {  	_ =	shalt  }
0x47: {  	_ =	shalt  }
0x48: {  	_ =	shalt  }
0x49: {  	_ =	shalt  }
0x4a: {  	_ =	shalt  }
0x4b: {  	_ =	shalt  }
0x4c: {  	_ =	shalt  }
0x4d: {  	_ =	shalt  }
0x4e: {  	_ =	shalt  }
0x4f: {  	_ =	shalt  }
0x50: {  	_ =	shalt  }
0x51: {  	_ =	shalt  }
0x52: {  	_ =	shalt  }
0x53: {  	_ =	shalt  }
0x54: {  	_ =	shalt  }
0x55: {  	_ =	shalt  }
0x56: {  	_ =	shalt  }
0x57: {  	_ =	shalt  }
0x58: {  	_ =	shalt  }
0x59: {  	_ =	shalt  }
0x5a: {  	_ =	shalt  }
0x5b: {  	_ =	shalt  }
0x5c: {  	_ =	shalt  }
0x5d: {  	_ =	shalt  }
0x5e: {  	_ =	shalt  }
0x5f: {  	_ =	shalt  }
0x60: {  	_ =	shalt  }
0x61: {  	_ =	shalt  }
0x62: {  	_ =	shalt  }
0x63: {  	_ =	shalt  }
0x64: {  	_ =	shalt  }
0x65: {  	_ =	shalt  }
0x66: {  	_ =	shalt  }
0x67: {  	_ =	shalt  }
0x68: {  	_ =	shalt  }
0x69: {  	_ =	shalt  }
0x6a: {  	_ =	shalt  }
0x6b: {  	_ =	shalt  }
0x6c: {  	_ =	shalt  }
0x6d: {  	_ =	shalt  }
0x6e: {  	_ =	shalt  }
0x6f: {  	_ =	shalt  }
0x70: {  	_ =	shalt  }
0x71: {  	_ =	shalt  }
0x72: {  	_ =	shalt  }
0x73: {  	_ =	shalt  }
0x74: {  	_ =	shalt  }
0x75: {  	_ =	shalt  }
0x76: {  	_ =	shalt  }
0x77: {  	_ =	shalt  }
0x78: {  	_ =	shalt  }
0x79: {  	_ =	shalt  }
0x7a: {  	_ =	shalt  }
0x7b: {  	_ =	shalt  }
0x7c: {  	_ =	shalt  }
0x7d: {  	_ =	shalt  }
0x7e: {  	_ =	shalt  }
0x7f: {  	_ =	shalt  }
0x80: {  	_ =	shalt  }
0x81: {  	_ =	shalt  }
0x82: {  	_ =	shalt  }
0x83: {  	_ =	shalt  }
0x84: {  	_ =	shalt  }
0x85: {  	_ =	shalt  }
0x86: {  	_ =	shalt  }
0x87: {  	_ =	shalt  }
.Lfunc_end0:
.L_simem_size_0:
called_computation_lowered:
.L_overlay_start_0:
0x88: {  	s2 =	sld [smem:$0x3FD9]  }
0x89: {  	s3 =	sld [smem:$0x3FFE];
	_ =	sdelay $0x1  }
0x8a: {  	s1 =	srdreg.scid  }
0x8b: {  	s0 =	sand.u32 $0x1, s1  }
0x8c: {  	s17 =	sshll.u32 s0, $0xA;
	s2 =	sadd.s32 s3, s2  }
0x8d: {  	s2 =	sadd.s32 s2, s17  }
0x8e: {  	[smem:$0x3FC4] =	sst s2  }
0x8f: {  	_ = 	snop  }
0x90: {  	s2 =	sld [smem:$0x3FC7];
	(tm) =	ssettm $0x1  }
0x91: {  	s18 =	sld [smem:$0x3FFB];
	_ =	sdelay $0x3  }
0x92: {  	_ =	strace s18  }
0x93: {  	s3 =	sld [smem:$0x3FFC];
	_ =	sdelay $0x3  }
0x94: {  	_ =	strace s3  }
0x95: {  	s3 =	sld [smem:$0x3FFD];
	_ =	sdelay $0x3  }
0x96: {  	_ =	strace s3  }
0x97: {  	_ =	strace $0x8FFFFFFF  }
0x98: {  	s19 =	sld [smem:$0x3FDB];
	_ =	sdelay $0x1  }
0x99: {  	s4 =	simm.s32 $_scs_section_size  }
0x9a: {  	s5 =	simm.s32 $_size__tile_overlayer_lowered;
	s6 =	simm.s32 $_tile_overlayer_lowered  }
0x9b: {  	s22 =	simm.s32 $0x1BFF;
	s21 =	sshll.u32 s6, $0x1;
	s3 =	sadd.s32 s4, s19  }
0x9c: {  	s7 =	simm.s32 $0x0;
	s20 =	sshll.u32 s5, $0x1;
	s5 =	sadd.s32 s21, s3  }
0x9d: {  	[timem:s7], [sflag:s22] =	dma.local [hbm:s5], s20  }
0x9e: {  	_ =	swait.ge [sflag:s22], s20  }
0x9f: {  	s4 =	ssub.s32 $0x0, s20;
	[sflag:s22] =	ssyncset.done $0x0  }
0xa0: {  	[sflag:s22] =	ssyncadd.s32 s4;
	_ =	sdelay $0x1  }
0xa1: {  	s23 =	simm.s32 $0x1B8B  }
0xa2: {  	_ =	swait.ge [sflag:s23], $0x1  }
0xa3: {  	[sflag:s23] =	ssyncset.done $0x0  }
0xa4: {  	s25 =	simm.s32 $0x1B8E;
	s24 =	sld [smem:$0x3FFE];
	[sflag:s23] =	ssyncadd.s32 $0xFFFFFFFF  }
0xa5: {  	s26 =	simm.s32 $execute0_lowered;
	[smem:$0x3FD2] =	sst s25  }
0xa6: {  	s5 =	sshll.u32 s26, $0x1;
	_ =	strace $0x80000046;
	[dreg:$0x1] =	wrdreg $0xFFFFFFFF  }
0xa7: {  	s28 =	simm.s32 $_size_execute0_lowered;
	s3 =	sadd.s32 s3, s5;
	[dreg:$0x0] =	wrdreg $0x0  }
0xa8: {  	s5 =	sshll.u32 s28, $0x1;
	[dreg:$0x2] =	wrdreg s3  }
0xa9: {  	[dreg:$0x3] =	wrdreg s5  }
0xaa: {  	[dreg:$0x4] =	wrdreg $0xC0  }
0xab: {  	_ =	task [dreg:s7], $0x5FFFF  }
0xac: {  	[dreg:$0x1] =	wrdreg $0xFFFFFFFF  }
0xad: {  	[dreg:$0x0] =	wrdreg $0x60  }
0xae: {  	[dreg:$0x2] =	wrdreg s2  }
0xaf: {  	[dreg:$0x3] =	wrdreg s24  }
0xb0: {  	[dreg:$0x4] =	wrdreg $0x9  }
0xb1: {  	_ =	task.clear_ibuf [dreg:s7], $0x5FFFF;
	_ =	strace $0x90000046  }
0xb2: {  	s29 =	simm.s32 $0x9;
	_ =	strace $0x80000048  }
0xb3: {  	_ =	swait.ge [sflag:s29], $0x1  }
0xb4: {  	[sflag:s29] =	ssyncadd.s32 $0xFFFFFFFF  }
0xb5: {  	_ =	strace $0x90000048  }
0xb6: {  	_ =	sfence  }
0xb7: {  	s30 =	sld [smem:$0x0];
	_ =	sdelay $0x2  }
0xb8: {  	s31 =	sshll.u32 s1, $0xD;
	s1 =	sshrl.u32 s1, $0x2  }
0xb9: {  	s3 =	sand.u32 $0x4000, s31;
	s1 =	sadd.s32 s1, s30  }
0xba: {  	s0 =	sor.u32 s3, s0;
	s1 =	sshll.u32 s1, $0x11  }
0xbb: {  	s0 =	sor.u32 s1, s0  }
0xbc: {  	s0 =	sadd.s32 $0x8F2B, s0  }
0xbd: {  	[sflag:s0] =	ssyncadd.remote.s32 $0x1  }
0xbe: {  	_ =	sfence.sel $0xFFFF  }
0xbf: {  	[dreg:$0x0] =	wrdreg $0xFFFFFFFF;
	(pc) =	sbr.abs _section_cstart, $3  }
0xc0: {  	[dreg:$0x1] =	wrdreg $0xFFFFFFFF  }
0xc1: {  	_ =	task.clear_ibuf [dreg:s7], $0x2FFFF;
	_ =	strace $0x9FFFFFFF  }
0xc2: {  	(tm) =	ssettm $0x7FFFFFFF  }
0xc3: {  	_ =	shalt  }
tec
execute0_lowered:
.L_overlay_start_1:
0x0: {  	(tag) =	ssettag $0x1  }
0x1: {  	v0 =	vimm.s32 $0xFEDCBA98;
	v1 =	vimm.s32 $0x76543210;
	v2 =	vimm.s32 $0xBA98FEDC  }
0x2: {  	v3 =	vimm.s32 $0x32107654;
	v4 =	vimm.s32 $0xDCFE98BA;
	v5 =	vimm.s32 $0x54761032  }
0x3: {  	s0 =	stileid.u32;
	v6 =	vimm.s32 $0xEFCDAB89;
	v7 =	vimm.s32 $0x67452301;
	vm0 =	vcmask $0x314  }
0x4: {  	s2 =	srdreg.scid;
	s1 =	rddreg [dreg:$0x0];
	v0 =	vunpack.c.l.s4.s8 v0;
	v1 =	vunpack.c.l.s4.s8 v1;
	v2 =	vunpack.c.l.s4.s8 v2  }
0x5: {  	s5 =	rddreg [dreg:$0x1];
	s8 =	simm.s32 $0x8000;
	s9 =	simm.s32 $0x8200;
	v3 =	vunpack.c.l.s4.s8 v3;
	v4 =	vunpack.c.l.s4.s8 v4;
	v5 =	vunpack.c.l.s4.s8 v5  }
0x6: {  	s10 =	simm.s32 $0x0;
	s3 =	sshll.u32 s0, $0x1;
	s4 =	sand.u32 $0x1, s2;
	v6 =	vunpack.c.l.s4.s8 v6;
	v7 =	vunpack.c.l.s4.s8 v7;
	v0 =	vunpack.c.0.s8.s32 v0  }
0x7: {  	s6 =	sshll.u32 s0, $0x7;
	s2 =	rddreg [dreg:$0x2];
	s30 =	sand.u32 $0x2, s3;
	v2 =	vunpack.c.0.s8.s32 v2;
	v3 =	vunpack.c.0.s8.s32 v3;
	v4 =	vunpack.c.0.s8.s32 v4  }
0x8: {  	s6 =	sand.u32 $0x700, s6;
	s3 =	sor.u32 s4, s30;
	v5 =	vunpack.c.0.s8.s32 v5;
	v6 =	vunpack.c.0.s8.s32 v6;
	v7 =	vunpack.c.0.s8.s32 v7;
	s4 =	ssub.s32 $0x2, s4  }
0x9: {  	vm1 =	vcmask $0x714;
	v1 =	vunpack.c.0.s8.s32 v1;
	s7 =	sshll.u32 s3, $0x6;
	s3 =	simm.s32 $0x0;
	s31 =	sshrl.u32 s4, $0x1;
	v2 =	vcombine.low v3, v2  }
0xa: {  	s6 =	sor.u32 s6, s7;
	v3 =	vcombine.low v5, v4;
	v4 =	vcombine.low v7, v6;
	[smem:$0x7FF] =	sst s3;
	v0 =	vand.u32 $0xF, v0;
	s7 =	simm.s32 $0x1  }
0xb: {  	vm2 =	vcmask $0xB14;
	vm3 =	vcmask $0xF14;
	s5 =	sadd.s32 s6, s5;
	_ =	strace $0x80000047;
	s6 =	ssub.s32 s4, s31;
	v0 =	vcombine.low v0, v1  }
0xc: {  	s4 =	sadd.s32 $0xC00, s5;
	v1 =	vand.u32 $0xF, v2;
	s5 =	sadd.s32 $0x1400, s5;
	s6 =	smax.u32 s6, $0x1;
	v2 =	vand.u32 $0xF, v3;
	v3 =	vand.u32 $0xF, v4  }
.LBB2_1:
0xd: {  	[tilespmem:s3], [sflag:$0x1] =	stream.linear.gather [hbm4b:s1+s3], $0x8000, $0x38;
	[tilespmem:$0x8400] =	vst v63  }
0xe: {  	_ =	swait.ge [sflag:s7], $0x8000  }
0xf: {  	[sflag:s7] =	ssyncset.done $0x0  }
0x10: {  	[sflag:s7] =	ssyncadd.s32 $0xFFFF8000  }
0x11: {  	[tilespmem:s8], [sflag:$0x1] =	stream.linear.gather [hbm4b:s4+s3], $0x200, $0x38;
	[tilespmem:$0x8400] =	vst v63  }
0x12: {  	_ =	swait.ge [sflag:s7], $0x200  }
0x13: {  	[sflag:s7] =	ssyncset.done $0x0  }
0x14: {  	[sflag:s7] =	ssyncadd.s32 $0xFFFFFE00  }
0x15: {  	v9 =	vld [tilespmem:$0x8000]  }
0x16: {  	s11 =	sand.u32 $0x70, s3;
	s12 =	sand.u32 $0x7E00, s3;
	v10 =	vld [tilespmem:$0x8080]  }
0x17: {  	s11 =	sor.u32 s11, s12;
	v8 =	vld [tilespmem:$0x8100]  }
0x18: {  	v4 =	vld [tilespmem:s11+$0x0]  }
0x19: {  	v5 =	vld [tilespmem:s11+$0x80]  }
0x1a: {  	v7 =	vld [tilespmem:$0x8180]  }
0x1b: {  	s28 =	simm.s32 $0x10;
	s13 =	simm.s32 $0x40;
	v6 =	vld [tilespmem:s11+$0x100]  }
0x1c: {  	s12 =	sand.u32 $0x70, s28;
	s13 =	sand.u32 $0x7E00, s13;
	v16 =	vbroadcast v9, $0x0;
	v17 =	vbroadcast v10, $0x0  }
0x1d: {  	s29 =	sor.u32 s12, s13;
	v11 =	vld [tilespmem:s11+$0x180]  }
0x1e: {  	v13 =	vld [tilespmem:s29+$0x0];
	v20 =	vbroadcast v8, $0x0;
	v4 =	vsub.f32 v4, v16;
	v5 =	vsub.f32 v5, v17  }
0x1f: {  	s30 =	simm.s32 $0x20;
	s31 =	simm.s32 $0x80;
	v14 =	vld [tilespmem:s29+$0x80];
	v18 =	vbroadcast v7, $0x0  }
0x20: {  	s12 =	sand.u32 $0x7E00, s31;
	v15 =	vld [tilespmem:s29+$0x180];
	s11 =	sand.u32 $0x70, s30;
	v6 =	vsub.f32 v6, v20;
	v5 =	vand.u32 $0x7FFFFFFF, v5;
	v4 =	vand.u32 $0x7FFFFFFF, v4  }
0x21: {  	v12 =	vld [tilespmem:s29+$0x100];
	s11 =	sor.u32 s11, s12;
	v5 =	vadd.f32 v5, v4  }
0x22: {  	v27 =	vld [tilespmem:s11+$0x0];
	v11 =	vsub.f32 v11, v18;
	v6 =	vand.u32 $0x7FFFFFFF, v6  }
0x23: {  	v31 =	vld [tilespmem:s11+$0x80];
	v6 =	vadd.f32 v6, v5  }
0x24: {  	v14 =	vsub.f32 v14, v17;
	v13 =	vsub.f32 v13, v16;
	v11 =	vand.u32 $0x7FFFFFFF, v11  }
0x25: {  	v19 =	vadd.f32 v11, v6;
	v11 =	vsub.f32 v15, v18;
	v15 =	vld [tilespmem:s11+$0x100]  }
0x26: {  	v12 =	vsub.f32 v12, v20;
	v14 =	vand.u32 $0x7FFFFFFF, v14;
	v13 =	vand.u32 $0x7FFFFFFF, v13  }
0x27: {  	v21 =	vlaneseq.u32;
	v14 =	vadd.f32 v14, v13  }
0x28: {  	v28 =	vsub.f32 v27, v16;
	v31 =	vsub.f32 v31, v17;
	v25 =	vand.u32 $0x7FFFFFFF, v12  }
0x29: {  	v4 =	vimm.f32 $+Inf;
	v5 =	vimm.s32 $0x0;
	v30 =	vadd.f32 v25, v14  }
0x2a: {  	v6 =	vadd.s32 $0x10, v21;
	vm4 =	vlt.f32 v19, v4;
	v15 =	vsub.f32 v15, v20  }
0x2b: {  	v29 =	vld [tilespmem:s11+$0x180];
	v24 =	vadd.s32 $0x10, v6;
	v26 =	vand.u32 $0x7FFFFFFF, v11;
	v22 =	vsel vm4, v4, v19  }
0x2c: {  	v32 =	vsel vm4, v5, v21;
	v23 =	vsel vm4, v21, v5;
	v19 =	vsel vm4, v19, v4  }
0x2d: {  	v25 =	vsel vm4, v5, v21;
	v11 =	vsel vm4, v22, v4;
	v12 =	vsel vm4, v32, v5  }
0x2e: {  	s12 =	simm.s32 $0x30;
	s11 =	simm.s32 $0xC0;
	v13 =	vsel vm4, v22, v4;
	v14 =	vsel vm4, v32, v5;
	v21 =	vmovc v23;
	v27 =	vand.u32 $0x7FFFFFFF, v15;
	v15 =	vmovc v24  }
.LBB2_2:
0x2f: {  	s15 =	smov.u32 s12  }
0x30: {  	s13 =	sand.u32 $0x70, s12;
	s14 =	sand.u32 $0x7E00, s11;
	v29 =	vsub.f32 v29, v18;
	v30 =	vadd.f32 v26, v30;
	v4 =	vsel vm4, v22, v4;
	s15 =	sadd.s32 $0x10, s12  }
0x31: {  	p0 =	sne.s32 s12, $0x1FF0;
	v24 =	vadd.s32 $0x10, v24;
	v5 =	vsel vm4, v25, v5;
	s13 =	sor.u32 s13, s14;
	v22 =	vand.u32 $0x7FFFFFFF, v31  }
0x32: {  	v26 =	vand.u32 $0x7FFFFFFF, v29;
	vm4 =	vlt.f32 v30, v4;
	vm5 =	vlt.f32 v30, v13;
	v25 =	vld [tilespmem:s13+$0x100]  }
0x33: {  	vm6 =	vlt.f32 v30, v19;
	vm7 =	vlt.f32 v30, v11;
	v29 =	vsel vm5, v13, v30;
	v31 =	vld [tilespmem:s13+$0x0]  }
0x34: {  	v33 =	vsel vm5, v14, v6;
	v34 =	vsel vm4, v5, v6;
	v11 =	vsel vm7, v29, v11;
	v32 =	vld [tilespmem:s13+$0x80]  }
.Ltmp0:
0x35: {  	v28 =	vand.u32 $0x7FFFFFFF, v28;
	v12 =	vsel vm7, v33, v12;
	v33 =	vsel vm4, v4, v30;
	v29 =	vld [tilespmem:s13+$0x180];
	(pc) =	sbr.rel @p0 .LBB2_2-.Ltmp0, $4  }
0x36: {  	v35 =	vadd.f32 v22, v28;
	v22 =	vsel vm6, v19, v30;
	v23 =	vsel vm6, v6, v23  }
0x37: {  	v19 =	vsel vm6, v30, v19;
	v13 =	vsel vm5, v33, v13;
	v36 =	vsub.f32 v25, v20  }
0x38: {  	v30 =	vadd.f32 v27, v35;
	v25 =	vsel vm6, v21, v6;
	v6 =	vmovc v15;
	v28 =	vsub.f32 v31, v16  }
0x39: {  	s11 =	sadd.s32 $0x40, s11;
	s12 =	smov.u32 s15;
	v14 =	vsel vm5, v34, v14;
	v15 =	vmovc v24;
	v21 =	vmovc v23;
	v31 =	vsub.f32 v32, v17;
	v27 =	vand.u32 $0x7FFFFFFF, v36  }
0x3a: {  	_ = 	snop  }
0x3b: {  	v17 =	vand.u32 $0x7FFFFFFF, v28;
	v16 =	vand.u32 $0x7FFFFFFF, v31  }
0x3c: {  	v16 =	vadd.f32 v16, v17  }
0x3d: {  	v18 =	vsub.f32 v29, v18  }
0x3e: {  	v17 =	vadd.f32 v26, v30;
	v16 =	vadd.f32 v27, v16  }
0x3f: {  	v18 =	vand.u32 $0x7FFFFFFF, v18  }
0x40: {  	vm6 =	vlt.f32 v17, v19;
	v16 =	vadd.f32 v18, v16  }
0x41: {  	v18 =	vsel vm6, v17, v19  }
0x42: {  	v20 =	vsel vm6, v6, v23;
	vm5 =	vlt.f32 v16, v18  }
0x43: {  	v23 =	vsel vm5, v15, v20;
	v24 =	vsel vm5, v16, v18  }
0x44: {  	v26 =	vperm.xlane v24, v0;
	v27 =	vperm.xlane v23, v0;
	_ =	sdelay $0x1  }
0x45: {  	vm7 =	veq.f32 v26, v24;
	vm8 =	vlt.s32 v27, v23  }
0x46: {  	vm9 =	vlt.f32 v26, v24;
	vm7 =	vmand vm7, vm8  }
0x47: {  	vm7 =	vmor vm9, vm7  }
0x48: {  	v26 =	vsel vm7, v26, v24;
	v27 =	vsel vm7, v27, v23  }
0x49: {  	v28 =	vperm.xlane v26, v1;
	v29 =	vperm.xlane v27, v1;
	_ =	sdelay $0x1  }
0x4a: {  	vm7 =	veq.f32 v28, v26;
	vm14 =	vlt.s32 v29, v27  }
0x4b: {  	vm15 =	vlt.f32 v28, v26;
	vm7 =	vmand vm7, vm14  }
0x4c: {  	vm7 =	vmor vm15, vm7  }
0x4d: {  	v26 =	vsel vm7, v28, v26;
	v27 =	vsel vm7, v29, v27  }
0x4e: {  	v28 =	vperm.xlane v26, v2;
	v29 =	vperm.xlane v27, v2;
	_ =	sdelay $0x1  }
0x4f: {  	vm7 =	veq.f32 v28, v26;
	vm12 =	vlt.s32 v29, v27  }
0x50: {  	vm13 =	vlt.f32 v28, v26;
	vm7 =	vmand vm7, vm12  }
0x51: {  	vm7 =	vmor vm13, vm7  }
0x52: {  	v26 =	vsel vm7, v28, v26;
	v27 =	vsel vm7, v29, v27  }
0x53: {  	v22 =	vsel vm4, v22, v4;
	v4 =	vperm.xlane v26, v3;
	v28 =	vperm.xlane v27, v3  }
0x54: {  	v5 =	vsel vm4, v25, v5;
	v21 =	vsel vm6, v21, v6;
	v19 =	vsel vm6, v19, v17  }
0x55: {  	v18 =	vsel vm5, v18, v16;
	vm4 =	veq.f32 v4, v26;
	vm6 =	vlt.s32 v28, v27  }
0x56: {  	vm7 =	vlt.f32 v17, v22;
	vm14 =	vlt.f32 v4, v26;
	vm4 =	vmand vm4, vm6  }
0x57: {  	v20 =	vsel vm5, v20, v15;
	v19 =	vsel vm7, v19, v22;
	vm4 =	vmor vm14, vm4  }
0x58: {  	v21 =	vsel vm7, v21, v5;
	v25 =	vsel vm4, v4, v26;
	v4 =	vsel vm4, v28, v27  }
0x59: {  	vm6 =	vlt.f32 v16, v19;
	vm4 =	veq.f32 v24, v25;
	vm5 =	veq.s32 v23, v4  }
0x5a: {  	v18 =	vsel vm6, v18, v19;
	v20 =	vsel vm6, v20, v21;
	vm4 =	vmand vm4, vm5  }
0x5b: {  	v24 =	vsel vm4, v18, v24;
	v23 =	vsel vm4, v20, v23  }
0x5c: {  	v25 =	vperm.xlane v24, v0;
	v26 =	vperm.xlane v23, v0;
	_ =	sdelay $0x1  }
0x5d: {  	vm5 =	veq.f32 v25, v24;
	vm15 =	vlt.s32 v26, v23  }
0x5e: {  	vm12 =	vlt.f32 v25, v24;
	vm5 =	vmand vm5, vm15  }
0x5f: {  	vm5 =	vmor vm12, vm5  }
0x60: {  	v25 =	vsel vm5, v25, v24;
	v26 =	vsel vm5, v26, v23  }
0x61: {  	v27 =	vperm.xlane v25, v1;
	v28 =	vperm.xlane v26, v1;
	_ =	sdelay $0x1  }
0x62: {  	vm5 =	veq.f32 v27, v25;
	vm13 =	vlt.s32 v28, v26  }
0x63: {  	vm14 =	vlt.f32 v27, v25;
	vm5 =	vmand vm5, vm13  }
0x64: {  	vm5 =	vmor vm14, vm5  }
0x65: {  	v25 =	vsel vm5, v27, v25;
	v26 =	vsel vm5, v28, v26  }
0x66: {  	v27 =	vperm.xlane v25, v2;
	v28 =	vperm.xlane v26, v2;
	_ =	sdelay $0x1  }
0x67: {  	vm5 =	veq.f32 v27, v25;
	vm15 =	vlt.s32 v28, v26  }
0x68: {  	vm12 =	vlt.f32 v27, v25;
	vm5 =	vmand vm5, vm15  }
0x69: {  	vm8 =	vmor vm12, vm5  }
0x6a: {  	v25 =	vsel vm8, v27, v25;
	v26 =	vsel vm8, v28, v26  }
0x6b: {  	v22 =	vsel vm7, v22, v17;
	v27 =	vperm.xlane v25, v3;
	v28 =	vperm.xlane v26, v3  }
0x6c: {  	v5 =	vsel vm7, v5, v6;
	v21 =	vsel vm6, v21, v15;
	vm5 =	vlt.f32 v17, v13  }
0x6d: {  	v22 =	vsel vm5, v22, v13;
	vm13 =	veq.f32 v27, v25;
	vm14 =	vlt.s32 v28, v26  }
0x6e: {  	v29 =	vsel vm5, v5, v14;
	vm15 =	vlt.f32 v27, v25;
	vm8 =	vmand vm13, vm14  }
0x6f: {  	v5 =	vsel vm6, v19, v16;
	vm7 =	vlt.f32 v16, v22;
	vm6 =	vmor vm15, vm8  }
0x70: {  	v19 =	vsel vm7, v5, v22;
	v25 =	vsel vm6, v27, v25;
	v5 =	vsel vm6, v28, v26  }
0x71: {  	v21 =	vsel vm7, v21, v29;
	vm6 =	veq.f32 v24, v25;
	vm12 =	veq.s32 v23, v5  }
0x72: {  	v18 =	vsel vm4, v19, v18;
	v20 =	vsel vm4, v21, v20;
	vm6 =	vmand vm6, vm12  }
0x73: {  	v24 =	vsel vm6, v18, v24;
	v23 =	vsel vm6, v20, v23  }
0x74: {  	v25 =	vperm.xlane v24, v0;
	v26 =	vperm.xlane v23, v0;
	_ =	sdelay $0x1  }
0x75: {  	vm13 =	veq.f32 v25, v24;
	vm14 =	vlt.s32 v26, v23  }
0x76: {  	vm15 =	vlt.f32 v25, v24;
	vm8 =	vmand vm13, vm14  }
0x77: {  	vm8 =	vmor vm15, vm8  }
0x78: {  	v25 =	vsel vm8, v25, v24;
	v26 =	vsel vm8, v26, v23  }
0x79: {  	v27 =	vperm.xlane v25, v1;
	v28 =	vperm.xlane v26, v1;
	_ =	sdelay $0x1  }
0x7a: {  	vm12 =	veq.f32 v27, v25;
	vm13 =	vlt.s32 v28, v26  }
0x7b: {  	vm14 =	vlt.f32 v27, v25;
	vm8 =	vmand vm12, vm13  }
0x7c: {  	vm8 =	vmor vm14, vm8  }
0x7d: {  	v25 =	vsel vm8, v27, v25;
	v26 =	vsel vm8, v28, v26  }
0x7e: {  	v27 =	vperm.xlane v25, v2;
	v28 =	vperm.xlane v26, v2;
	_ =	sdelay $0x1  }
0x7f: {  	vm15 =	veq.f32 v27, v25;
	vm12 =	vlt.s32 v28, v26  }
0x80: {  	vm13 =	vlt.f32 v27, v25;
	vm8 =	vmand vm15, vm12  }
0x81: {  	v13 =	vsel vm5, v13, v17;
	vm8 =	vmor vm13, vm8  }
0x82: {  	v6 =	vsel vm5, v14, v6;
	v25 =	vsel vm8, v27, v25;
	v26 =	vsel vm8, v28, v26  }
0x83: {  	vm14 =	vlt.f32 v17, v11;
	v14 =	vperm.xlane v25, v3;
	v17 =	vperm.xlane v26, v3  }
0x84: {  	v11 =	vsel vm14, v13, v11;
	v6 =	vsel vm14, v6, v12;
	v12 =	vsel vm7, v22, v16  }
0x85: {  	v13 =	vsel vm7, v29, v15;
	vm5 =	veq.f32 v14, v25;
	vm7 =	vlt.s32 v17, v26  }
0x86: {  	vm15 =	vlt.f32 v16, v11;
	vm5 =	vmand vm5, vm7;
	vm7 =	vlt.f32 v14, v25  }
0x87: {  	v11 =	vsel vm15, v12, v11;
	v12 =	vsel vm15, v13, v6;
	vm5 =	vmor vm7, vm5  }
0x88: {  	v11 =	vsel vm4, v11, v19;
	v13 =	vsel vm5, v14, v25;
	v6 =	vsel vm5, v17, v26  }
0x89: {  	v12 =	vsel vm4, v12, v21;
	vm4 =	veq.f32 v24, v13;
	vm5 =	veq.s32 v23, v6  }
0x8a: {  	v11 =	vsel vm6, v11, v18;
	v12 =	vsel vm6, v12, v20;
	vm4 =	vmand vm4, vm5  }
0x8b: {  	v11 =	vsel vm4, v11, v24;
	v12 =	vsel vm4, v12, v23  }
0x8c: {  	v13 =	vperm.xlane v11, v0;
	v14 =	vperm.xlane v12, v0;
	_ =	sdelay $0x1  }
0x8d: {  	vm4 =	veq.f32 v13, v11;
	vm5 =	vlt.s32 v14, v12  }
0x8e: {  	vm6 =	vlt.f32 v13, v11;
	vm4 =	vmand vm4, vm5  }
0x8f: {  	vm4 =	vmor vm6, vm4  }
0x90: {  	s11 =	simm.s32 $0x0;
	s28 =	simm.s32 $0x10;
	v11 =	vsel vm4, v13, v11;
	v12 =	vsel vm4, v14, v12  }
0x91: {  	s13 =	simm.s32 $0x40;
	s12 =	sand.u32 $0x70, s11;
	s11 =	sand.u32 $0x7E00, s11;
	v13 =	vperm.xlane v11, v1;
	v14 =	vperm.xlane v12, v1  }
0x92: {  	s13 =	sand.u32 $0x7E00, s13;
	s11 =	sor.u32 s12, s11;
	s12 =	sand.u32 $0x70, s28  }
0x93: {  	s29 =	sor.u32 s12, s13;
	v15 =	vld [tilespmem:s11+$0x80];
	vm4 =	veq.f32 v13, v11;
	vm5 =	vlt.s32 v14, v12  }
0x94: {  	v21 =	vld [tilespmem:s29+$0x80];
	vm6 =	vlt.f32 v13, v11;
	vm4 =	vmand vm4, vm5  }
0x95: {  	v17 =	vld [tilespmem:s11+$0x100];
	vm4 =	vmor vm6, vm4  }
0x96: {  	v11 =	vsel vm4, v13, v11;
	v13 =	vld [tilespmem:s11+$0x0]  }
0x97: {  	v20 =	vld [tilespmem:s29+$0x0];
	v24 =	vbroadcast v10, $0x1  }
0x98: {  	v25 =	vbroadcast v8, $0x1;
	v23 =	vbroadcast v9, $0x1;
	v14 =	vsel vm4, v14, v12  }
0x99: {  	v15 =	vsub.f32 v15, v24;
	v12 =	vperm.xlane v11, v2;
	v16 =	vperm.xlane v14, v2  }
0x9a: {  	v18 =	vld [tilespmem:s11+$0x180];
	v26 =	vbroadcast v7, $0x1;
	v17 =	vsub.f32 v17, v25;
	v21 =	vsub.f32 v21, v24  }
0x9b: {  	vm4 =	veq.f32 v12, v11;
	vm5 =	vlt.s32 v16, v14;
	v13 =	vsub.f32 v13, v23  }
0x9c: {  	s30 =	simm.s32 $0x20;
	s31 =	simm.s32 $0x80;
	v19 =	vld [tilespmem:s29+$0x100];
	v20 =	vsub.f32 v20, v23;
	vm6 =	vlt.f32 v12, v11;
	vm4 =	vmand vm4, vm5  }
0x9d: {  	s12 =	sand.u32 $0x7E00, s31;
	v22 =	vld [tilespmem:s29+$0x180];
	v15 =	vand.u32 $0x7FFFFFFF, v15;
	s11 =	sand.u32 $0x70, s30;
	vm4 =	vmor vm6, vm4;
	v13 =	vand.u32 $0x7FFFFFFF, v13  }
0x9e: {  	s11 =	sor.u32 s11, s12;
	v12 =	vsel vm4, v12, v11;
	v11 =	vsel vm4, v16, v14;
	v16 =	vadd.f32 v15, v13  }
0x9f: {  	v18 =	vsub.f32 v18, v26;
	v17 =	vand.u32 $0x7FFFFFFF, v17;
	v34 =	vld [tilespmem:s11+$0x0]  }
0xa0: {  	v21 =	vand.u32 $0x7FFFFFFF, v21;
	v20 =	vand.u32 $0x7FFFFFFF, v20;
	v38 =	vld [tilespmem:s11+$0x80];
	v17 =	vadd.f32 v17, v16  }
0xa1: {  	v19 =	vsub.f32 v19, v25;
	v18 =	vand.u32 $0x7FFFFFFF, v18;
	v21 =	vadd.f32 v21, v20  }
0xa2: {  	v27 =	vadd.f32 v18, v17;
	v18 =	vsub.f32 v22, v26;
	v22 =	vld [tilespmem:s11+$0x100]  }
0xa3: {  	v32 =	vand.u32 $0x7FFFFFFF, v19  }
0xa4: {  	v28 =	vlaneseq.u32;
	v37 =	vadd.f32 v32, v21  }
0xa5: {  	v14 =	vperm.xlane v12, v3;
	v35 =	vsub.f32 v34, v23;
	v38 =	vsub.f32 v38, v24  }
0xa6: {  	v13 =	vperm.xlane v11, v3;
	v15 =	vimm.f32 $+Inf;
	v16 =	vimm.s32 $0x0  }
0xa7: {  	v17 =	vadd.s32 $0x10, v28;
	vm4 =	vlt.f32 v27, v15;
	v22 =	vsub.f32 v22, v25  }
0xa8: {  	v36 =	vld [tilespmem:s11+$0x180];
	v31 =	vadd.s32 $0x10, v17;
	v33 =	vand.u32 $0x7FFFFFFF, v18;
	v29 =	vsel vm4, v15, v27  }
0xa9: {  	v39 =	vsel vm4, v16, v28;
	v30 =	vsel vm4, v28, v16;
	v27 =	vsel vm4, v27, v15  }
0xaa: {  	v32 =	vsel vm4, v16, v28;
	v18 =	vsel vm4, v29, v15;
	v19 =	vsel vm4, v39, v16  }
0xab: {  	s12 =	simm.s32 $0x30;
	s11 =	simm.s32 $0xC0;
	v20 =	vsel vm4, v29, v15;
	v21 =	vsel vm4, v39, v16;
	v28 =	vmovc v30;
	v34 =	vand.u32 $0x7FFFFFFF, v22;
	v22 =	vmovc v31  }
.LBB2_4:
0xac: {  	s15 =	smov.u32 s12  }
0xad: {  	s13 =	sand.u32 $0x70, s12;
	s14 =	sand.u32 $0x7E00, s11;
	v36 =	vsub.f32 v36, v26;
	v37 =	vadd.f32 v33, v37;
	v15 =	vsel vm4, v29, v15;
	s15 =	sadd.s32 $0x10, s12  }
0xae: {  	p0 =	sne.s32 s12, $0x1FF0;
	v31 =	vadd.s32 $0x10, v31;
	v16 =	vsel vm4, v32, v16;
	s13 =	sor.u32 s13, s14;
	v29 =	vand.u32 $0x7FFFFFFF, v38  }
0xaf: {  	v33 =	vand.u32 $0x7FFFFFFF, v36;
	vm4 =	vlt.f32 v37, v15;
	vm5 =	vlt.f32 v37, v20;
	v32 =	vld [tilespmem:s13+$0x100]  }
0xb0: {  	vm6 =	vlt.f32 v37, v27;
	vm7 =	vlt.f32 v37, v18;
	v36 =	vsel vm5, v20, v37;
	v38 =	vld [tilespmem:s13+$0x0]  }
0xb1: {  	v40 =	vsel vm5, v21, v17;
	v41 =	vsel vm4, v16, v17;
	v18 =	vsel vm7, v36, v18;
	v39 =	vld [tilespmem:s13+$0x80]  }
.Ltmp1:
0xb2: {  	v35 =	vand.u32 $0x7FFFFFFF, v35;
	v19 =	vsel vm7, v40, v19;
	v40 =	vsel vm4, v15, v37;
	v36 =	vld [tilespmem:s13+$0x180];
	(pc) =	sbr.rel @p0 .LBB2_4-.Ltmp1, $4  }
0xb3: {  	v42 =	vadd.f32 v29, v35;
	v29 =	vsel vm6, v27, v37;
	v30 =	vsel vm6, v17, v30  }
0xb4: {  	v27 =	vsel vm6, v37, v27;
	v20 =	vsel vm5, v40, v20;
	v43 =	vsub.f32 v32, v25  }
0xb5: {  	v37 =	vadd.f32 v34, v42;
	v32 =	vsel vm6, v28, v17;
	v17 =	vmovc v22;
	v35 =	vsub.f32 v38, v23  }
0xb6: {  	s11 =	sadd.s32 $0x40, s11;
	s12 =	smov.u32 s15;
	v21 =	vsel vm5, v41, v21;
	v22 =	vmovc v31;
	v28 =	vmovc v30;
	v38 =	vsub.f32 v39, v24;
	v34 =	vand.u32 $0x7FFFFFFF, v43  }
0xb7: {  	_ = 	snop  }
0xb8: {  	v24 =	vand.u32 $0x7FFFFFFF, v35;
	v23 =	vand.u32 $0x7FFFFFFF, v38  }
0xb9: {  	v23 =	vadd.f32 v23, v24  }
0xba: {  	v25 =	vsub.f32 v36, v26  }
0xbb: {  	v24 =	vadd.f32 v33, v37;
	v23 =	vadd.f32 v34, v23  }
0xbc: {  	v25 =	vand.u32 $0x7FFFFFFF, v25  }
0xbd: {  	vm6 =	vlt.f32 v24, v27;
	v23 =	vadd.f32 v25, v23  }
0xbe: {  	v25 =	vsel vm6, v24, v27  }
0xbf: {  	v26 =	vsel vm6, v17, v30;
	vm5 =	vlt.f32 v23, v25  }
0xc0: {  	v30 =	vsel vm5, v22, v26;
	v31 =	vsel vm5, v23, v25  }
0xc1: {  	v46 =	vperm.xlane v31, v0;
	v47 =	vperm.xlane v30, v0;
	_ =	sdelay $0x1  }
0xc2: {  	vm7 =	veq.f32 v46, v31;
	vm8 =	vlt.s32 v47, v30  }
0xc3: {  	vm9 =	vlt.f32 v46, v31;
	vm7 =	vmand vm7, vm8  }
0xc4: {  	vm7 =	vmor vm9, vm7  }
0xc5: {  	v33 =	vsel vm7, v46, v31;
	v34 =	vsel vm7, v47, v30  }
0xc6: {  	v48 =	vperm.xlane v33, v1;
	v49 =	vperm.xlane v34, v1;
	_ =	sdelay $0x1  }
0xc7: {  	vm7 =	veq.f32 v48, v33;
	vm14 =	vlt.s32 v49, v34  }
0xc8: {  	vm15 =	vlt.f32 v48, v33;
	vm7 =	vmand vm7, vm14  }
0xc9: {  	vm7 =	vmor vm15, vm7  }
0xca: {  	v33 =	vsel vm7, v48, v33;
	v34 =	vsel vm7, v49, v34  }
0xcb: {  	v35 =	vperm.xlane v33, v2;
	v36 =	vperm.xlane v34, v2;
	_ =	sdelay $0x1  }
0xcc: {  	vm7 =	veq.f32 v35, v33;
	vm12 =	vlt.s32 v36, v34  }
0xcd: {  	vm13 =	vlt.f32 v35, v33;
	vm7 =	vmand vm7, vm12  }
0xce: {  	vm7 =	vmor vm13, vm7  }
0xcf: {  	v33 =	vsel vm7, v35, v33;
	v34 =	vsel vm7, v36, v34  }
0xd0: {  	v29 =	vsel vm4, v29, v15;
	v15 =	vperm.xlane v33, v3;
	v50 =	vperm.xlane v34, v3  }
0xd1: {  	v16 =	vsel vm4, v32, v16;
	v28 =	vsel vm6, v28, v17;
	v27 =	vsel vm6, v27, v24  }
0xd2: {  	v25 =	vsel vm5, v25, v23;
	vm4 =	veq.f32 v15, v33;
	vm6 =	vlt.s32 v50, v34  }
0xd3: {  	vm7 =	vlt.f32 v24, v29;
	vm14 =	vlt.f32 v15, v33;
	vm4 =	vmand vm4, vm6  }
0xd4: {  	v26 =	vsel vm5, v26, v22;
	v27 =	vsel vm7, v27, v29;
	vm4 =	vmor vm14, vm4  }
0xd5: {  	v28 =	vsel vm7, v28, v16;
	v51 =	vsel vm4, v15, v33;
	v15 =	vsel vm4, v50, v34  }
0xd6: {  	vm6 =	vlt.f32 v23, v27;
	vm4 =	veq.f32 v31, v51;
	vm5 =	veq.s32 v30, v15  }
0xd7: {  	v25 =	vsel vm6, v25, v27;
	v26 =	vsel vm6, v26, v28;
	vm4 =	vmand vm4, vm5  }
0xd8: {  	v31 =	vsel vm4, v25, v31;
	v30 =	vsel vm4, v26, v30  }
0xd9: {  	v52 =	vperm.xlane v31, v0;
	v53 =	vperm.xlane v30, v0;
	_ =	sdelay $0x1  }
0xda: {  	vm5 =	veq.f32 v52, v31;
	vm15 =	vlt.s32 v53, v30  }
0xdb: {  	vm12 =	vlt.f32 v52, v31;
	vm5 =	vmand vm5, vm15  }
0xdc: {  	vm5 =	vmor vm12, vm5  }
0xdd: {  	v32 =	vsel vm5, v52, v31;
	v33 =	vsel vm5, v53, v30  }
0xde: {  	v54 =	vperm.xlane v32, v1;
	v55 =	vperm.xlane v33, v1;
	_ =	sdelay $0x1  }
0xdf: {  	vm5 =	veq.f32 v54, v32;
	vm13 =	vlt.s32 v55, v33  }
0xe0: {  	vm14 =	vlt.f32 v54, v32;
	vm5 =	vmand vm5, vm13  }
0xe1: {  	vm5 =	vmor vm14, vm5  }
0xe2: {  	v32 =	vsel vm5, v54, v32;
	v33 =	vsel vm5, v55, v33  }
0xe3: {  	v34 =	vperm.xlane v32, v2;
	v35 =	vperm.xlane v33, v2;
	_ =	sdelay $0x1  }
0xe4: {  	vm5 =	veq.f32 v34, v32;
	vm15 =	vlt.s32 v35, v33  }
0xe5: {  	vm12 =	vlt.f32 v34, v32;
	vm5 =	vmand vm5, vm15  }
0xe6: {  	vm8 =	vmor vm12, vm5  }
0xe7: {  	v32 =	vsel vm8, v34, v32;
	v33 =	vsel vm8, v35, v33  }
0xe8: {  	v29 =	vsel vm7, v29, v24;
	v34 =	vperm.xlane v32, v3;
	v35 =	vperm.xlane v33, v3  }
0xe9: {  	v16 =	vsel vm7, v16, v17;
	v28 =	vsel vm6, v28, v22;
	vm5 =	vlt.f32 v24, v20  }
0xea: {  	v29 =	vsel vm5, v29, v20;
	vm13 =	veq.f32 v34, v32;
	vm14 =	vlt.s32 v35, v33  }
0xeb: {  	v56 =	vsel vm5, v16, v21;
	vm15 =	vlt.f32 v34, v32;
	vm8 =	vmand vm13, vm14  }
0xec: {  	v16 =	vsel vm6, v27, v23;
	vm7 =	vlt.f32 v23, v29;
	vm6 =	vmor vm15, vm8  }
0xed: {  	v27 =	vsel vm7, v16, v29;
	v32 =	vsel vm6, v34, v32;
	v16 =	vsel vm6, v35, v33  }
0xee: {  	v28 =	vsel vm7, v28, v56;
	vm6 =	veq.f32 v31, v32;
	vm12 =	veq.s32 v30, v16  }
0xef: {  	v25 =	vsel vm4, v27, v25;
	v26 =	vsel vm4, v28, v26;
	vm6 =	vmand vm6, vm12  }
0xf0: {  	v31 =	vsel vm6, v25, v31;
	v30 =	vsel vm6, v26, v30  }
0xf1: {  	v57 =	vperm.xlane v31, v0;
	v58 =	vperm.xlane v30, v0;
	_ =	sdelay $0x1  }
0xf2: {  	vm13 =	veq.f32 v57, v31;
	vm14 =	vlt.s32 v58, v30  }
0xf3: {  	vm15 =	vlt.f32 v57, v31;
	vm8 =	vmand vm13, vm14  }
0xf4: {  	vm8 =	vmor vm15, vm8  }
0xf5: {  	v32 =	vsel vm8, v57, v31;
	v33 =	vsel vm8, v58, v30  }
0xf6: {  	v59 =	vperm.xlane v32, v1;
	v60 =	vperm.xlane v33, v1;
	_ =	sdelay $0x1  }
0xf7: {  	vm12 =	veq.f32 v59, v32;
	vm13 =	vlt.s32 v60, v33  }
0xf8: {  	vm14 =	vlt.f32 v59, v32;
	vm8 =	vmand vm12, vm13  }
0xf9: {  	vm8 =	vmor vm14, vm8  }
0xfa: {  	v32 =	vsel vm8, v59, v32;
	v33 =	vsel vm8, v60, v33  }
0xfb: {  	v34 =	vperm.xlane v32, v2;
	v35 =	vperm.xlane v33, v2;
	_ =	sdelay $0x1  }
0xfc: {  	vm15 =	veq.f32 v34, v32;
	vm12 =	vlt.s32 v35, v33  }
0xfd: {  	vm13 =	vlt.f32 v34, v32;
	vm8 =	vmand vm15, vm12  }
0xfe: {  	v20 =	vsel vm5, v20, v24;
	vm8 =	vmor vm13, vm8  }
0xff: {  	v17 =	vsel vm5, v21, v17;
	v32 =	vsel vm8, v34, v32;
	v33 =	vsel vm8, v35, v33  }
0x100: {  	vm14 =	vlt.f32 v24, v18;
	v21 =	vperm.xlane v32, v3;
	v24 =	vperm.xlane v33, v3  }
0x101: {  	v18 =	vsel vm14, v20, v18;
	v17 =	vsel vm14, v17, v19;
	v19 =	vsel vm7, v29, v23  }
0x102: {  	v20 =	vsel vm7, v56, v22;
	vm5 =	veq.f32 v21, v32;
	vm7 =	vlt.s32 v24, v33  }
0x103: {  	vm15 =	vlt.f32 v23, v18;
	vm5 =	vmand vm5, vm7;
	vm7 =	vlt.f32 v21, v32  }
0x104: {  	v18 =	vsel vm15, v19, v18;
	v19 =	vsel vm15, v20, v17;
	vm5 =	vmor vm7, vm5  }
0x105: {  	v18 =	vsel vm4, v18, v27;
	v20 =	vsel vm5, v21, v32;
	v17 =	vsel vm5, v24, v33  }
0x106: {  	v19 =	vsel vm4, v19, v28;
	vm4 =	veq.f32 v31, v20;
	vm5 =	veq.s32 v30, v17  }
0x107: {  	v18 =	vsel vm6, v18, v25;
	v19 =	vsel vm6, v19, v26;
	vm4 =	vmand vm4, vm5  }
0x108: {  	v18 =	vsel vm4, v18, v31;
	v19 =	vsel vm4, v19, v30  }
0x109: {  	s11 =	simm.s32 $0x0;
	s28 =	simm.s32 $0x10;
	v20 =	vperm.xlane v18, v0;
	v21 =	vperm.xlane v19, v0  }
0x10a: {  	s13 =	simm.s32 $0x40;
	s12 =	sand.u32 $0x70, s11;
	s11 =	sand.u32 $0x7E00, s11  }
0x10b: {  	s13 =	sand.u32 $0x7E00, s13;
	s11 =	sor.u32 s12, s11;
	s12 =	sand.u32 $0x70, s28;
	vm4 =	veq.f32 v20, v18;
	vm5 =	vlt.s32 v21, v19  }
0x10c: {  	s29 =	sor.u32 s12, s13;
	vm6 =	vlt.f32 v20, v18;
	vm4 =	vmand vm4, vm5  }
0x10d: {  	v27 =	vld [tilespmem:s29+$0x0];
	vm4 =	vmor vm6, vm4  }
0x10e: {  	v28 =	vld [tilespmem:s29+$0x80];
	v18 =	vsel vm4, v20, v18;
	v19 =	vsel vm4, v21, v19  }
0x10f: {  	v25 =	vld [tilespmem:s11+$0x180];
	v20 =	vperm.xlane v18, v1;
	v21 =	vperm.xlane v19, v1  }
0x110: {  	v26 =	vld [tilespmem:s29+$0x100]  }
0x111: {  	v22 =	vld [tilespmem:s11+$0x80];
	v33 =	vbroadcast v7, $0x2;
	vm4 =	veq.f32 v20, v18;
	vm5 =	vlt.s32 v21, v19  }
0x112: {  	v31 =	vbroadcast v10, $0x2;
	vm6 =	vlt.f32 v20, v18;
	vm4 =	vmand vm4, vm5  }
0x113: {  	v24 =	vld [tilespmem:s11+$0x100];
	v32 =	vbroadcast v8, $0x2;
	v30 =	vbroadcast v9, $0x2;
	vm4 =	vmor vm6, vm4  }
0x114: {  	s30 =	simm.s32 $0x20;
	s31 =	simm.s32 $0x80;
	v25 =	vsub.f32 v25, v33;
	v28 =	vsub.f32 v28, v31;
	v18 =	vsel vm4, v20, v18;
	v20 =	vld [tilespmem:s11+$0x0]  }
0x115: {  	s12 =	sand.u32 $0x7E00, s31;
	v26 =	vsub.f32 v26, v32;
	v27 =	vsub.f32 v27, v30;
	s11 =	sand.u32 $0x70, s30  }
0x116: {  	v22 =	vsub.f32 v22, v31;
	v28 =	vand.u32 $0x7FFFFFFF, v28;
	v19 =	vsel vm4, v21, v19;
	s11 =	sor.u32 s11, s12  }
0x117: {  	v27 =	vand.u32 $0x7FFFFFFF, v27;
	v21 =	vperm.xlane v18, v2;
	v23 =	vperm.xlane v19, v2;
	v63 =	vld [tilespmem:s11+$0x100]  }
0x118: {  	v39 =	vand.u32 $0x7FFFFFFF, v26;
	v24 =	vsub.f32 v24, v32;
	v28 =	vadd.f32 v28, v27;
	v41 =	vld [tilespmem:s11+$0x0]  }
0x119: {  	v45 =	vld [tilespmem:s11+$0x80];
	vm4 =	veq.f32 v21, v18;
	vm5 =	vlt.s32 v23, v19;
	v20 =	vsub.f32 v20, v30  }
0x11a: {  	v22 =	vand.u32 $0x7FFFFFFF, v22;
	vm6 =	vlt.f32 v21, v18;
	vm4 =	vmand vm4, vm5  }
0x11b: {  	v61 =	vld [tilespmem:s29+$0x180];
	v44 =	vadd.f32 v39, v28;
	vm4 =	vmor vm6, vm4;
	v29 =	vand.u32 $0x7FFFFFFF, v20  }
0x11c: {  	v20 =	vsel vm4, v21, v18;
	v18 =	vsel vm4, v23, v19;
	v23 =	vadd.f32 v22, v29  }
0x11d: {  	v24 =	vand.u32 $0x7FFFFFFF, v24;
	v47 =	vsub.f32 v63, v32;
	v42 =	vsub.f32 v41, v30  }
0x11e: {  	v25 =	vand.u32 $0x7FFFFFFF, v25;
	v45 =	vsub.f32 v45, v31;
	v24 =	vadd.f32 v24, v23  }
0x11f: {  	v21 =	vperm.xlane v20, v3;
	v19 =	vperm.xlane v18, v3;
	v22 =	vimm.f32 $+Inf  }
0x120: {  	v29 =	vlaneseq.u32;
	v62 =	vadd.f32 v25, v24;
	v25 =	vsub.f32 v61, v33  }
0x121: {  	v41 =	vand.u32 $0x7FFFFFFF, v47;
	v23 =	vimm.s32 $0x0;
	v24 =	vadd.s32 $0x10, v29  }
0x122: {  	v43 =	vld [tilespmem:s11+$0x180];
	v38 =	vadd.s32 $0x10, v24;
	vm4 =	vlt.f32 v62, v22;
	v40 =	vand.u32 $0x7FFFFFFF, v25  }
0x123: {  	v36 =	vsel vm4, v22, v62;
	v46 =	vsel vm4, v23, v29;
	v37 =	vsel vm4, v29, v23  }
0x124: {  	v34 =	vsel vm4, v62, v22;
	v39 =	vsel vm4, v23, v29;
	v29 =	vmovc v38;
	v25 =	vsel vm4, v36, v22  }
0x125: {  	s12 =	simm.s32 $0x30;
	s11 =	simm.s32 $0xC0;
	v26 =	vsel vm4, v46, v23;
	v27 =	vsel vm4, v36, v22;
	v28 =	vsel vm4, v46, v23;
	v35 =	vmovc v37  }
.LBB2_6:
0x126: {  	s15 =	smov.u32 s12  }
0x127: {  	s13 =	sand.u32 $0x70, s12;
	s14 =	sand.u32 $0x7E00, s11;
	v43 =	vsub.f32 v43, v33;
	v44 =	vadd.f32 v40, v44;
	v22 =	vsel vm4, v36, v22;
	s15 =	sadd.s32 $0x10, s12  }
0x128: {  	p0 =	sne.s32 s12, $0x1FF0;
	v38 =	vadd.s32 $0x10, v38;
	v23 =	vsel vm4, v39, v23;
	s13 =	sor.u32 s13, s14;
	v36 =	vand.u32 $0x7FFFFFFF, v45  }
0x129: {  	v40 =	vand.u32 $0x7FFFFFFF, v43;
	vm4 =	vlt.f32 v44, v22;
	vm5 =	vlt.f32 v44, v27;
	v39 =	vld [tilespmem:s13+$0x100]  }
0x12a: {  	vm6 =	vlt.f32 v44, v34;
	vm7 =	vlt.f32 v44, v25;
	v43 =	vsel vm5, v27, v44;
	v45 =	vld [tilespmem:s13+$0x0]  }
0x12b: {  	v47 =	vsel vm5, v28, v24;
	v48 =	vsel vm4, v23, v24;
	v25 =	vsel vm7, v43, v25;
	v46 =	vld [tilespmem:s13+$0x80]  }
.Ltmp2:
0x12c: {  	v42 =	vand.u32 $0x7FFFFFFF, v42;
	v26 =	vsel vm7, v47, v26;
	v47 =	vsel vm4, v22, v44;
	v43 =	vld [tilespmem:s13+$0x180];
	(pc) =	sbr.rel @p0 .LBB2_6-.Ltmp2, $4  }
0x12d: {  	v49 =	vadd.f32 v36, v42;
	v36 =	vsel vm6, v34, v44;
	v37 =	vsel vm6, v24, v37  }
0x12e: {  	v34 =	vsel vm6, v44, v34;
	v27 =	vsel vm5, v47, v27;
	v50 =	vsub.f32 v39, v32  }
0x12f: {  	v44 =	vadd.f32 v41, v49;
	v39 =	vsel vm6, v35, v24;
	v24 =	vmovc v29;
	v42 =	vsub.f32 v45, v30  }
0x130: {  	s11 =	sadd.s32 $0x40, s11;
	s12 =	smov.u32 s15;
	v28 =	vsel vm5, v48, v28;
	v29 =	vmovc v38;
	v35 =	vmovc v37;
	v45 =	vsub.f32 v46, v31;
	v41 =	vand.u32 $0x7FFFFFFF, v50  }
0x131: {  	_ = 	snop  }
0x132: {  	v31 =	vand.u32 $0x7FFFFFFF, v42;
	v30 =	vand.u32 $0x7FFFFFFF, v45  }
0x133: {  	v30 =	vadd.f32 v30, v31  }
0x134: {  	v32 =	vsub.f32 v43, v33  }
0x135: {  	v31 =	vadd.f32 v40, v44;
	v30 =	vadd.f32 v41, v30  }
0x136: {  	v32 =	vand.u32 $0x7FFFFFFF, v32  }
0x137: {  	vm6 =	vlt.f32 v31, v34;
	v30 =	vadd.f32 v32, v30  }
0x138: {  	v57 =	vsel vm6, v31, v34  }
0x139: {  	v58 =	vsel vm6, v24, v37;
	vm5 =	vlt.f32 v30, v57  }
0x13a: {  	v37 =	vsel vm5, v29, v58;
	v38 =	vsel vm5, v30, v57  }
0x13b: {  	v59 =	vperm.xlane v38, v0;
	v60 =	vperm.xlane v37, v0;
	_ =	sdelay $0x1  }
0x13c: {  	vm7 =	veq.f32 v59, v38;
	vm8 =	vlt.s32 v60, v37  }
0x13d: {  	vm9 =	vlt.f32 v59, v38;
	vm7 =	vmand vm7, vm8  }
0x13e: {  	vm7 =	vmor vm9, vm7  }
0x13f: {  	v40 =	vsel vm7, v59, v38;
	v41 =	vsel vm7, v60, v37  }
0x140: {  	v61 =	vperm.xlane v40, v1;
	v62 =	vperm.xlane v41, v1;
	_ =	sdelay $0x1  }
0x141: {  	vm7 =	veq.f32 v61, v40;
	vm14 =	vlt.s32 v62, v41  }
0x142: {  	vm15 =	vlt.f32 v61, v40;
	vm7 =	vmand vm7, vm14  }
0x143: {  	vm7 =	vmor vm15, vm7  }
0x144: {  	v40 =	vsel vm7, v61, v40;
	v41 =	vsel vm7, v62, v41  }
0x145: {  	v42 =	vperm.xlane v40, v2;
	v43 =	vperm.xlane v41, v2;
	_ =	sdelay $0x1  }
0x146: {  	vm7 =	veq.f32 v42, v40;
	vm12 =	vlt.s32 v43, v41  }
0x147: {  	vm13 =	vlt.f32 v42, v40;
	vm7 =	vmand vm7, vm12  }
0x148: {  	vm7 =	vmor vm13, vm7  }
0x149: {  	v40 =	vsel vm7, v42, v40;
	v41 =	vsel vm7, v43, v41  }
0x14a: {  	v36 =	vsel vm4, v36, v22;
	v22 =	vperm.xlane v40, v3;
	v63 =	vperm.xlane v41, v3  }
0x14b: {  	v23 =	vsel vm4, v39, v23;
	v35 =	vsel vm6, v35, v24;
	v32 =	vsel vm5, v57, v30  }
0x14c: {  	v43 =	vsel vm6, v34, v31;
	vm4 =	veq.f32 v22, v40;
	vm6 =	vlt.s32 v63, v41  }
0x14d: {  	vm7 =	vlt.f32 v31, v36;
	vm14 =	vlt.f32 v22, v40;
	vm4 =	vmand vm4, vm6  }
0x14e: {  	v33 =	vsel vm5, v58, v29;
	v34 =	vsel vm7, v43, v36;
	vm4 =	vmor vm14, vm4  }
0x14f: {  	v35 =	vsel vm7, v35, v23;
	v44 =	vsel vm4, v22, v40;
	v22 =	vsel vm4, v63, v41  }
0x150: {  	vm6 =	vlt.f32 v30, v34;
	vm4 =	veq.f32 v38, v44;
	vm5 =	veq.s32 v37, v22  }
0x151: {  	v32 =	vsel vm6, v32, v34;
	v33 =	vsel vm6, v33, v35;
	vm4 =	vmand vm4, vm5  }
0x152: {  	v38 =	vsel vm4, v32, v38;
	v37 =	vsel vm4, v33, v37  }
0x153: {  	v45 =	vperm.xlane v38, v0;
	v46 =	vperm.xlane v37, v0;
	_ =	sdelay $0x1  }
0x154: {  	vm5 =	veq.f32 v45, v38;
	vm15 =	vlt.s32 v46, v37  }
0x155: {  	vm12 =	vlt.f32 v45, v38;
	vm5 =	vmand vm5, vm15  }
0x156: {  	vm5 =	vmor vm12, vm5  }
0x157: {  	v39 =	vsel vm5, v45, v38;
	v40 =	vsel vm5, v46, v37  }
0x158: {  	v47 =	vperm.xlane v39, v1;
	v48 =	vperm.xlane v40, v1;
	_ =	sdelay $0x1  }
0x159: {  	vm5 =	veq.f32 v47, v39;
	vm13 =	vlt.s32 v48, v40  }
0x15a: {  	vm14 =	vlt.f32 v47, v39;
	vm5 =	vmand vm5, vm13  }
0x15b: {  	vm5 =	vmor vm14, vm5  }
0x15c: {  	v39 =	vsel vm5, v47, v39;
	v40 =	vsel vm5, v48, v40  }
0x15d: {  	v41 =	vperm.xlane v39, v2;
	v42 =	vperm.xlane v40, v2;
	_ =	sdelay $0x1  }
0x15e: {  	vm5 =	veq.f32 v41, v39;
	vm15 =	vlt.s32 v42, v40  }
0x15f: {  	vm12 =	vlt.f32 v41, v39;
	vm5 =	vmand vm5, vm15  }
0x160: {  	vm8 =	vmor vm12, vm5  }
0x161: {  	v39 =	vsel vm8, v41, v39;
	v40 =	vsel vm8, v42, v40  }
0x162: {  	v36 =	vsel vm7, v36, v31;
	v41 =	vperm.xlane v39, v3;
	v42 =	vperm.xlane v40, v3  }
0x163: {  	v23 =	vsel vm7, v23, v24;
	v35 =	vsel vm6, v35, v29;
	vm5 =	vlt.f32 v31, v27  }
0x164: {  	v36 =	vsel vm5, v36, v27;
	vm13 =	veq.f32 v41, v39;
	vm14 =	vlt.s32 v42, v40  }
0x165: {  	v49 =	vsel vm5, v23, v28;
	vm15 =	vlt.f32 v41, v39;
	vm8 =	vmand vm13, vm14  }
0x166: {  	v23 =	vsel vm6, v34, v30;
	vm7 =	vlt.f32 v30, v36;
	vm6 =	vmor vm15, vm8  }
0x167: {  	v34 =	vsel vm7, v23, v36;
	v39 =	vsel vm6, v41, v39;
	v23 =	vsel vm6, v42, v40  }
0x168: {  	v35 =	vsel vm7, v35, v49;
	vm6 =	veq.f32 v38, v39;
	vm12 =	veq.s32 v37, v23  }
0x169: {  	v32 =	vsel vm4, v34, v32;
	v33 =	vsel vm4, v35, v33;
	vm6 =	vmand vm6, vm12  }
0x16a: {  	v38 =	vsel vm6, v32, v38;
	v37 =	vsel vm6, v33, v37  }
0x16b: {  	v50 =	vperm.xlane v38, v0;
	v51 =	vperm.xlane v37, v0;
	_ =	sdelay $0x1  }
0x16c: {  	vm13 =	veq.f32 v50, v38;
	vm14 =	vlt.s32 v51, v37  }
0x16d: {  	vm15 =	vlt.f32 v50, v38;
	vm8 =	vmand vm13, vm14  }
0x16e: {  	vm8 =	vmor vm15, vm8  }
0x16f: {  	v39 =	vsel vm8, v50, v38;
	v40 =	vsel vm8, v51, v37  }
0x170: {  	v52 =	vperm.xlane v39, v1;
	v53 =	vperm.xlane v40, v1;
	_ =	sdelay $0x1  }
0x171: {  	vm12 =	veq.f32 v52, v39;
	vm13 =	vlt.s32 v53, v40  }
0x172: {  	vm14 =	vlt.f32 v52, v39;
	vm8 =	vmand vm12, vm13  }
0x173: {  	vm8 =	vmor vm14, vm8  }
0x174: {  	v39 =	vsel vm8, v52, v39;
	v40 =	vsel vm8, v53, v40  }
0x175: {  	v41 =	vperm.xlane v39, v2;
	v42 =	vperm.xlane v40, v2;
	_ =	sdelay $0x1  }
0x176: {  	vm15 =	veq.f32 v41, v39;
	vm12 =	vlt.s32 v42, v40  }
0x177: {  	vm13 =	vlt.f32 v41, v39;
	vm8 =	vmand vm15, vm12  }
0x178: {  	v27 =	vsel vm5, v27, v31;
	vm8 =	vmor vm13, vm8  }
0x179: {  	v24 =	vsel vm5, v28, v24;
	v39 =	vsel vm8, v41, v39;
	v40 =	vsel vm8, v42, v40  }
0x17a: {  	vm14 =	vlt.f32 v31, v25;
	v28 =	vperm.xlane v39, v3;
	v31 =	vperm.xlane v40, v3  }
0x17b: {  	v25 =	vsel vm14, v27, v25;
	v24 =	vsel vm14, v24, v26;
	v26 =	vsel vm7, v36, v30  }
0x17c: {  	v27 =	vsel vm7, v49, v29;
	vm5 =	veq.f32 v28, v39;
	vm7 =	vlt.s32 v31, v40  }
0x17d: {  	vm15 =	vlt.f32 v30, v25;
	vm5 =	vmand vm5, vm7;
	vm7 =	vlt.f32 v28, v39  }
0x17e: {  	v25 =	vsel vm15, v26, v25;
	v26 =	vsel vm15, v27, v24;
	vm5 =	vmor vm7, vm5  }
0x17f: {  	v25 =	vsel vm4, v25, v34;
	v27 =	vsel vm5, v28, v39;
	v24 =	vsel vm5, v31, v40  }
0x180: {  	v26 =	vsel vm4, v26, v35;
	vm4 =	veq.f32 v38, v27;
	vm5 =	veq.s32 v37, v24  }
0x181: {  	v25 =	vsel vm6, v25, v32;
	v26 =	vsel vm6, v26, v33;
	vm4 =	vmand vm4, vm5  }
0x182: {  	v25 =	vsel vm4, v25, v38;
	v26 =	vsel vm4, v26, v37  }
0x183: {  	v27 =	vperm.xlane v25, v0;
	v28 =	vperm.xlane v26, v0  }
0x184: {  	s11 =	simm.s32 $0x0;
	s28 =	simm.s32 $0x10  }
0x185: {  	s13 =	simm.s32 $0x40;
	s12 =	sand.u32 $0x70, s11;
	s11 =	sand.u32 $0x7E00, s11;
	vm4 =	veq.f32 v27, v25;
	vm5 =	vlt.s32 v28, v26  }
0x186: {  	s13 =	sand.u32 $0x7E00, s13;
	s11 =	sor.u32 s12, s11;
	s12 =	sand.u32 $0x70, s28;
	vm6 =	vlt.f32 v27, v25;
	vm4 =	vmand vm4, vm5  }
0x187: {  	s29 =	sor.u32 s12, s13;
	vm4 =	vmor vm6, vm4  }
0x188: {  	v55 =	vld [tilespmem:s29+$0x100];
	v25 =	vsel vm4, v27, v25;
	v26 =	vsel vm4, v28, v26  }
0x189: {  	v54 =	vld [tilespmem:s11+$0x180];
	v27 =	vperm.xlane v25, v1;
	v28 =	vperm.xlane v26, v1  }
0x18a: {  	v57 =	vld [tilespmem:s29+$0x80]  }
0x18b: {  	v29 =	vld [tilespmem:s11+$0x80];
	v39 =	vbroadcast v8, $0x3;
	vm4 =	veq.f32 v27, v25;
	vm5 =	vlt.s32 v28, v26  }
0x18c: {  	v31 =	vld [tilespmem:s11+$0x100];
	vm6 =	vlt.f32 v27, v25;
	vm4 =	vmand vm4, vm5  }
0x18d: {  	v56 =	vld [tilespmem:s29+$0x0];
	v40 =	vbroadcast v7, $0x3;
	v33 =	vsub.f32 v55, v39;
	vm4 =	vmor vm6, vm4  }
0x18e: {  	v60 =	vlaneseq.u32;
	v38 =	vbroadcast v10, $0x3;
	v25 =	vsel vm4, v27, v25;
	v27 =	vld [tilespmem:s11+$0x0]  }
0x18f: {  	s30 =	simm.s32 $0x20;
	s31 =	simm.s32 $0x80;
	v32 =	vsub.f32 v54, v40;
	v37 =	vbroadcast v9, $0x3;
	v46 =	vand.u32 $0x7FFFFFFF, v33  }
0x190: {  	s12 =	sand.u32 $0x7E00, s31;
	v29 =	vsub.f32 v29, v38;
	v35 =	vsub.f32 v57, v38;
	v26 =	vsel vm4, v28, v26;
	s11 =	sand.u32 $0x70, s30  }
0x191: {  	v59 =	vld [tilespmem:s29+$0x180];
	v31 =	vsub.f32 v31, v39;
	v28 =	vperm.xlane v25, v2;
	v30 =	vperm.xlane v26, v2;
	s11 =	sor.u32 s11, s12  }
0x192: {  	v34 =	vsub.f32 v56, v37;
	v29 =	vand.u32 $0x7FFFFFFF, v29;
	v35 =	vand.u32 $0x7FFFFFFF, v35;
	v63 =	vld [tilespmem:s11+$0x100]  }
0x193: {  	v48 =	vld [tilespmem:s11+$0x0];
	vm4 =	veq.f32 v28, v25;
	vm5 =	vlt.s32 v30, v26;
	v27 =	vsub.f32 v27, v37  }
0x194: {  	v34 =	vand.u32 $0x7FFFFFFF, v34;
	v52 =	vld [tilespmem:s11+$0x80];
	vm6 =	vlt.f32 v28, v25;
	vm4 =	vmand vm4, vm5  }
0x195: {  	v35 =	vadd.f32 v35, v34;
	vm4 =	vmor vm6, vm4;
	v58 =	vand.u32 $0x7FFFFFFF, v27  }
0x196: {  	v27 =	vsel vm4, v28, v25;
	v25 =	vsel vm4, v30, v26;
	v30 =	vadd.f32 v29, v58  }
0x197: {  	v62 =	vsub.f32 v59, v40;
	v31 =	vand.u32 $0x7FFFFFFF, v31;
	v51 =	vadd.f32 v46, v35  }
0x198: {  	v32 =	vand.u32 $0x7FFFFFFF, v32;
	v54 =	vsub.f32 v63, v39;
	v31 =	vadd.f32 v31, v30  }
0x199: {  	v47 =	vand.u32 $0x7FFFFFFF, v62;
	v49 =	vsub.f32 v48, v37;
	v52 =	vsub.f32 v52, v38  }
0x19a: {  	v28 =	vperm.xlane v27, v3;
	v26 =	vperm.xlane v25, v3;
	v61 =	vadd.f32 v32, v31  }
0x19b: {  	v29 =	vimm.f32 $+Inf;
	v48 =	vand.u32 $0x7FFFFFFF, v54;
	v31 =	vadd.s32 $0x10, v60  }
0x19c: {  	v50 =	vld [tilespmem:s11+$0x180];
	v30 =	vimm.s32 $0x0;
	v45 =	vadd.s32 $0x10, v31;
	vm4 =	vlt.f32 v61, v29  }
0x19d: {  	v43 =	vsel vm4, v29, v61;
	v53 =	vsel vm4, v30, v60;
	v44 =	vsel vm4, v60, v30  }
0x19e: {  	v36 =	vmovc v45;
	v41 =	vsel vm4, v61, v29;
	v46 =	vsel vm4, v30, v60;
	v32 =	vsel vm4, v43, v29  }
0x19f: {  	s12 =	simm.s32 $0x30;
	s11 =	simm.s32 $0xC0;
	v33 =	vsel vm4, v53, v30;
	v34 =	vsel vm4, v43, v29;
	v35 =	vsel vm4, v53, v30;
	v42 =	vmovc v44  }
.LBB2_8:
0x1a0: {  	s15 =	smov.u32 s12  }
0x1a1: {  	s13 =	sand.u32 $0x70, s12;
	s14 =	sand.u32 $0x7E00, s11;
	v50 =	vsub.f32 v50, v40;
	v51 =	vadd.f32 v47, v51;
	v29 =	vsel vm4, v43, v29;
	s15 =	sadd.s32 $0x10, s12  }
0x1a2: {  	p0 =	sne.s32 s12, $0x1FF0;
	v45 =	vadd.s32 $0x10, v45;
	v30 =	vsel vm4, v46, v30;
	s13 =	sor.u32 s13, s14;
	v43 =	vand.u32 $0x7FFFFFFF, v52  }
0x1a3: {  	v47 =	vand.u32 $0x7FFFFFFF, v50;
	vm4 =	vlt.f32 v51, v29;
	vm5 =	vlt.f32 v51, v34;
	v46 =	vld [tilespmem:s13+$0x100]  }
0x1a4: {  	vm6 =	vlt.f32 v51, v41;
	vm7 =	vlt.f32 v51, v32;
	v50 =	vsel vm5, v34, v51;
	v52 =	vld [tilespmem:s13+$0x0]  }
0x1a5: {  	v54 =	vsel vm5, v35, v31;
	v55 =	vsel vm4, v30, v31;
	v32 =	vsel vm7, v50, v32;
	v53 =	vld [tilespmem:s13+$0x80]  }
.Ltmp3:
0x1a6: {  	v49 =	vand.u32 $0x7FFFFFFF, v49;
	v33 =	vsel vm7, v54, v33;
	v54 =	vsel vm4, v29, v51;
	v50 =	vld [tilespmem:s13+$0x180];
	(pc) =	sbr.rel @p0 .LBB2_8-.Ltmp3, $4  }
0x1a7: {  	v56 =	vadd.f32 v43, v49;
	v43 =	vsel vm6, v41, v51;
	v44 =	vsel vm6, v31, v44  }
0x1a8: {  	v41 =	vsel vm6, v51, v41;
	v34 =	vsel vm5, v54, v34;
	v57 =	vsub.f32 v46, v39  }
0x1a9: {  	v51 =	vadd.f32 v48, v56;
	v46 =	vsel vm6, v42, v31;
	v31 =	vmovc v36;
	v49 =	vsub.f32 v52, v37  }
0x1aa: {  	s11 =	sadd.s32 $0x40, s11;
	s12 =	smov.u32 s15;
	v35 =	vsel vm5, v55, v35;
	v36 =	vmovc v45;
	v42 =	vmovc v44;
	v52 =	vsub.f32 v53, v38;
	v48 =	vand.u32 $0x7FFFFFFF, v57  }
0x1ab: {  	_ = 	snop  }
0x1ac: {  	v38 =	vand.u32 $0x7FFFFFFF, v49;
	v37 =	vand.u32 $0x7FFFFFFF, v52  }
0x1ad: {  	v37 =	vadd.f32 v37, v38  }
0x1ae: {  	v39 =	vsub.f32 v50, v40  }
0x1af: {  	v38 =	vadd.f32 v47, v51;
	v37 =	vadd.f32 v48, v37  }
0x1b0: {  	v39 =	vand.u32 $0x7FFFFFFF, v39  }
0x1b1: {  	vm6 =	vlt.f32 v38, v41;
	v37 =	vadd.f32 v39, v37  }
0x1b2: {  	v59 =	vsel vm6, v38, v41  }
0x1b3: {  	v60 =	vsel vm6, v31, v44;
	vm5 =	vlt.f32 v37, v59  }
0x1b4: {  	v44 =	vsel vm5, v36, v60;
	v45 =	vsel vm5, v37, v59  }
0x1b5: {  	v61 =	vperm.xlane v45, v0;
	v62 =	vperm.xlane v44, v0;
	_ =	sdelay $0x1  }
0x1b6: {  	vm7 =	veq.f32 v61, v45;
	vm8 =	vlt.s32 v62, v44  }
0x1b7: {  	vm9 =	vlt.f32 v61, v45;
	vm7 =	vmand vm7, vm8  }
0x1b8: {  	vm7 =	vmor vm9, vm7  }
0x1b9: {  	v47 =	vsel vm7, v61, v45;
	v48 =	vsel vm7, v62, v44  }
0x1ba: {  	v63 =	vperm.xlane v47, v1;
	v52 =	vperm.xlane v48, v1;
	_ =	sdelay $0x1  }
0x1bb: {  	vm7 =	veq.f32 v63, v47;
	vm14 =	vlt.s32 v52, v48  }
0x1bc: {  	vm15 =	vlt.f32 v63, v47;
	vm7 =	vmand vm7, vm14  }
0x1bd: {  	vm7 =	vmor vm15, vm7  }
0x1be: {  	v47 =	vsel vm7, v63, v47;
	v48 =	vsel vm7, v52, v48  }
0x1bf: {  	v49 =	vperm.xlane v47, v2;
	v50 =	vperm.xlane v48, v2;
	_ =	sdelay $0x1  }
0x1c0: {  	vm7 =	veq.f32 v49, v47;
	vm12 =	vlt.s32 v50, v48  }
0x1c1: {  	vm13 =	vlt.f32 v49, v47;
	vm7 =	vmand vm7, vm12  }
0x1c2: {  	vm7 =	vmor vm13, vm7  }
0x1c3: {  	v47 =	vsel vm7, v49, v47;
	v48 =	vsel vm7, v50, v48  }
0x1c4: {  	v43 =	vsel vm4, v43, v29;
	v29 =	vperm.xlane v47, v3;
	v53 =	vperm.xlane v48, v3  }
0x1c5: {  	v30 =	vsel vm4, v46, v30;
	v54 =	vsel vm6, v41, v38;
	v42 =	vsel vm6, v42, v31  }
0x1c6: {  	v39 =	vsel vm5, v59, v37;
	vm4 =	veq.f32 v29, v47;
	vm6 =	vlt.s32 v53, v48  }
0x1c7: {  	vm7 =	vlt.f32 v38, v43;
	vm14 =	vlt.f32 v29, v47;
	vm4 =	vmand vm4, vm6  }
0x1c8: {  	v40 =	vsel vm5, v60, v36;
	v41 =	vsel vm7, v54, v43;
	vm4 =	vmor vm14, vm4  }
0x1c9: {  	v42 =	vsel vm7, v42, v30;
	v55 =	vsel vm4, v29, v47;
	v29 =	vsel vm4, v53, v48  }
0x1ca: {  	vm6 =	vlt.f32 v37, v41;
	vm4 =	veq.f32 v45, v55;
	vm5 =	veq.s32 v44, v29  }
0x1cb: {  	v39 =	vsel vm6, v39, v41;
	v40 =	vsel vm6, v40, v42;
	vm4 =	vmand vm4, vm5  }
0x1cc: {  	v45 =	vsel vm4, v39, v45;
	v44 =	vsel vm4, v40, v44  }
0x1cd: {  	v56 =	vperm.xlane v45, v0;
	v57 =	vperm.xlane v44, v0;
	_ =	sdelay $0x1  }
0x1ce: {  	vm5 =	veq.f32 v56, v45;
	vm15 =	vlt.s32 v57, v44  }
0x1cf: {  	vm12 =	vlt.f32 v56, v45;
	vm5 =	vmand vm5, vm15  }
0x1d0: {  	vm5 =	vmor vm12, vm5  }
0x1d1: {  	v46 =	vsel vm5, v56, v45;
	v47 =	vsel vm5, v57, v44  }
0x1d2: {  	v58 =	vperm.xlane v46, v1;
	v59 =	vperm.xlane v47, v1;
	_ =	sdelay $0x1  }
0x1d3: {  	vm5 =	veq.f32 v58, v46;
	vm13 =	vlt.s32 v59, v47  }
0x1d4: {  	vm14 =	vlt.f32 v58, v46;
	vm5 =	vmand vm5, vm13  }
0x1d5: {  	vm5 =	vmor vm14, vm5  }
0x1d6: {  	v46 =	vsel vm5, v58, v46;
	v47 =	vsel vm5, v59, v47  }
0x1d7: {  	v48 =	vperm.xlane v46, v2;
	v49 =	vperm.xlane v47, v2;
	_ =	sdelay $0x1  }
0x1d8: {  	vm5 =	veq.f32 v48, v46;
	vm15 =	vlt.s32 v49, v47  }
0x1d9: {  	vm12 =	vlt.f32 v48, v46;
	vm5 =	vmand vm5, vm15  }
0x1da: {  	vm8 =	vmor vm12, vm5  }
0x1db: {  	v46 =	vsel vm8, v48, v46;
	v47 =	vsel vm8, v49, v47  }
0x1dc: {  	v43 =	vsel vm7, v43, v38;
	v48 =	vperm.xlane v46, v3;
	v49 =	vperm.xlane v47, v3  }
0x1dd: {  	v30 =	vsel vm7, v30, v31;
	v42 =	vsel vm6, v42, v36;
	vm5 =	vlt.f32 v38, v34  }
0x1de: {  	v43 =	vsel vm5, v43, v34;
	vm13 =	veq.f32 v48, v46;
	vm14 =	vlt.s32 v49, v47  }
0x1df: {  	v60 =	vsel vm5, v30, v35;
	vm15 =	vlt.f32 v48, v46;
	vm8 =	vmand vm13, vm14  }
0x1e0: {  	v30 =	vsel vm6, v41, v37;
	vm7 =	vlt.f32 v37, v43;
	vm6 =	vmor vm15, vm8  }
0x1e1: {  	v41 =	vsel vm7, v30, v43;
	v46 =	vsel vm6, v48, v46;
	v30 =	vsel vm6, v49, v47  }
0x1e2: {  	v42 =	vsel vm7, v42, v60;
	vm6 =	veq.f32 v45, v46;
	vm12 =	veq.s32 v44, v30  }
0x1e3: {  	v39 =	vsel vm4, v41, v39;
	v40 =	vsel vm4, v42, v40;
	vm6 =	vmand vm6, vm12  }
0x1e4: {  	v45 =	vsel vm6, v39, v45;
	v44 =	vsel vm6, v40, v44  }
0x1e5: {  	v61 =	vperm.xlane v45, v0;
	v62 =	vperm.xlane v44, v0;
	_ =	sdelay $0x1  }
0x1e6: {  	vm13 =	veq.f32 v61, v45;
	vm14 =	vlt.s32 v62, v44  }
0x1e7: {  	vm15 =	vlt.f32 v61, v45;
	vm8 =	vmand vm13, vm14  }
0x1e8: {  	vm8 =	vmor vm15, vm8  }
0x1e9: {  	v46 =	vsel vm8, v61, v45;
	v47 =	vsel vm8, v62, v44  }
0x1ea: {  	v63 =	vperm.xlane v46, v1;
	v52 =	vperm.xlane v47, v1;
	_ =	sdelay $0x1  }
0x1eb: {  	vm12 =	veq.f32 v63, v46;
	vm13 =	vlt.s32 v52, v47  }
0x1ec: {  	vm14 =	vlt.f32 v63, v46;
	vm8 =	vmand vm12, vm13  }
0x1ed: {  	vm8 =	vmor vm14, vm8  }
0x1ee: {  	v46 =	vsel vm8, v63, v46;
	v47 =	vsel vm8, v52, v47  }
0x1ef: {  	v48 =	vperm.xlane v46, v2;
	v49 =	vperm.xlane v47, v2;
	_ =	sdelay $0x1  }
0x1f0: {  	vm15 =	veq.f32 v48, v46;
	vm12 =	vlt.s32 v49, v47  }
0x1f1: {  	vm13 =	vlt.f32 v48, v46;
	vm8 =	vmand vm15, vm12  }
0x1f2: {  	v53 =	vsel vm5, v34, v38;
	vm8 =	vmor vm13, vm8  }
0x1f3: {  	v31 =	vsel vm5, v35, v31;
	v46 =	vsel vm8, v48, v46;
	v47 =	vsel vm8, v49, v47  }
0x1f4: {  	vm14 =	vlt.f32 v38, v32;
	v54 =	vperm.xlane v46, v3;
	v55 =	vperm.xlane v47, v3  }
0x1f5: {  	v56 =	vsel vm7, v43, v37;
	v57 =	vsel vm7, v60, v36;
	v32 =	vsel vm14, v53, v32  }
0x1f6: {  	v31 =	vsel vm14, v31, v33;
	vm5 =	veq.f32 v54, v46;
	vm7 =	vlt.s32 v55, v47  }
0x1f7: {  	vm15 =	vlt.f32 v37, v32;
	vm5 =	vmand vm5, vm7;
	vm7 =	vlt.f32 v54, v46  }
0x1f8: {  	v32 =	vsel vm15, v56, v32;
	v58 =	vsel vm15, v57, v31;
	vm5 =	vmor vm7, vm5  }
0x1f9: {  	v32 =	vsel vm4, v32, v41;
	v59 =	vsel vm5, v54, v46;
	v31 =	vsel vm5, v55, v47  }
0x1fa: {  	v33 =	vsel vm4, v58, v42;
	vm4 =	veq.f32 v45, v59;
	vm5 =	veq.s32 v44, v31  }
0x1fb: {  	s11 =	simm.s32 $0x0;
	v32 =	vsel vm6, v32, v39;
	v33 =	vsel vm6, v33, v40;
	vm4 =	vmand vm4, vm5  }
0x1fc: {  	s12 =	sand.u32 $0x70, s11;
	s11 =	sand.u32 $0x7E00, s11;
	v32 =	vsel vm4, v32, v45;
	v33 =	vsel vm4, v33, v44  }
0x1fd: {  	s11 =	sor.u32 s12, s11;
	v60 =	vperm.xlane v32, v0;
	v61 =	vperm.xlane v33, v0  }
0x1fe: {  	v51 =	vld [tilespmem:s11+$0x180]  }
0x1ff: {  	v50 =	vld [tilespmem:s11+$0x100];
	vm4 =	veq.f32 v60, v32;
	vm5 =	vlt.s32 v61, v33  }
0x200: {  	v43 =	vbroadcast v7, $0x4;
	v62 =	vld [tilespmem:s11+$0x0];
	vm6 =	vlt.f32 v60, v32;
	vm4 =	vmand vm4, vm5  }
0x201: {  	s28 =	simm.s32 $0x10;
	s13 =	simm.s32 $0x40;
	v48 =	vld [tilespmem:s11+$0x80];
	v41 =	vbroadcast v10, $0x4;
	v42 =	vbroadcast v8, $0x4;
	vm4 =	vmor vm6, vm4  }
0x202: {  	s13 =	sand.u32 $0x7E00, s13;
	s12 =	sand.u32 $0x70, s28;
	v40 =	vbroadcast v9, $0x4;
	v32 =	vsel vm4, v60, v32;
	v33 =	vsel vm4, v61, v33  }
0x203: {  	s29 =	sor.u32 s12, s13;
	v37 =	vlaneseq.u32;
	v34 =	vperm.xlane v32, v1;
	v35 =	vperm.xlane v33, v1  }
0x204: {  	v58 =	vsub.f32 v51, v43;
	v39 =	vimm.s32 $0x0;
	v38 =	vsub.f32 v50, v42;
	v54 =	vld [tilespmem:s29+$0x80]  }
0x205: {  	s30 =	simm.s32 $0x20;
	s31 =	simm.s32 $0x80;
	v8 =	vsub.f32 v62, v40;
	vm4 =	veq.f32 v34, v32;
	vm5 =	vlt.s32 v35, v33  }
0x206: {  	s12 =	sand.u32 $0x7E00, s31;
	v52 =	vld [tilespmem:s29+$0x100];
	s11 =	sand.u32 $0x70, s30;
	v9 =	vsub.f32 v48, v41;
	vm6 =	vlt.f32 v34, v32;
	vm4 =	vmand vm4, vm5  }
0x207: {  	v53 =	vld [tilespmem:s29+$0x0];
	s11 =	sor.u32 s11, s12;
	v57 =	vand.u32 $0x7FFFFFFF, v38;
	v8 =	vand.u32 $0x7FFFFFFF, v8;
	vm4 =	vmor vm6, vm4  }
0x208: {  	v10 =	vand.u32 $0x7FFFFFFF, v9;
	v61 =	vld [tilespmem:s11+$0x100];
	v32 =	vsel vm4, v34, v32;
	v33 =	vsel vm4, v35, v33  }
0x209: {  	v44 =	vsub.f32 v54, v41;
	v63 =	vperm.xlane v32, v2;
	v49 =	vperm.xlane v33, v2  }
0x20a: {  	v38 =	vimm.f32 $+Inf;
	v59 =	vand.u32 $0x7FFFFFFF, v58;
	v56 =	vadd.f32 v10, v8  }
0x20b: {  	v55 =	vld [tilespmem:s29+$0x180];
	v44 =	vand.u32 $0x7FFFFFFF, v44;
	vm4 =	veq.f32 v63, v32;
	vm5 =	vlt.s32 v49, v33  }
0x20c: {  	v60 =	vsub.f32 v53, v40;
	vm6 =	vlt.f32 v63, v32;
	vm4 =	vmand vm4, vm5  }
0x20d: {  	v36 =	vsub.f32 v61, v42;
	v34 =	vsub.f32 v52, v42;
	vm4 =	vmor vm6, vm4  }
0x20e: {  	v35 =	vand.u32 $0x7FFFFFFF, v60;
	v9 =	vsel vm4, v63, v32;
	v32 =	vadd.f32 v57, v56  }
0x20f: {  	v53 =	vadd.f32 v44, v35;
	v51 =	vand.u32 $0x7FFFFFFF, v36;
	v62 =	vand.u32 $0x7FFFFFFF, v34;
	v63 =	vld [tilespmem:s11+$0x0]  }
0x210: {  	v7 =	vsel vm4, v49, v33;
	v33 =	vsub.f32 v55, v43;
	v55 =	vld [tilespmem:s11+$0x80];
	v45 =	vadd.f32 v59, v32  }
0x211: {  	v54 =	vadd.f32 v62, v53;
	v10 =	vperm.xlane v9, v3;
	v8 =	vperm.xlane v7, v3  }
0x212: {  	v32 =	vadd.s32 $0x10, v37;
	v50 =	vand.u32 $0x7FFFFFFF, v33;
	vm4 =	vlt.f32 v45, v38  }
0x213: {  	v53 =	vld [tilespmem:s11+$0x180];
	v48 =	vadd.s32 $0x10, v32;
	v46 =	vsel vm4, v38, v45;
	v56 =	vsel vm4, v39, v37  }
0x214: {  	v47 =	vsel vm4, v37, v39;
	v44 =	vsel vm4, v45, v38;
	v52 =	vsub.f32 v63, v40  }
0x215: {  	v36 =	vmovc v48;
	v49 =	vsel vm4, v39, v37;
	v55 =	vsub.f32 v55, v41;
	v34 =	vsel vm4, v46, v38  }
0x216: {  	s12 =	simm.s32 $0x30;
	s11 =	simm.s32 $0xC0;
	v33 =	vsel vm4, v56, v39;
	v35 =	vsel vm4, v46, v38;
	v37 =	vsel vm4, v56, v39;
	v45 =	vmovc v47  }
.LBB2_10:
0x217: {  	s15 =	smov.u32 s12  }
0x218: {  	s13 =	sand.u32 $0x70, s12;
	s14 =	sand.u32 $0x7E00, s11;
	v53 =	vsub.f32 v53, v43;
	v54 =	vadd.f32 v50, v54;
	v38 =	vsel vm4, v46, v38;
	s15 =	sadd.s32 $0x10, s12  }
0x219: {  	p0 =	sne.s32 s12, $0x1FF0;
	v48 =	vadd.s32 $0x10, v48;
	v39 =	vsel vm4, v49, v39;
	s13 =	sor.u32 s13, s14;
	v46 =	vand.u32 $0x7FFFFFFF, v55  }
0x21a: {  	v50 =	vand.u32 $0x7FFFFFFF, v53;
	vm4 =	vlt.f32 v54, v38;
	vm5 =	vlt.f32 v54, v35;
	v49 =	vld [tilespmem:s13+$0x100]  }
0x21b: {  	vm6 =	vlt.f32 v54, v44;
	vm7 =	vlt.f32 v54, v34;
	v53 =	vsel vm5, v35, v54;
	v55 =	vld [tilespmem:s13+$0x0]  }
0x21c: {  	v57 =	vsel vm5, v37, v32;
	v58 =	vsel vm4, v39, v32;
	v34 =	vsel vm7, v53, v34;
	v56 =	vld [tilespmem:s13+$0x80]  }
.Ltmp4:
0x21d: {  	v52 =	vand.u32 $0x7FFFFFFF, v52;
	v33 =	vsel vm7, v57, v33;
	v57 =	vsel vm4, v38, v54;
	v53 =	vld [tilespmem:s13+$0x180];
	(pc) =	sbr.rel @p0 .LBB2_10-.Ltmp4, $4  }
0x21e: {  	v59 =	vadd.f32 v46, v52;
	v46 =	vsel vm6, v44, v54;
	v47 =	vsel vm6, v32, v47  }
0x21f: {  	v44 =	vsel vm6, v54, v44;
	v35 =	vsel vm5, v57, v35;
	v60 =	vsub.f32 v49, v42  }
0x220: {  	v54 =	vadd.f32 v51, v59;
	v49 =	vsel vm6, v45, v32;
	v32 =	vmovc v36;
	v52 =	vsub.f32 v55, v40  }
0x221: {  	s11 =	sadd.s32 $0x40, s11;
	s12 =	smov.u32 s15;
	v37 =	vsel vm5, v58, v37;
	v36 =	vmovc v48;
	v45 =	vmovc v47;
	v55 =	vsub.f32 v56, v41;
	v51 =	vand.u32 $0x7FFFFFFF, v60  }
0x222: {  	_ = 	snop  }
0x223: {  	v41 =	vand.u32 $0x7FFFFFFF, v52;
	v40 =	vand.u32 $0x7FFFFFFF, v55  }
0x224: {  	v40 =	vadd.f32 v40, v41  }
0x225: {  	v42 =	vsub.f32 v53, v43  }
0x226: {  	v41 =	vadd.f32 v50, v54;
	v40 =	vadd.f32 v51, v40  }
0x227: {  	v42 =	vand.u32 $0x7FFFFFFF, v42  }
0x228: {  	vm5 =	vlt.f32 v41, v44;
	v40 =	vadd.f32 v42, v40  }
0x229: {  	v59 =	vsel vm5, v41, v44  }
0x22a: {  	v43 =	vsel vm5, v32, v47;
	vm7 =	vlt.f32 v40, v59  }
0x22b: {  	v47 =	vsel vm7, v36, v43;
	v48 =	vsel vm7, v40, v59  }
0x22c: {  	v60 =	vperm.xlane v48, v0;
	v61 =	vperm.xlane v47, v0;
	_ =	sdelay $0x1  }
0x22d: {  	vm6 =	veq.f32 v60, v48;
	vm8 =	vlt.s32 v61, v47  }
0x22e: {  	vm9 =	vlt.f32 v60, v48;
	vm6 =	vmand vm6, vm8  }
0x22f: {  	vm6 =	vmor vm9, vm6  }
0x230: {  	v50 =	vsel vm6, v60, v48;
	v51 =	vsel vm6, v61, v47  }
0x231: {  	v62 =	vperm.xlane v50, v1;
	v63 =	vperm.xlane v51, v1;
	_ =	sdelay $0x1  }
0x232: {  	vm13 =	veq.f32 v62, v50;
	vm14 =	vlt.s32 v63, v51  }
0x233: {  	vm15 =	vlt.f32 v62, v50;
	vm6 =	vmand vm13, vm14  }
0x234: {  	vm6 =	vmor vm15, vm6  }
0x235: {  	v50 =	vsel vm6, v62, v50;
	v51 =	vsel vm6, v63, v51  }
0x236: {  	v52 =	vperm.xlane v50, v2;
	v53 =	vperm.xlane v51, v2;
	_ =	sdelay $0x1  }
0x237: {  	vm12 =	veq.f32 v52, v50;
	vm13 =	vlt.s32 v53, v51  }
0x238: {  	vm14 =	vlt.f32 v52, v50;
	vm6 =	vmand vm12, vm13  }
0x239: {  	vm6 =	vmor vm14, vm6  }
0x23a: {  	v50 =	vsel vm6, v52, v50;
	v51 =	vsel vm6, v53, v51  }
0x23b: {  	v46 =	vsel vm4, v46, v38;
	v56 =	vperm.xlane v50, v3;
	v57 =	vperm.xlane v51, v3  }
0x23c: {  	v39 =	vsel vm4, v49, v39;
	v58 =	vsel vm5, v44, v41;
	v45 =	vsel vm5, v45, v32  }
0x23d: {  	v42 =	vsel vm7, v59, v40;
	vm4 =	veq.f32 v56, v50;
	vm5 =	vlt.s32 v57, v51  }
0x23e: {  	vm6 =	vlt.f32 v41, v46;
	vm15 =	vlt.f32 v56, v50;
	vm4 =	vmand vm4, vm5  }
0x23f: {  	v43 =	vsel vm7, v43, v36;
	v44 =	vsel vm6, v58, v46;
	vm4 =	vmor vm15, vm4  }
0x240: {  	v45 =	vsel vm6, v45, v39;
	v59 =	vsel vm4, v56, v50;
	v38 =	vsel vm4, v57, v51  }
0x241: {  	vm5 =	vlt.f32 v40, v44;
	vm4 =	veq.f32 v48, v59;
	vm11 =	veq.s32 v47, v38  }
0x242: {  	v42 =	vsel vm5, v42, v44;
	v43 =	vsel vm5, v43, v45;
	vm4 =	vmand vm4, vm11  }
0x243: {  	v48 =	vsel vm4, v42, v48;
	v47 =	vsel vm4, v43, v47  }
0x244: {  	v60 =	vperm.xlane v48, v0;
	v61 =	vperm.xlane v47, v0;
	_ =	sdelay $0x1  }
0x245: {  	vm12 =	veq.f32 v60, v48;
	vm13 =	vlt.s32 v61, v47  }
0x246: {  	vm14 =	vlt.f32 v60, v48;
	vm7 =	vmand vm12, vm13  }
0x247: {  	vm7 =	vmor vm14, vm7  }
0x248: {  	v49 =	vsel vm7, v60, v48;
	v50 =	vsel vm7, v61, v47  }
0x249: {  	v62 =	vperm.xlane v49, v1;
	v63 =	vperm.xlane v50, v1;
	_ =	sdelay $0x1  }
0x24a: {  	vm15 =	veq.f32 v62, v49;
	vm12 =	vlt.s32 v63, v50  }
0x24b: {  	vm13 =	vlt.f32 v62, v49;
	vm7 =	vmand vm15, vm12  }
0x24c: {  	vm7 =	vmor vm13, vm7  }
0x24d: {  	v49 =	vsel vm7, v62, v49;
	v50 =	vsel vm7, v63, v50  }
0x24e: {  	v51 =	vperm.xlane v49, v2;
	v52 =	vperm.xlane v50, v2;
	_ =	sdelay $0x1  }
0x24f: {  	vm14 =	veq.f32 v51, v49;
	vm15 =	vlt.s32 v52, v50  }
0x250: {  	vm12 =	vlt.f32 v51, v49;
	vm7 =	vmand vm14, vm15  }
0x251: {  	vm8 =	vmor vm12, vm7  }
0x252: {  	v49 =	vsel vm8, v51, v49;
	v50 =	vsel vm8, v52, v50  }
0x253: {  	v46 =	vsel vm6, v46, v41;
	v51 =	vperm.xlane v49, v3;
	v52 =	vperm.xlane v50, v3  }
0x254: {  	v39 =	vsel vm6, v39, v32;
	v45 =	vsel vm5, v45, v36;
	v55 =	vsel vm5, v44, v40  }
0x255: {  	vm7 =	vlt.f32 v41, v35;
	vm13 =	veq.f32 v51, v49;
	vm14 =	vlt.s32 v52, v50  }
0x256: {  	v46 =	vsel vm7, v46, v35;
	vm15 =	vlt.f32 v51, v49;
	vm8 =	vmand vm13, vm14  }
0x257: {  	v53 =	vsel vm7, v39, v37;
	vm6 =	vlt.f32 v40, v46;
	vm5 =	vmor vm15, vm8  }
0x258: {  	v44 =	vsel vm6, v55, v46;
	v49 =	vsel vm5, v51, v49;
	v39 =	vsel vm5, v52, v50  }
0x259: {  	v45 =	vsel vm6, v45, v53;
	vm5 =	veq.f32 v48, v49;
	vm12 =	veq.s32 v47, v39  }
0x25a: {  	v42 =	vsel vm4, v44, v42;
	v43 =	vsel vm4, v45, v43;
	vm5 =	vmand vm5, vm12  }
0x25b: {  	v48 =	vsel vm5, v42, v48;
	v47 =	vsel vm5, v43, v47  }
0x25c: {  	v56 =	vperm.xlane v48, v0;
	v57 =	vperm.xlane v47, v0;
	_ =	sdelay $0x1  }
0x25d: {  	vm13 =	veq.f32 v56, v48;
	vm14 =	vlt.s32 v57, v47  }
0x25e: {  	vm15 =	vlt.f32 v56, v48;
	vm8 =	vmand vm13, vm14  }
0x25f: {  	vm8 =	vmor vm15, vm8  }
0x260: {  	v49 =	vsel vm8, v56, v48;
	v50 =	vsel vm8, v57, v47  }
0x261: {  	v58 =	vperm.xlane v49, v1;
	v59 =	vperm.xlane v50, v1;
	_ =	sdelay $0x1  }
0x262: {  	vm12 =	veq.f32 v58, v49;
	vm13 =	vlt.s32 v59, v50  }
0x263: {  	vm14 =	vlt.f32 v58, v49;
	vm8 =	vmand vm12, vm13  }
0x264: {  	vm8 =	vmor vm14, vm8  }
0x265: {  	v49 =	vsel vm8, v58, v49;
	v50 =	vsel vm8, v59, v50  }
0x266: {  	v61 =	vperm.xlane v49, v2;
	v62 =	vperm.xlane v50, v2  }
0x267: {  	v60 =	vsel vm7, v35, v41;
	v63 =	vsel vm7, v37, v32;
	v37 =	vsel vm6, v46, v40  }
0x268: {  	vm15 =	vlt.f32 v41, v34;
	vm12 =	veq.f32 v61, v49;
	vm13 =	vlt.s32 v62, v50  }
0x269: {  	v34 =	vsel vm15, v60, v34;
	vm14 =	vlt.f32 v61, v49;
	vm7 =	vmand vm12, vm13  }
0x26a: {  	v32 =	vsel vm15, v63, v33;
	vm15 =	vlt.f32 v40, v34;
	vm7 =	vmor vm14, vm7  }
0x26b: {  	v33 =	vsel vm15, v37, v34;
	v46 =	vsel vm7, v61, v49;
	v49 =	vsel vm7, v62, v50  }
0x26c: {  	v33 =	vsel vm4, v33, v44;
	v51 =	vperm.xlane v46, v3;
	v52 =	vperm.xlane v49, v3  }
0x26d: {  	vm10 =	veq.f32 v28, v27;
	vm11 =	veq.f32 v14, v12;
	v33 =	vsel vm5, v33, v42  }
0x26e: {  	v50 =	vsel vm6, v53, v36;
	vm13 =	veq.f32 v51, v46;
	vm14 =	vlt.s32 v52, v49  }
0x26f: {  	v32 =	vsel vm15, v50, v32;
	vm15 =	vlt.f32 v51, v46;
	vm7 =	vmand vm13, vm14  }
0x270: {  	vm12 =	vlt.s32 v13, v11;
	v32 =	vsel vm4, v32, v45;
	vm4 =	vmor vm15, vm7  }
0x271: {  	vm6 =	vmand vm11, vm12;
	v34 =	vsel vm4, v51, v46;
	v35 =	vsel vm4, v52, v49  }
0x272: {  	v32 =	vsel vm5, v32, v43;
	vm4 =	veq.f32 v48, v34;
	vm5 =	veq.s32 v47, v35  }
0x273: {  	vm12 =	vmmov $0x1;
	vm11 =	vlt.s32 v26, v25;
	vm4 =	vmand vm4, vm5  }
0x274: {  	v4 =	vnsel vm12, $0x0, v4;
	v53 =	vsel vm4, v33, v48;
	v54 =	vsel vm4, v32, v47  }
0x275: {  	vm5 =	vlt.f32 v14, v12;
	v56 =	vperm.xlane v53, v0;
	v32 =	vperm.xlane v54, v0  }
0x276: {  	v5 =	vnsel vm12, $0x0, v5;
	v6 =	vnsel vm12, $0x0, v6;
	vm5 =	vmor vm5, vm6  }
0x277: {  	v55 =	vsel vm5, v13, v11;
	vm4 =	veq.f32 v56, v53;
	vm5 =	vlt.s32 v32, v54  }
0x278: {  	v4 =	vsel vm0, v4, v15;
	vm14 =	vlt.f32 v56, v53;
	vm4 =	vmand vm4, vm5  }
0x279: {  	vm13 =	vlt.f32 v21, v20;
	vm15 =	vlt.s32 v19, v18;
	vm4 =	vmor vm14, vm4  }
0x27a: {  	vm5 =	veq.f32 v21, v20;
	v12 =	vsel vm4, v56, v53;
	v57 =	vsel vm4, v32, v54  }
0x27b: {  	vm5 =	vmand vm5, vm15;
	v58 =	vperm.xlane v12, v1;
	v59 =	vperm.xlane v57, v1  }
0x27c: {  	v5 =	vsel vm0, v5, v16;
	v6 =	vsel vm0, v6, v17;
	vm4 =	vmor vm13, vm5  }
0x27d: {  	v60 =	vsel vm4, v19, v18;
	vm4 =	veq.f32 v58, v12;
	vm5 =	vlt.s32 v59, v57  }
0x27e: {  	v4 =	vsel vm1, v4, v22;
	vm9 =	vlt.f32 v58, v12;
	vm4 =	vmand vm4, vm5  }
0x27f: {  	v5 =	vsel vm1, v5, v23;
	v6 =	vsel vm1, v6, v24;
	vm4 =	vmor vm9, vm4  }
0x280: {  	vm5 =	vlt.f32 v28, v27;
	v12 =	vsel vm4, v58, v12;
	v13 =	vsel vm4, v59, v57  }
0x281: {  	vm4 =	vmand vm10, vm11;
	v14 =	vperm.xlane v12, v2;
	v15 =	vperm.xlane v13, v2  }
0x282: {  	v4 =	vsel vm2, v4, v29;
	v5 =	vsel vm2, v5, v30;
	vm4 =	vmor vm5, vm4  }
0x283: {  	v61 =	vsel vm4, v26, v25;
	vm4 =	veq.f32 v14, v12;
	vm5 =	vlt.s32 v15, v13  }
0x284: {  	v11 =	vnsel vm12, $0x0, v55;
	vm12 =	vlt.f32 v14, v12;
	vm4 =	vmand vm4, vm5  }
0x285: {  	v6 =	vsel vm2, v6, v31;
	v4 =	vsel vm3, v4, v38;
	vm4 =	vmor vm12, vm4  }
0x286: {  	v5 =	vsel vm3, v5, v39;
	v12 =	vsel vm4, v14, v12;
	v13 =	vsel vm4, v15, v13  }
0x287: {  	vm13 =	vlt.f32 v10, v9;
	v14 =	vperm.xlane v12, v3;
	v15 =	vperm.xlane v13, v3  }
0x288: {  	v11 =	vsel vm0, v11, v60;
	vm5 =	veq.f32 v10, v9;
	vm4 =	vlt.s32 v8, v7  }
0x289: {  	vm4 =	vmand vm5, vm4;
	vm5 =	veq.f32 v14, v12;
	vm14 =	vlt.s32 v15, v13  }
0x28a: {  	vm4 =	vmor vm13, vm4;
	vm15 =	vlt.f32 v14, v12;
	vm5 =	vmand vm5, vm14  }
0x28b: {  	[tilespmem:$0x8200] =	vst v4;
	v11 =	vsel vm1, v11, v61;
	v62 =	vsel vm4, v8, v7;
	vm4 =	vmor vm15, vm5  }
0x28c: {  	s10 =	sadd.s32 $0x1, s10;
	[tilespmem:$0x8280] =	vst v5;
	v6 =	vsel vm3, v6, v35;
	v4 =	vsel vm2, v11, v62;
	v63 =	vsel vm4, v15, v13  }
0x28d: {  	p0 =	sne.s32 s10, s6;
	[tilespmem:$0x8300] =	vst v6;
	v4 =	vsel vm3, v4, v63  }
.Ltmp5:
0x28e: {  	[tilespmem:$0x8380] =	vst v4;
	(pc) =	sbr.rel @p0 .LBB2_1-.Ltmp5, $4  }
0x28f: {  	[hbm4b:s5+s3] =	stream.linear.scatter [tilespmem:s9], [sflag:$0x1], $0x200, $0x38;
	[tilespmem:$0x8400] =	vst v63  }
0x290: {  	_ =	swait.ge [sflag:s7], $0x200  }
0x291: {  	[sflag:s7] =	ssyncset.done $0x0  }
0x292: {  	[sflag:s7] =	ssyncadd.s32 $0xFFFFFE00  }
0x293: {  	_ =	sfence.sel $0x180000  }
0x294: {  	[bflag:$0x0] =	sbarrier.arrive $0xFFFF  }
0x295: {  	p0 =	sne.s32 s0, $0x0;
	_ =	strace $0x90000047  }
0x296: {  	s0 =	sadd.s32 @!p0 $0x100000, s2;
	[bflag:$0x2] =	sbarrier.arrive $0xFFFF  }
0x297: {  	[sflag:s0] =	ssyncadd.tile.s32 @!p0 $0x1;
	_ =	shalt  }
.Lfunc_end2:
_tile_overlayer_lowered:
.L_overlay_start_2:
0x298: {  	(tag) =	ssettag $0x2  }
0x299: {  	s0 =	rddreg [dreg:$0x0];
	s2 =	stileid.u32  }
0x29a: {  	s1 =	rddreg [dreg:$0x1];
	p0 =	sne.s32 s2, $0x0  }
0x29b: {  	s3 =	rddreg [dreg:$0x2];
	[bflag:$0x3] =	sbarrier.arrive $0xFFFF;
	s2 =	simm.s32 @!p0 $0x1C01  }
0x29c: {  	[timem:s3], [sflag:s2] =	dma.local @!p0 [hbm:s0], s1  }
0x29d: {  	s0 =	simm.s32 @!p0 $0x1  }
0x29e: {  	_ =	swait.ge @!p0 [sflag:s0], s1  }
0x29f: {  	s1 =	ssub.s32 @!p0 $0x0, s1;
	[sflag:s0] =	ssyncset.done @!p0 $0x0  }
0x2a0: {  	[sflag:s0] =	ssyncadd.s32 @!p0 s1  }
0x2a1: {  	[bflag:$0x3] =	sbarrier.arrive $0xFFFF  }
0x2a2: {  	_ =	shalt  }

</sc_bundles>
